<compile_context>
chip_gen: v7x
topology: tpu7x:2x2x1
jax: 0.10.2.dev20260603
libtpu: 0.0.44.dev20260713+nightly
codegen_flags: <defaults>
</compile_context>

<pallas_src>
import functools

import jax
import jax.numpy as jnp
from jax import lax
from jax.experimental import pallas as pl
from jax.experimental.pallas import tpu as pltpu
from jax.experimental.pallas import tpu_sc as plsc

N = 10000
E = 320000
H = 128
BN_EPS_ = 1e-3
BROW = 144
NC, NS = 2, 16
HALF = 5120
AROW = 5248
RPT = AROW // NS
CH = 48
NCHUNK = 418
EPT = NCHUNK * CH
EPAD = NS * EPT


def _tables_body(a_ref, wi_ref, wj_ref, pi_ref, pj_ref):
    a = a_ref[...]
    pi_ref[...] = jnp.dot(a, wi_ref[...], preferred_element_type=jnp.float32)
    pj_ref[...] = jnp.dot(a, wj_ref[...], preferred_element_type=jnp.float32)


def _tc_tables(atom, wi, wj):
    bm = 2000
    return pl.pallas_call(
        _tables_body,
        grid=(N // bm,),
        in_specs=[
            pl.BlockSpec((bm, H), lambda i: (i, 0)),
            pl.BlockSpec((H, H), lambda i: (0, 0)),
            pl.BlockSpec((H, H), lambda i: (0, 0)),
        ],
        out_specs=[
            pl.BlockSpec((bm, H), lambda i: (i, 0)),
            pl.BlockSpec((bm, H), lambda i: (i, 0)),
        ],
        out_shape=[jax.ShapeDtypeStruct((N, H), jnp.float32)] * 2,
    )(atom, wi, wj)


def _bmat_body(bond_ref, wb_ref, bias_ref, out_ref):
    out_ref[...] = (
        jnp.dot(bond_ref[...], wb_ref[...], preferred_element_type=jnp.float32)
        + bias_ref[...]
    )


def _tc_bmat(bond, wb, bias):
    bm = 2560
    return pl.pallas_call(
        _bmat_body,
        grid=(E // bm,),
        in_specs=[
            pl.BlockSpec((bm, H), lambda i: (i, 0)),
            pl.BlockSpec((H, BROW), lambda i: (0, 0)),
            pl.BlockSpec((1, BROW), lambda i: (0, 0)),
        ],
        out_specs=pl.BlockSpec((bm, BROW), lambda i: (i, 0)),
        out_shape=jax.ShapeDtypeStruct((E, BROW), jnp.float32),
    )(bond, wb, bias)


def _sc_edge(pi, pj, gp, bmat, ii, jj, zeros):
    mesh = plsc.VectorSubcoreMesh(core_axis_name="c", subcore_axis_name="s")

    @functools.partial(
        pl.kernel,
        mesh=mesh,
        out_type=jax.ShapeDtypeStruct((NC, AROW, H), jnp.float32),
        scratch_types=[
            [pltpu.VMEM((CH,), jnp.int32)] * 3
            + [pltpu.VMEM((CH, H), jnp.float32)] * 2
            + [pltpu.VMEM((CH, BROW), jnp.float32)]
            + [pltpu.VMEM((CH, H), jnp.float32)]
            + [pltpu.SemaphoreType.DMA] * 4
            + [pltpu.VMEM((CH, 16), jnp.float32)]
            + [pltpu.SemaphoreType.DMA] * 2,
            [pltpu.VMEM((CH,), jnp.int32)] * 3
            + [pltpu.VMEM((CH, H), jnp.float32)] * 2
            + [pltpu.VMEM((CH, BROW), jnp.float32)]
            + [pltpu.VMEM((CH, H), jnp.float32)]
            + [pltpu.SemaphoreType.DMA] * 4
            + [pltpu.VMEM((CH, 16), jnp.float32)]
            + [pltpu.SemaphoreType.DMA] * 2,
            pltpu.VMEM((N,), jnp.int32),
            pltpu.VMEM_SHARED((AROW, H), jnp.float32),
        ],
        compiler_params=pltpu.CompilerParams(needs_layout_passes=False),
    )
    def k(pi_hbm, pj_hbm, gp_hbm, b_hbm, ii_hbm, jj_hbm, z_hbm,
          out_hbm, bufA, bufB, gpv, acc):
        c = lax.axis_index("c")
        s = lax.axis_index("s")
        nbase = c * HALF

        pltpu.sync_copy(gp_hbm, gpv)

        rbase = s * RPT
        pltpu.sync_copy(z_hbm, acc.at[pl.ds(rbase, RPT), :])
        plsc.subcore_barrier()

        ebase0 = s * EPT

        def ebase(t):
            return ebase0 + t * CH

        def issue_idx(t, buf):
            pltpu.async_copy(ii_hbm.at[pl.ds(ebase(t), CH)], buf[0], buf[12])
            pltpu.async_copy(jj_hbm.at[pl.ds(ebase(t), CH)], buf[1], buf[13])

        def wait_idx(buf):
            pltpu.make_async_copy(ii_hbm.at[pl.ds(0, CH)], buf[0],
                                  buf[12]).wait()
            pltpu.make_async_copy(jj_hbm.at[pl.ds(0, CH)], buf[1],
                                  buf[13]).wait()

        def issue_gath(t, buf):
            iiv, jjv, _, ri, rj, bv = buf[:6]
            pltpu.async_copy(pi_hbm.at[iiv], ri, buf[7])
            pltpu.async_copy(pj_hbm.at[jjv], rj, buf[8])
            bb = jnp.minimum(ebase(t), E - CH)
            pltpu.async_copy(b_hbm.at[pl.ds(bb, CH), :], bv, buf[9])

        def wait_gath(buf):
            iiv, jjv, _, ri, rj, bv = buf[:6]
            pltpu.make_async_copy(pi_hbm.at[iiv], ri, buf[7]).wait()
            pltpu.make_async_copy(pj_hbm.at[jjv], rj, buf[8]).wait()
            pltpu.make_async_copy(b_hbm.at[pl.ds(0, CH), :], bv,
                                  buf[9]).wait()

        def transform(t, buf):
            iiv, scv = buf[0], buf[2]
            eb = ebase(t)
            for b in range(CH // 16):
                sl = pl.ds(b * 16, 16)
                v = iiv[sl] - nbase
                valid = (eb + b * 16 + lax.iota(jnp.int32, 16)) < E
                own = (v >= 0) & (v < HALF) & valid
                scv[sl] = jnp.where(own, v, HALF)

        def compute(buf):
            iiv, jjv, _, ri, rj, bv, msg = buf[:7]
            gbuf = buf[11]
            for gb in range(CH // 16):
                base = gb * 16
                idi = iiv[pl.ds(base, 16)]
                idj = jjv[pl.ds(base, 16)]
                erow = base + lax.iota(jnp.int32, 16)
                colg = jnp.full((16,), H, dtype=jnp.int32)
                wi = plsc.load_gather(gpv, [idi])
                wj = plsc.load_gather(gpv, [idj])
                gi16 = plsc.bitcast(wi & jnp.int32(-65536), jnp.float32)
                gj16 = plsc.bitcast(
                    lax.shift_left(wj, jnp.int32(16)), jnp.float32)
                g16 = gi16 + gj16 + plsc.load_gather(bv, [erow, colg])
                for kk in range(16):
                    gbuf[base + kk, :] = jnp.zeros((16,), jnp.float32) + g16[kk]

            @plsc.parallel_loop(0, CH, 1, unroll=4)
            def edge_body(e):
                gv = gbuf[e, :]
                for cc in range(H // 16):
                    sl = pl.ds(cc * 16, 16)
                    msg[e, sl] = (ri[e, sl] + rj[e, sl] + bv[e, sl]) * gv

        def issue_scat(buf):
            pltpu.async_copy(buf[6], acc.at[buf[2]], buf[10], add=True)

        def wait_scat(buf):
            pltpu.make_async_copy(buf[6], acc.at[buf[2]], buf[10]).wait()

        issue_idx(0, bufA)
        wait_idx(bufA)
        issue_gath(0, bufA)
        issue_idx(1, bufB)

        def body(q, carry):
            a = 2 * q
            b = a + 1
            wait_idx(bufB)

            @pl.when(q > 0)
            def _():
                wait_scat(bufB)

            issue_gath(b, bufB)

            wait_gath(bufA)

            @pl.when(q > 0)
            def _():
                wait_scat(bufA)

            transform(a, bufA)
            compute(bufA)
            issue_scat(bufA)

            @pl.when(q + 1 < NCHUNK // 2)
            def _():
                issue_idx(a + 2, bufA)

            wait_gath(bufB)
            transform(b, bufB)

            @pl.when(q + 1 < NCHUNK // 2)
            def _():
                wait_idx(bufA)
                issue_gath(a + 2, bufA)

            compute(bufB)
            issue_scat(bufB)

            @pl.when(q + 1 < NCHUNK // 2)
            def _():
                issue_idx(b + 2, bufB)

            return carry

        lax.fori_loop(0, NCHUNK // 2, body, 0)
        wait_scat(bufA)
        wait_scat(bufB)
        plsc.subcore_barrier()

        pltpu.sync_copy(
            acc.at[pl.ds(rbase, RPT), :],
            out_hbm.at[c, pl.ds(rbase, RPT), :],
        )

    return k(pi, pj, gp, bmat, ii, jj, zeros)


def _final_body(a_ref, p_ref, wa1, ba1, wb1, bb1, wa2, ba2, wb2, bb2, o_ref):
    x = a_ref[...] + p_ref[...]
    h = jnp.dot(x, wa1[...], preferred_element_type=jnp.float32) + ba1[...]
    h = jnp.dot(h, wb1[...], preferred_element_type=jnp.float32) + bb1[...]
    x = x + h
    h = jnp.dot(x, wa2[...], preferred_element_type=jnp.float32) + ba2[...]
    h = jnp.dot(h, wb2[...], preferred_element_type=jnp.float32) + bb2[...]
    o_ref[...] = x + h


def _tc_final(atom, agg, wa1, ba1, wb1, bb1, wa2, ba2, wb2, bb2):
    bm = 2000
    wspec = pl.BlockSpec((H, H), lambda i: (0, 0))
    bspec = pl.BlockSpec((1, H), lambda i: (0, 0))
    return pl.pallas_call(
        _final_body,
        grid=(N // bm,),
        in_specs=[
            pl.BlockSpec((bm, H), lambda i: (i, 0)),
            pl.BlockSpec((bm, H), lambda i: (i, 0)),
            wspec, bspec, wspec, bspec, wspec, bspec, wspec, bspec,
        ],
        out_specs=pl.BlockSpec((bm, H), lambda i: (i, 0)),
        out_shape=jax.ShapeDtypeStruct((N, H), jnp.float32),
    )(atom, agg, wa1, ba1, wb1, bb1, wa2, ba2, wb2, bb2)


def kernel(atom_embedding, bond_embedding, indices_i, indices_j,
           W1, g1, b1, m1, v1, W2, g2, b2, m2, v2,
           R1_Wa, R1_ba, R1_Wb, R1_bb, R2_Wa, R2_ba, R2_Wb, R2_bb):
    s1 = g1 / jnp.sqrt(v1 + BN_EPS_)
    t1 = b1 - m1 * s1
    s2 = g2 / jnp.sqrt(v2 + BN_EPS_)
    t2 = b2 - m2 * s2
    w2s = W2 * s2[None, :]
    weff = (W1 * s1[None, :]) @ w2s
    beff = t1 @ w2s + t2

    wi_m = weff[:H, 1:]
    wj_m = weff[2 * H:, 1:]
    wb = jnp.pad(
        jnp.concatenate([weff[H:2 * H, 1:], weff[H:2 * H, :1]], axis=1),
        ((0, 0), (0, BROW - (H + 1))))
    bb = jnp.pad(
        jnp.concatenate([beff[1:], beff[:1]]), (0, BROW - (H + 1)))[None, :]

    pi, pj = _tc_tables(atom_embedding, wi_m, wj_m)
    bmat = _tc_bmat(bond_embedding, wb, bb)

    gi = atom_embedding @ weff[:H, 0]
    gj = atom_embedding @ weff[2 * H:, 0]
    gi_b = lax.bitcast_convert_type(gi.astype(jnp.bfloat16), jnp.uint16)
    gj_b = lax.bitcast_convert_type(gj.astype(jnp.bfloat16), jnp.uint16)
    gp = ((gi_b.astype(jnp.uint32) << 16)
          | gj_b.astype(jnp.uint32)).astype(jnp.int32)

    zeros = jnp.zeros((RPT, H), jnp.float32)
    ii_p = jnp.pad(indices_i, (0, EPAD - E))
    jj_p = jnp.pad(indices_j, (0, EPAD - E))
    parts = _sc_edge(pi, pj, gp, bmat, ii_p, jj_p, zeros)

    agg = jnp.concatenate([parts[0, :HALF], parts[1, :HALF]], axis=0)[:N]

    return _tc_final(atom_embedding, agg,
                     R1_Wa, R1_ba[None, :], R1_Wb, R1_bb[None, :],
                     R2_Wa, R2_ba[None, :], R2_Wb, R2_bb[None, :])

# --- scband reference (transcript-rebuilt; emitter-appended) ---
"""Pipeline reference for scband-bond2-atom-block-3736621548058 (READ-ONLY COPY).

The authoritative reference and input builder live on the scoring server;
editing this copy changes nothing except your own understanding.
"""

import jax, jax.numpy as jnp
import numpy as np

N = 10000
E = 320000
H = 128
BN_EPS = 1e-3  # keras BatchNormalization default epsilon


def _bn(x, gamma, beta, mean, var):
    # inference-mode batch norm using moving statistics (keras default at call time)
    return (x - mean) / jnp.sqrt(var + BN_EPS) * gamma + beta


def setup_inputs(seed: int = 0) -> dict:
    key = jax.random.key(seed)
    ks = jax.random.split(key, 16)
    atom_embedding = jax.random.normal(ks[0], (N, H), dtype=jnp.float32)
    bond_embedding = jax.random.normal(ks[1], (E, H), dtype=jnp.float32)
    indices_i = jax.random.randint(ks[2], (E,), 0, N, dtype=jnp.int32)
    indices_j = jax.random.randint(ks[3], (E,), 0, N, dtype=jnp.int32)
    # preprocess fc layers: Dense(H+1, no bias) -> BN -> Dense(H+1, no bias) -> BN
    W1 = jax.random.normal(ks[4], (3 * H, H + 1), dtype=jnp.float32) / np.sqrt(3 * H)
    g1 = jnp.ones((H + 1,), jnp.float32)
    b1 = jnp.zeros((H + 1,), jnp.float32)
    m1 = jnp.zeros((H + 1,), jnp.float32)
    v1 = jnp.ones((H + 1,), jnp.float32)
    W2 = jax.random.normal(ks[5], (H + 1, H + 1), dtype=jnp.float32) / np.sqrt(H + 1)
    g2 = jnp.ones((H + 1,), jnp.float32)
    b2 = jnp.zeros((H + 1,), jnp.float32)
    m2 = jnp.zeros((H + 1,), jnp.float32)
    v2 = jnp.ones((H + 1,), jnp.float32)
    # two residual layers, each: x + Dense(H,bias)(Dense(H,bias)(x)) (activation=None -> linear)
    R1_Wa = jax.random.normal(ks[6], (H, H), dtype=jnp.float32) / np.sqrt(H)
    R1_ba = jnp.zeros((H,), jnp.float32)
    R1_Wb = jax.random.normal(ks[7], (H, H), dtype=jnp.float32) / np.sqrt(H)
    R1_bb = jnp.zeros((H,), jnp.float32)
    R2_Wa = jax.random.normal(ks[8], (H, H), dtype=jnp.float32) / np.sqrt(H)
    R2_ba = jnp.zeros((H,), jnp.float32)
    R2_Wb = jax.random.normal(ks[9], (H, H), dtype=jnp.float32) / np.sqrt(H)
    R2_bb = jnp.zeros((H,), jnp.float32)
    return {
        "atom_embedding": atom_embedding, "bond_embedding": bond_embedding,
        "indices_i": indices_i, "indices_j": indices_j,
        "W1": W1, "g1": g1, "b1": b1, "m1": m1, "v1": v1,
        "W2": W2, "g2": g2, "b2": b2, "m2": m2, "v2": v2,
        "R1_Wa": R1_Wa, "R1_ba": R1_ba, "R1_Wb": R1_Wb, "R1_bb": R1_bb,
        "R2_Wa": R2_Wa, "R2_ba": R2_ba, "R2_Wb": R2_Wb, "R2_bb": R2_bb,
    }


def _residual(x, Wa, ba, Wb, bb):
    h = x @ Wa + ba
    h = h @ Wb + bb
    return x + h


def reference(atom_embedding, bond_embedding, indices_i, indices_j,
              W1, g1, b1, m1, v1, W2, g2, b2, m2, v2,
              R1_Wa, R1_ba, R1_Wb, R1_bb, R2_Wa, R2_ba, R2_Wb, R2_bb):
    atom_i = jnp.take(atom_embedding, indices_i, axis=0)
    atom_j = jnp.take(atom_embedding, indices_j, axis=0)
    h = jnp.concatenate([atom_i, bond_embedding, atom_j], axis=-1)
    h = _bn(h @ W1, g1, b1, m1, v1)
    h = _bn(h @ W2, g2, b2, m2, v2)
    msg = h[:, :1] * h[:, 1:]
    agg = jax.ops.segment_sum(msg, indices_i, num_segments=N)
    atom = atom_embedding + agg
    atom = _residual(atom, R1_Wa, R1_ba, R1_Wb, R1_bb)
    atom = _residual(atom, R2_Wa, R2_ba, R2_Wb, R2_bb)
    return atom

if __name__ == "__main__":
    import jax
    _d = setup_inputs()
    print(jax.jit(kernel)(*tuple(_d.values())))

</pallas_src>

<mosaic_0001>
#map = affine_map<(d0, d1) -> (0, 0)>
#map1 = affine_map<(d0, d1) -> (0)>
#map2 = affine_map<(d0, d1) -> (0, 0, 0)>
module attributes {stable_mosaic.version = 14 : i64} {
  func.func @k(%arg0: i32, %arg1: i32, %arg2: memref<10000x128xf32, #tpu.memory_space<hbm>>, %arg3: memref<10000x128xf32, #tpu.memory_space<hbm>>, %arg4: memref<10000xi32, #tpu.memory_space<hbm>>, %arg5: memref<320000x144xf32, #tpu.memory_space<hbm>>, %arg6: memref<321024xi32, #tpu.memory_space<hbm>>, %arg7: memref<321024xi32, #tpu.memory_space<hbm>>, %arg8: memref<328x128xf32, #tpu.memory_space<hbm>>, %arg9: memref<2x5248x128xf32, #tpu.memory_space<hbm>>, %arg10: memref<48xi32, #tpu.memory_space<vmem>>, %arg11: memref<48xi32, #tpu.memory_space<vmem>>, %arg12: memref<48xi32, #tpu.memory_space<vmem>>, %arg13: memref<48x128xf32, #tpu.memory_space<vmem>>, %arg14: memref<48x128xf32, #tpu.memory_space<vmem>>, %arg15: memref<48x144xf32, #tpu.memory_space<vmem>>, %arg16: memref<48x128xf32, #tpu.memory_space<vmem>>, %arg17: memref<!tpu.dma_semaphore, #tpu.memory_space<semaphore_mem>>, %arg18: memref<!tpu.dma_semaphore, #tpu.memory_space<semaphore_mem>>, %arg19: memref<!tpu.dma_semaphore, #tpu.memory_space<semaphore_mem>>, %arg20: memref<!tpu.dma_semaphore, #tpu.memory_space<semaphore_mem>>, %arg21: memref<48x16xf32, #tpu.memory_space<vmem>>, %arg22: memref<!tpu.dma_semaphore, #tpu.memory_space<semaphore_mem>>, %arg23: memref<!tpu.dma_semaphore, #tpu.memory_space<semaphore_mem>>, %arg24: memref<48xi32, #tpu.memory_space<vmem>>, %arg25: memref<48xi32, #tpu.memory_space<vmem>>, %arg26: memref<48xi32, #tpu.memory_space<vmem>>, %arg27: memref<48x128xf32, #tpu.memory_space<vmem>>, %arg28: memref<48x128xf32, #tpu.memory_space<vmem>>, %arg29: memref<48x144xf32, #tpu.memory_space<vmem>>, %arg30: memref<48x128xf32, #tpu.memory_space<vmem>>, %arg31: memref<!tpu.dma_semaphore, #tpu.memory_space<semaphore_mem>>, %arg32: memref<!tpu.dma_semaphore, #tpu.memory_space<semaphore_mem>>, %arg33: memref<!tpu.dma_semaphore, #tpu.memory_space<semaphore_mem>>, %arg34: memref<!tpu.dma_semaphore, #tpu.memory_space<semaphore_mem>>, %arg35: memref<48x16xf32, #tpu.memory_space<vmem>>, %arg36: memref<!tpu.dma_semaphore, #tpu.memory_space<semaphore_mem>>, %arg37: memref<!tpu.dma_semaphore, #tpu.memory_space<semaphore_mem>>, %arg38: memref<10000xi32, #tpu.memory_space<vmem>>, %arg39: memref<5248x128xf32, #tpu.memory_space<vmem_shared>>) attributes {dimension_semantics = [#tpu.dimension_semantics<core_parallel>, #tpu.dimension_semantics<subcore_parallel>], iteration_bounds = array<i64: 2, 16>, scalar_prefetch = 0 : i64, scratch_operands = 30 : i64, tpu.core_type = #tpu.core_type<sc_vector_subcore>, window_params = [{transform_indices = #map}, {transform_indices = #map}, {transform_indices = #map1}, {transform_indices = #map}, {transform_indices = #map1}, {transform_indices = #map1}, {transform_indices = #map}, {transform_indices = #map2}]} {
    %mul3A = arith.constant 5120 : i32
    %mul3A_0 = arith.muli %arg0, %mul3A : i32
    "tpu.region"() ({
      %run_scoped3A = tpu.sem_alloc : memref<!tpu.dma_semaphore, #tpu.memory_space<semaphore_mem>>
      tpu.enqueue_dma source(%arg4 : memref<10000xi32, #tpu.memory_space<hbm>>) target(%arg38 : memref<10000xi32, #tpu.memory_space<vmem>>) target_semaphore(%run_scoped3A : memref<!tpu.dma_semaphore, #tpu.memory_space<semaphore_mem>>)
      tpu.wait_dma2 semaphore(%run_scoped3A : memref<!tpu.dma_semaphore, #tpu.memory_space<semaphore_mem>>) src(%arg4 : memref<10000xi32, #tpu.memory_space<hbm>>) dst(%arg38 : memref<10000xi32, #tpu.memory_space<vmem>>)
      tpu.yield
    }) : () -> ()
    %mul3A_1 = arith.constant 328 : i32
    %mul3A_2 = arith.muli %arg1, %mul3A_1 : i32
    "tpu.region"() ({
      %run_scoped3A = tpu.sem_alloc : memref<!tpu.dma_semaphore, #tpu.memory_space<semaphore_mem>>
      %dma_start3A_51 = arith.constant 0 : i32
      %dma_start3A_52 = tpu.memref_slice %arg39[%mul3A_2, %dma_start3A_51] : memref<5248x128xf32, #tpu.memory_space<vmem_shared>> -> memref<328x128xf32, #tpu.memory_space<vmem_shared>>
      tpu.enqueue_dma source(%arg8 : memref<328x128xf32, #tpu.memory_space<hbm>>) target(%dma_start3A_52 : memref<328x128xf32, #tpu.memory_space<vmem_shared>>) target_semaphore(%run_scoped3A : memref<!tpu.dma_semaphore, #tpu.memory_space<semaphore_mem>>)
      %dma_wait3A_53 = arith.constant 0 : i32
      %dma_wait3A_54 = tpu.memref_slice %arg39[%mul3A_2, %dma_wait3A_53] : memref<5248x128xf32, #tpu.memory_space<vmem_shared>> -> memref<328x128xf32, #tpu.memory_space<vmem_shared>>
      tpu.wait_dma2 semaphore(%run_scoped3A : memref<!tpu.dma_semaphore, #tpu.memory_space<semaphore_mem>>) src(%arg8 : memref<328x128xf32, #tpu.memory_space<hbm>>) dst(%dma_wait3A_54 : memref<328x128xf32, #tpu.memory_space<vmem_shared>>)
      tpu.yield
    }) : () -> ()
    %barrier3A = arith.constant 0 : index
    tpu.barrier barrier_id(%barrier3A)
    %mul3A_3 = arith.constant 20064 : i32
    %mul3A_4 = arith.muli %arg1, %mul3A_3 : i32
    %add3A = arith.constant 0 : i32
    %add3A_5 = arith.addi %mul3A_4, %add3A : i32
    %dma_start3A = tpu.memref_slice %arg6[%add3A_5] : memref<321024xi32, #tpu.memory_space<hbm>> -> memref<48xi32, #tpu.memory_space<hbm>>
    %dma_start3A_6 = tpu.memref_slice %arg6[%add3A_5] : memref<321024xi32, #tpu.memory_space<hbm>> -> memref<48xi32, #tpu.memory_space<hbm>>
    tpu.enqueue_dma source(%dma_start3A_6 : memref<48xi32, #tpu.memory_space<hbm>>) target(%arg10 : memref<48xi32, #tpu.memory_space<vmem>>) target_semaphore(%arg22 : memref<!tpu.dma_semaphore, #tpu.memory_space<semaphore_mem>>)
    %add3A_7 = arith.constant 0 : i32
    %add3A_8 = arith.addi %mul3A_4, %add3A_7 : i32
    %dma_start3A_9 = tpu.memref_slice %arg7[%add3A_8] : memref<321024xi32, #tpu.memory_space<hbm>> -> memref<48xi32, #tpu.memory_space<hbm>>
    %dma_start3A_10 = tpu.memref_slice %arg7[%add3A_8] : memref<321024xi32, #tpu.memory_space<hbm>> -> memref<48xi32, #tpu.memory_space<hbm>>
    tpu.enqueue_dma source(%dma_start3A_10 : memref<48xi32, #tpu.memory_space<hbm>>) target(%arg11 : memref<48xi32, #tpu.memory_space<vmem>>) target_semaphore(%arg23 : memref<!tpu.dma_semaphore, #tpu.memory_space<semaphore_mem>>)
    %dma_wait3A = arith.constant 0 : i32
    %dma_wait3A_11 = tpu.memref_slice %arg6[%dma_wait3A] : memref<321024xi32, #tpu.memory_space<hbm>> -> memref<48xi32, #tpu.memory_space<hbm>>
    %dma_wait3A_12 = arith.constant 0 : i32
    %dma_wait3A_13 = tpu.memref_slice %arg6[%dma_wait3A_12] : memref<321024xi32, #tpu.memory_space<hbm>> -> memref<48xi32, #tpu.memory_space<hbm>>
    tpu.wait_dma2 semaphore(%arg22 : memref<!tpu.dma_semaphore, #tpu.memory_space<semaphore_mem>>) src(%dma_wait3A_13 : memref<48xi32, #tpu.memory_space<hbm>>) dst(%arg10 : memref<48xi32, #tpu.memory_space<vmem>>)
    %dma_wait3A_14 = arith.constant 0 : i32
    %dma_wait3A_15 = tpu.memref_slice %arg7[%dma_wait3A_14] : memref<321024xi32, #tpu.memory_space<hbm>> -> memref<48xi32, #tpu.memory_space<hbm>>
    %dma_wait3A_16 = arith.constant 0 : i32
    %dma_wait3A_17 = tpu.memref_slice %arg7[%dma_wait3A_16] : memref<321024xi32, #tpu.memory_space<hbm>> -> memref<48xi32, #tpu.memory_space<hbm>>
    tpu.wait_dma2 semaphore(%arg23 : memref<!tpu.dma_semaphore, #tpu.memory_space<semaphore_mem>>) src(%dma_wait3A_17 : memref<48xi32, #tpu.memory_space<hbm>>) dst(%arg11 : memref<48xi32, #tpu.memory_space<vmem>>)
    %dma_start3A_18 = arith.constant 0 : i32
    %dma_start3A_19 = arith.constant 0 : i32
    %dma_start3A_20 = tpu.memref_slice %arg2[%dma_start3A_18, %dma_start3A_19] : memref<10000x128xf32, #tpu.memory_space<hbm>> -> memref<10000x128xf32, #tpu.memory_space<hbm>>
    tpu.enqueue_indirect_dma source(%dma_start3A_20 : memref<10000x128xf32, #tpu.memory_space<hbm>>) target(%arg13 : memref<48x128xf32, #tpu.memory_space<vmem>>) offsets(%arg10 : memref<48xi32, #tpu.memory_space<vmem>>) semaphore(%arg17 : memref<!tpu.dma_semaphore, #tpu.memory_space<semaphore_mem>>)
    %dma_start3A_21 = arith.constant 0 : i32
    %dma_start3A_22 = arith.constant 0 : i32
    %dma_start3A_23 = tpu.memref_slice %arg3[%dma_start3A_21, %dma_start3A_22] : memref<10000x128xf32, #tpu.memory_space<hbm>> -> memref<10000x128xf32, #tpu.memory_space<hbm>>
    tpu.enqueue_indirect_dma source(%dma_start3A_23 : memref<10000x128xf32, #tpu.memory_space<hbm>>) target(%arg14 : memref<48x128xf32, #tpu.memory_space<vmem>>) offsets(%arg11 : memref<48xi32, #tpu.memory_space<vmem>>) semaphore(%arg18 : memref<!tpu.dma_semaphore, #tpu.memory_space<semaphore_mem>>)
    %add3A_24 = arith.constant 0 : i32
    %add3A_25 = arith.addi %mul3A_4, %add3A_24 : i32
    %min3A = arith.constant 319952 : i32
    %min3A_26 = arith.minsi %add3A_25, %min3A : i32
    %dma_start3A_27 = arith.constant 0 : i32
    %dma_start3A_28 = tpu.memref_slice %arg5[%min3A_26, %dma_start3A_27] : memref<320000x144xf32, #tpu.memory_space<hbm>> -> memref<48x144xf32, #tpu.memory_space<hbm>>
    %dma_start3A_29 = arith.constant 0 : i32
    %dma_start3A_30 = tpu.memref_slice %arg5[%min3A_26, %dma_start3A_29] : memref<320000x144xf32, #tpu.memory_space<hbm>> -> memref<48x144xf32, #tpu.memory_space<hbm>>
    tpu.enqueue_dma source(%dma_start3A_30 : memref<48x144xf32, #tpu.memory_space<hbm>>) target(%arg15 : memref<48x144xf32, #tpu.memory_space<vmem>>) target_semaphore(%arg19 : memref<!tpu.dma_semaphore, #tpu.memory_space<semaphore_mem>>)
    %add3A_31 = arith.constant 48 : i32
    %add3A_32 = arith.addi %mul3A_4, %add3A_31 : i32
    %dma_start3A_33 = tpu.memref_slice %arg6[%add3A_32] : memref<321024xi32, #tpu.memory_space<hbm>> -> memref<48xi32, #tpu.memory_space<hbm>>
    %dma_start3A_34 = tpu.memref_slice %arg6[%add3A_32] : memref<321024xi32, #tpu.memory_space<hbm>> -> memref<48xi32, #tpu.memory_space<hbm>>
    tpu.enqueue_dma source(%dma_start3A_34 : memref<48xi32, #tpu.memory_space<hbm>>) target(%arg24 : memref<48xi32, #tpu.memory_space<vmem>>) target_semaphore(%arg36 : memref<!tpu.dma_semaphore, #tpu.memory_space<semaphore_mem>>)
    %add3A_35 = arith.constant 48 : i32
    %add3A_36 = arith.addi %mul3A_4, %add3A_35 : i32
    %dma_start3A_37 = tpu.memref_slice %arg7[%add3A_36] : memref<321024xi32, #tpu.memory_space<hbm>> -> memref<48xi32, #tpu.memory_space<hbm>>
    %dma_start3A_38 = tpu.memref_slice %arg7[%add3A_36] : memref<321024xi32, #tpu.memory_space<hbm>> -> memref<48xi32, #tpu.memory_space<hbm>>
    tpu.enqueue_dma source(%dma_start3A_38 : memref<48xi32, #tpu.memory_space<hbm>>) target(%arg25 : memref<48xi32, #tpu.memory_space<vmem>>) target_semaphore(%arg37 : memref<!tpu.dma_semaphore, #tpu.memory_space<semaphore_mem>>)
    %scan3A = arith.constant 0 : i32
    %scan3A_39 = arith.constant 0 : i32
    %scan3A_40 = arith.constant 209 : i32
    %scan3A_41 = arith.addi %scan3A_39, %scan3A_40 : i32
    %scan3A_42 = arith.constant 1 : i32
    scf.for %scan3A_51 = %scan3A_39 to %scan3A_41 step %scan3A_42  : i32 {
      %mul3A_52 = arith.constant 2 : i32
      %mul3A_53 = arith.muli %mul3A_52, %scan3A_51 : i32
      %add3A_54 = arith.constant 1 : i32
      %add3A_55 = arith.addi %mul3A_53, %add3A_54 : i32
      %dma_wait3A_56 = arith.constant 0 : i32
      %dma_wait3A_57 = tpu.memref_slice %arg6[%dma_wait3A_56] : memref<321024xi32, #tpu.memory_space<hbm>> -> memref<48xi32, #tpu.memory_space<hbm>>
      %dma_wait3A_58 = arith.constant 0 : i32
      %dma_wait3A_59 = tpu.memref_slice %arg6[%dma_wait3A_58] : memref<321024xi32, #tpu.memory_space<hbm>> -> memref<48xi32, #tpu.memory_space<hbm>>
      tpu.wait_dma2 semaphore(%arg36 : memref<!tpu.dma_semaphore, #tpu.memory_space<semaphore_mem>>) src(%dma_wait3A_59 : memref<48xi32, #tpu.memory_space<hbm>>) dst(%arg24 : memref<48xi32, #tpu.memory_space<vmem>>)
      %dma_wait3A_60 = arith.constant 0 : i32
      %dma_wait3A_61 = tpu.memref_slice %arg7[%dma_wait3A_60] : memref<321024xi32, #tpu.memory_space<hbm>> -> memref<48xi32, #tpu.memory_space<hbm>>
      %dma_wait3A_62 = arith.constant 0 : i32
      %dma_wait3A_63 = tpu.memref_slice %arg7[%dma_wait3A_62] : memref<321024xi32, #tpu.memory_space<hbm>> -> memref<48xi32, #tpu.memory_space<hbm>>
      tpu.wait_dma2 semaphore(%arg37 : memref<!tpu.dma_semaphore, #tpu.memory_space<semaphore_mem>>) src(%dma_wait3A_63 : memref<48xi32, #tpu.memory_space<hbm>>) dst(%arg25 : memref<48xi32, #tpu.memory_space<vmem>>)
      %gt3A = arith.constant 0 : i32
      %gt3A_64 = arith.cmpi sgt, %scan3A_51, %gt3A : i32
      %convert_element_type3A = arith.extui %gt3A_64 : i1 to i32
      %cond3A = arith.constant 0 : i32
      %cond3A_65 = arith.cmpi ne, %convert_element_type3A, %cond3A : i32
      scf.if %cond3A_65 {
        %dma_wait3A_1381 = arith.constant 0 : i32
        %dma_wait3A_1382 = arith.constant 0 : i32
        %dma_wait3A_1383 = tpu.memref_slice %arg39[%dma_wait3A_1381, %dma_wait3A_1382] : memref<5248x128xf32, #tpu.memory_space<vmem_shared>> -> memref<5248x128xf32, #tpu.memory_space<vmem_shared>>
        tpu.wait_indirect_dma semaphore(%arg34 : memref<!tpu.dma_semaphore, #tpu.memory_space<semaphore_mem>>) src(%arg30 : memref<48x128xf32, #tpu.memory_space<vmem>>) dst(%dma_wait3A_1383 : memref<5248x128xf32, #tpu.memory_space<vmem_shared>>)
      } else {
      }
      %dma_start3A_66 = arith.constant 0 : i32
      %dma_start3A_67 = arith.constant 0 : i32
      %dma_start3A_68 = tpu.memref_slice %arg2[%dma_start3A_66, %dma_start3A_67] : memref<10000x128xf32, #tpu.memory_space<hbm>> -> memref<10000x128xf32, #tpu.memory_space<hbm>>
      tpu.enqueue_indirect_dma source(%dma_start3A_68 : memref<10000x128xf32, #tpu.memory_space<hbm>>) target(%arg27 : memref<48x128xf32, #tpu.memory_space<vmem>>) offsets(%arg24 : memref<48xi32, #tpu.memory_space<vmem>>) semaphore(%arg31 : memref<!tpu.dma_semaphore, #tpu.memory_space<semaphore_mem>>)
      %dma_start3A_69 = arith.constant 0 : i32
      %dma_start3A_70 = arith.constant 0 : i32
      %dma_start3A_71 = tpu.memref_slice %arg3[%dma_start3A_69, %dma_start3A_70] : memref<10000x128xf32, #tpu.memory_space<hbm>> -> memref<10000x128xf32, #tpu.memory_space<hbm>>
      tpu.enqueue_indirect_dma source(%dma_start3A_71 : memref<10000x128xf32, #tpu.memory_space<hbm>>) target(%arg28 : memref<48x128xf32, #tpu.memory_space<vmem>>) offsets(%arg25 : memref<48xi32, #tpu.memory_space<vmem>>) semaphore(%arg32 : memref<!tpu.dma_semaphore, #tpu.memory_space<semaphore_mem>>)
      %mul3A_72 = arith.constant 48 : i32
      %mul3A_73 = arith.muli %add3A_55, %mul3A_72 : i32
      %add3A_74 = arith.addi %mul3A_4, %mul3A_73 : i32
      %min3A_75 = arith.constant 319952 : i32
      %min3A_76 = arith.minsi %add3A_74, %min3A_75 : i32
      %dma_start3A_77 = arith.constant 0 : i32
      %dma_start3A_78 = tpu.memref_slice %arg5[%min3A_76, %dma_start3A_77] : memref<320000x144xf32, #tpu.memory_space<hbm>> -> memref<48x144xf32, #tpu.memory_space<hbm>>
      %dma_start3A_79 = arith.constant 0 : i32
      %dma_start3A_80 = tpu.memref_slice %arg5[%min3A_76, %dma_start3A_79] : memref<320000x144xf32, #tpu.memory_space<hbm>> -> memref<48x144xf32, #tpu.memory_space<hbm>>
      tpu.enqueue_dma source(%dma_start3A_80 : memref<48x144xf32, #tpu.memory_space<hbm>>) target(%arg29 : memref<48x144xf32, #tpu.memory_space<vmem>>) target_semaphore(%arg33 : memref<!tpu.dma_semaphore, #tpu.memory_space<semaphore_mem>>)
      %dma_wait3A_81 = arith.constant 0 : i32
      %dma_wait3A_82 = arith.constant 0 : i32
      %dma_wait3A_83 = tpu.memref_slice %arg2[%dma_wait3A_81, %dma_wait3A_82] : memref<10000x128xf32, #tpu.memory_space<hbm>> -> memref<10000x128xf32, #tpu.memory_space<hbm>>
      tpu.wait_indirect_dma semaphore(%arg17 : memref<!tpu.dma_semaphore, #tpu.memory_space<semaphore_mem>>) src(%dma_wait3A_83 : memref<10000x128xf32, #tpu.memory_space<hbm>>) dst(%arg13 : memref<48x128xf32, #tpu.memory_space<vmem>>)
      %dma_wait3A_84 = arith.constant 0 : i32
      %dma_wait3A_85 = arith.constant 0 : i32
      %dma_wait3A_86 = tpu.memref_slice %arg3[%dma_wait3A_84, %dma_wait3A_85] : memref<10000x128xf32, #tpu.memory_space<hbm>> -> memref<10000x128xf32, #tpu.memory_space<hbm>>
      tpu.wait_indirect_dma semaphore(%arg18 : memref<!tpu.dma_semaphore, #tpu.memory_space<semaphore_mem>>) src(%dma_wait3A_86 : memref<10000x128xf32, #tpu.memory_space<hbm>>) dst(%arg14 : memref<48x128xf32, #tpu.memory_space<vmem>>)
      %dma_wait3A_87 = arith.constant 0 : i32
      %dma_wait3A_88 = arith.constant 0 : i32
      %dma_wait3A_89 = tpu.memref_slice %arg5[%dma_wait3A_87, %dma_wait3A_88] : memref<320000x144xf32, #tpu.memory_space<hbm>> -> memref<48x144xf32, #tpu.memory_space<hbm>>
      %dma_wait3A_90 = arith.constant 0 : i32
      %dma_wait3A_91 = arith.constant 0 : i32
      %dma_wait3A_92 = tpu.memref_slice %arg5[%dma_wait3A_90, %dma_wait3A_91] : memref<320000x144xf32, #tpu.memory_space<hbm>> -> memref<48x144xf32, #tpu.memory_space<hbm>>
      tpu.wait_dma2 semaphore(%arg19 : memref<!tpu.dma_semaphore, #tpu.memory_space<semaphore_mem>>) src(%dma_wait3A_92 : memref<48x144xf32, #tpu.memory_space<hbm>>) dst(%arg15 : memref<48x144xf32, #tpu.memory_space<vmem>>)
      %gt3A_93 = arith.constant 0 : i32
      %gt3A_94 = arith.cmpi sgt, %scan3A_51, %gt3A_93 : i32
      %convert_element_type3A_95 = arith.extui %gt3A_94 : i1 to i32
      %cond3A_96 = arith.constant 0 : i32
      %cond3A_97 = arith.cmpi ne, %convert_element_type3A_95, %cond3A_96 : i32
      scf.if %cond3A_97 {
        %dma_wait3A_1381 = arith.constant 0 : i32
        %dma_wait3A_1382 = arith.constant 0 : i32
        %dma_wait3A_1383 = tpu.memref_slice %arg39[%dma_wait3A_1381, %dma_wait3A_1382] : memref<5248x128xf32, #tpu.memory_space<vmem_shared>> -> memref<5248x128xf32, #tpu.memory_space<vmem_shared>>
        tpu.wait_indirect_dma semaphore(%arg20 : memref<!tpu.dma_semaphore, #tpu.memory_space<semaphore_mem>>) src(%arg16 : memref<48x128xf32, #tpu.memory_space<vmem>>) dst(%dma_wait3A_1383 : memref<5248x128xf32, #tpu.memory_space<vmem_shared>>)
      } else {
      }
      %mul3A_98 = arith.constant 48 : i32
      %mul3A_99 = arith.muli %mul3A_53, %mul3A_98 : i32
      %add3A_100 = arith.addi %mul3A_4, %mul3A_99 : i32
      %get3A = arith.constant 0 : index
      %get3A_101 = tpu.vector_load %arg10[%get3A] {strides = array<i32>} : memref<48xi32, #tpu.memory_space<vmem>>, vector<16xi32>,
      %sub3A = vector.broadcast %mul3A_0 : i32 to vector<16xi32>
      %sub3A_102 = arith.subi %get3A_101, %sub3A : vector<16xi32>
      %add3A_103 = arith.constant 0 : i32
      %add3A_104 = arith.addi %add3A_100, %add3A_103 : i32
      %iota3A = tpu.iota {dimensions = array<i32: 0>} : vector<16xi32>
      %add3A_105 = vector.broadcast %add3A_104 : i32 to vector<16xi32>
      %add3A_106 = arith.addi %add3A_105, %iota3A : vector<16xi32>
      %lt3A = arith.constant 320000 : i32
      %lt3A_107 = vector.broadcast %lt3A : i32 to vector<16xi32>
      %lt3A_108 = arith.cmpi slt, %add3A_106, %lt3A_107 : vector<16xi32>
      %ge3A = arith.constant 0 : i32
      %ge3A_109 = vector.broadcast %ge3A : i32 to vector<16xi32>
      %ge3A_110 = arith.cmpi sge, %sub3A_102, %ge3A_109 : vector<16xi32>
      %lt3A_111 = arith.constant 5120 : i32
      %lt3A_112 = vector.broadcast %lt3A_111 : i32 to vector<16xi32>
      %lt3A_113 = arith.cmpi slt, %sub3A_102, %lt3A_112 : vector<16xi32>
      %and3A = arith.andi %ge3A_110, %lt3A_113 : vector<16xi1>
      %and3A_114 = arith.andi %and3A, %lt3A_108 : vector<16xi1>
      %jit3A = arith.constant 5120 : i32
      %broadcast_in_dim3A = vector.broadcast %jit3A : i32 to vector<16xi32>
      %select_n3A = arith.select %and3A_114, %sub3A_102, %broadcast_in_dim3A : vector<16xi1>, vector<16xi32>
      %swap3A = arith.constant 0 : index
      %swap3A_115 = tpu.vector_load %arg12[%swap3A] {strides = array<i32>} : memref<48xi32, #tpu.memory_space<vmem>>, vector<16xi32>,
      tpu.vector_store %arg12[%swap3A], %select_n3A {strides = array<i32>} : memref<48xi32, #tpu.memory_space<vmem>>, vector<16xi32>,
      %get3A_116 = arith.constant 16 : index
      %get3A_117 = tpu.vector_load %arg10[%get3A_116] {strides = array<i32>} : memref<48xi32, #tpu.memory_space<vmem>>, vector<16xi32>,
      %sub3A_118 = vector.broadcast %mul3A_0 : i32 to vector<16xi32>
      %sub3A_119 = arith.subi %get3A_117, %sub3A_118 : vector<16xi32>
      %add3A_120 = arith.constant 16 : i32
      %add3A_121 = arith.addi %add3A_100, %add3A_120 : i32
      %iota3A_122 = tpu.iota {dimensions = array<i32: 0>} : vector<16xi32>
      %add3A_123 = vector.broadcast %add3A_121 : i32 to vector<16xi32>
      %add3A_124 = arith.addi %add3A_123, %iota3A_122 : vector<16xi32>
      %lt3A_125 = arith.constant 320000 : i32
      %lt3A_126 = vector.broadcast %lt3A_125 : i32 to vector<16xi32>
      %lt3A_127 = arith.cmpi slt, %add3A_124, %lt3A_126 : vector<16xi32>
      %ge3A_128 = arith.constant 0 : i32
      %ge3A_129 = vector.broadcast %ge3A_128 : i32 to vector<16xi32>
      %ge3A_130 = arith.cmpi sge, %sub3A_119, %ge3A_129 : vector<16xi32>
      %lt3A_131 = arith.constant 5120 : i32
      %lt3A_132 = vector.broadcast %lt3A_131 : i32 to vector<16xi32>
      %lt3A_133 = arith.cmpi slt, %sub3A_119, %lt3A_132 : vector<16xi32>
      %and3A_134 = arith.andi %ge3A_130, %lt3A_133 : vector<16xi1>
      %and3A_135 = arith.andi %and3A_134, %lt3A_127 : vector<16xi1>
      %jit3A_136 = arith.constant 5120 : i32
      %broadcast_in_dim3A_137 = vector.broadcast %jit3A_136 : i32 to vector<16xi32>
      %select_n3A_138 = arith.select %and3A_135, %sub3A_119, %broadcast_in_dim3A_137 : vector<16xi1>, vector<16xi32>
      %swap3A_139 = arith.constant 16 : index
      %swap3A_140 = tpu.vector_load %arg12[%swap3A_139] {strides = array<i32>} : memref<48xi32, #tpu.memory_space<vmem>>, vector<16xi32>,
      tpu.vector_store %arg12[%swap3A_139], %select_n3A_138 {strides = array<i32>} : memref<48xi32, #tpu.memory_space<vmem>>, vector<16xi32>,
      %get3A_141 = arith.constant 32 : index
      %get3A_142 = tpu.vector_load %arg10[%get3A_141] {strides = array<i32>} : memref<48xi32, #tpu.memory_space<vmem>>, vector<16xi32>,
      %sub3A_143 = vector.broadcast %mul3A_0 : i32 to vector<16xi32>
      %sub3A_144 = arith.subi %get3A_142, %sub3A_143 : vector<16xi32>
      %add3A_145 = arith.constant 32 : i32
      %add3A_146 = arith.addi %add3A_100, %add3A_145 : i32
      %iota3A_147 = tpu.iota {dimensions = array<i32: 0>} : vector<16xi32>
      %add3A_148 = vector.broadcast %add3A_146 : i32 to vector<16xi32>
      %add3A_149 = arith.addi %add3A_148, %iota3A_147 : vector<16xi32>
      %lt3A_150 = arith.constant 320000 : i32
      %lt3A_151 = vector.broadcast %lt3A_150 : i32 to vector<16xi32>
      %lt3A_152 = arith.cmpi slt, %add3A_149, %lt3A_151 : vector<16xi32>
      %ge3A_153 = arith.constant 0 : i32
      %ge3A_154 = vector.broadcast %ge3A_153 : i32 to vector<16xi32>
      %ge3A_155 = arith.cmpi sge, %sub3A_144, %ge3A_154 : vector<16xi32>
      %lt3A_156 = arith.constant 5120 : i32
      %lt3A_157 = vector.broadcast %lt3A_156 : i32 to vector<16xi32>
      %lt3A_158 = arith.cmpi slt, %sub3A_144, %lt3A_157 : vector<16xi32>
      %and3A_159 = arith.andi %ge3A_155, %lt3A_158 : vector<16xi1>
      %and3A_160 = arith.andi %and3A_159, %lt3A_152 : vector<16xi1>
      %jit3A_161 = arith.constant 5120 : i32
      %broadcast_in_dim3A_162 = vector.broadcast %jit3A_161 : i32 to vector<16xi32>
      %select_n3A_163 = arith.select %and3A_160, %sub3A_144, %broadcast_in_dim3A_162 : vector<16xi1>, vector<16xi32>
      %swap3A_164 = arith.constant 32 : index
      %swap3A_165 = tpu.vector_load %arg12[%swap3A_164] {strides = array<i32>} : memref<48xi32, #tpu.memory_space<vmem>>, vector<16xi32>,
      tpu.vector_store %arg12[%swap3A_164], %select_n3A_163 {strides = array<i32>} : memref<48xi32, #tpu.memory_space<vmem>>, vector<16xi32>,
      %get3A_166 = arith.constant 0 : index
      %get3A_167 = tpu.vector_load %arg10[%get3A_166] {strides = array<i32>} : memref<48xi32, #tpu.memory_space<vmem>>, vector<16xi32>,
      %get3A_168 = arith.constant 0 : index
      %get3A_169 = tpu.vector_load %arg11[%get3A_168] {strides = array<i32>} : memref<48xi32, #tpu.memory_space<vmem>>, vector<16xi32>,
      %iota3A_170 = tpu.iota {dimensions = array<i32: 0>} : vector<16xi32>
      %add3A_171 = arith.constant 0 : i32
      %add3A_172 = vector.broadcast %add3A_171 : i32 to vector<16xi32>
      %add3A_173 = arith.addi %add3A_172, %iota3A_170 : vector<16xi32>
      %broadcast_in_dim3A_174 = arith.constant 128 : i32
      %broadcast_in_dim3A_175 = vector.broadcast %broadcast_in_dim3A_174 : i32 to vector<16xi32>
      %gather3A = tpu.vector_load_idx %arg38[%get3A_167] : memref<10000xi32, #tpu.memory_space<vmem>>[vector<16xi32>], vector<16xi32>,
      %gather3A_176 = tpu.vector_load_idx %arg38[%get3A_169] : memref<10000xi32, #tpu.memory_space<vmem>>[vector<16xi32>], vector<16xi32>,
      %and3A_177 = arith.constant -65536 : i32
      %and3A_178 = vector.broadcast %and3A_177 : i32 to vector<16xi32>
      %and3A_179 = arith.andi %gather3A, %and3A_178 : vector<16xi32>
      %bitcast3A = vector.bitcast %and3A_179 : vector<16xi32> to vector<16xf32>
      %shift_left3A = arith.constant 16 : i32
      %shift_left3A_180 = vector.broadcast %shift_left3A : i32 to vector<16xi32>
      %shift_left3A_181 = arith.shli %gather3A_176, %shift_left3A_180 : vector<16xi32>
      %bitcast3A_182 = vector.bitcast %shift_left3A_181 : vector<16xi32> to vector<16xf32>
      %add3A_183 = arith.addf %bitcast3A, %bitcast3A_182 : vector<16xf32>
      %gather3A_184 = tpu.vector_load_idx %arg15[%add3A_173, %broadcast_in_dim3A_175] : memref<48x144xf32, #tpu.memory_space<vmem>>[vector<16xi32>, vector<16xi32>], vector<16xf32>,
      %add3A_185 = arith.addf %add3A_183, %gather3A_184 : vector<16xf32>
      %broadcast_in_dim3A_186 = arith.constant 0.000000e+00 : f32
      %broadcast_in_dim3A_187 = vector.broadcast %broadcast_in_dim3A_186 : f32 to vector<16xf32>
      %slice3A = vector.extract_strided_slice %add3A_185 {offsets = [0], sizes = [1], strides = [1]} : vector<16xf32> to vector<1xf32>
      %squeeze3A = vector.extract %slice3A[0] : f32 from vector<1xf32>
      %add3A_188 = vector.broadcast %squeeze3A : f32 to vector<16xf32>
      %add3A_189 = arith.addf %broadcast_in_dim3A_187, %add3A_188 : vector<16xf32>
      %swap3A_190 = arith.constant 0 : i32
      %swap3A_191 = arith.index_cast %swap3A_190 : i32 to index
      %swap3A_192 = arith.constant 0 : index
      %swap3A_193 = tpu.vector_load %arg21[%swap3A_191, %swap3A_192] {strides = array<i32>} : memref<48x16xf32, #tpu.memory_space<vmem>>, vector<16xf32>,
      tpu.vector_store %arg21[%swap3A_191, %swap3A_192], %add3A_189 {strides = array<i32>} : memref<48x16xf32, #tpu.memory_space<vmem>>, vector<16xf32>,
      %broadcast_in_dim3A_194 = arith.constant 0.000000e+00 : f32
      %broadcast_in_dim3A_195 = vector.broadcast %broadcast_in_dim3A_194 : f32 to vector<16xf32>
      %slice3A_196 = vector.extract_strided_slice %add3A_185 {offsets = [1], sizes = [1], strides = [1]} : vector<16xf32> to vector<1xf32>
      %squeeze3A_197 = vector.extract %slice3A_196[0] : f32 from vector<1xf32>
      %add3A_198 = vector.broadcast %squeeze3A_197 : f32 to vector<16xf32>
      %add3A_199 = arith.addf %broadcast_in_dim3A_195, %add3A_198 : vector<16xf32>
      %swap3A_200 = arith.constant 1 : i32
      %swap3A_201 = arith.index_cast %swap3A_200 : i32 to index
      %swap3A_202 = arith.constant 0 : index
      %swap3A_203 = tpu.vector_load %arg21[%swap3A_201, %swap3A_202] {strides = array<i32>} : memref<48x16xf32, #tpu.memory_space<vmem>>, vector<16xf32>,
      tpu.vector_store %arg21[%swap3A_201, %swap3A_202], %add3A_199 {strides = array<i32>} : memref<48x16xf32, #tpu.memory_space<vmem>>, vector<16xf32>,
      %broadcast_in_dim3A_204 = arith.constant 0.000000e+00 : f32
      %broadcast_in_dim3A_205 = vector.broadcast %broadcast_in_dim3A_204 : f32 to vector<16xf32>
      %slice3A_206 = vector.extract_strided_slice %add3A_185 {offsets = [2], sizes = [1], strides = [1]} : vector<16xf32> to vector<1xf32>
      %squeeze3A_207 = vector.extract %slice3A_206[0] : f32 from vector<1xf32>
      %add3A_208 = vector.broadcast %squeeze3A_207 : f32 to vector<16xf32>
      %add3A_209 = arith.addf %broadcast_in_dim3A_205, %add3A_208 : vector<16xf32>
      %swap3A_210 = arith.constant 2 : i32
      %swap3A_211 = arith.index_cast %swap3A_210 : i32 to index
      %swap3A_212 = arith.constant 0 : index
      %swap3A_213 = tpu.vector_load %arg21[%swap3A_211, %swap3A_212] {strides = array<i32>} : memref<48x16xf32, #tpu.memory_space<vmem>>, vector<16xf32>,
      tpu.vector_store %arg21[%swap3A_211, %swap3A_212], %add3A_209 {strides = array<i32>} : memref<48x16xf32, #tpu.memory_space<vmem>>, vector<16xf32>,
      %broadcast_in_dim3A_214 = arith.constant 0.000000e+00 : f32
      %broadcast_in_dim3A_215 = vector.broadcast %broadcast_in_dim3A_214 : f32 to vector<16xf32>
      %slice3A_216 = vector.extract_strided_slice %add3A_185 {offsets = [3], sizes = [1], strides = [1]} : vector<16xf32> to vector<1xf32>
      %squeeze3A_217 = vector.extract %slice3A_216[0] : f32 from vector<1xf32>
      %add3A_218 = vector.broadcast %squeeze3A_217 : f32 to vector<16xf32>
      %add3A_219 = arith.addf %broadcast_in_dim3A_215, %add3A_218 : vector<16xf32>
      %swap3A_220 = arith.constant 3 : i32
      %swap3A_221 = arith.index_cast %swap3A_220 : i32 to index
      %swap3A_222 = arith.constant 0 : index
      %swap3A_223 = tpu.vector_load %arg21[%swap3A_221, %swap3A_222] {strides = array<i32>} : memref<48x16xf32, #tpu.memory_space<vmem>>, vector<16xf32>,
      tpu.vector_store %arg21[%swap3A_221, %swap3A_222], %add3A_219 {strides = array<i32>} : memref<48x16xf32, #tpu.memory_space<vmem>>, vector<16xf32>,
      %broadcast_in_dim3A_224 = arith.constant 0.000000e+00 : f32
      %broadcast_in_dim3A_225 = vector.broadcast %broadcast_in_dim3A_224 : f32 to vector<16xf32>
      %slice3A_226 = vector.extract_strided_slice %add3A_185 {offsets = [4], sizes = [1], strides = [1]} : vector<16xf32> to vector<1xf32>
      %squeeze3A_227 = vector.extract %slice3A_226[0] : f32 from vector<1xf32>
      %add3A_228 = vector.broadcast %squeeze3A_227 : f32 to vector<16xf32>
      %add3A_229 = arith.addf %broadcast_in_dim3A_225, %add3A_228 : vector<16xf32>
      %swap3A_230 = arith.constant 4 : i32
      %swap3A_231 = arith.index_cast %swap3A_230 : i32 to index
      %swap3A_232 = arith.constant 0 : index
      %swap3A_233 = tpu.vector_load %arg21[%swap3A_231, %swap3A_232] {strides = array<i32>} : memref<48x16xf32, #tpu.memory_space<vmem>>, vector<16xf32>,
      tpu.vector_store %arg21[%swap3A_231, %swap3A_232], %add3A_229 {strides = array<i32>} : memref<48x16xf32, #tpu.memory_space<vmem>>, vector<16xf32>,
      %broadcast_in_dim3A_234 = arith.constant 0.000000e+00 : f32
      %broadcast_in_dim3A_235 = vector.broadcast %broadcast_in_dim3A_234 : f32 to vector<16xf32>
      %slice3A_236 = vector.extract_strided_slice %add3A_185 {offsets = [5], sizes = [1], strides = [1]} : vector<16xf32> to vector<1xf32>
      %squeeze3A_237 = vector.extract %slice3A_236[0] : f32 from vector<1xf32>
      %add3A_238 = vector.broadcast %squeeze3A_237 : f32 to vector<16xf32>
      %add3A_239 = arith.addf %broadcast_in_dim3A_235, %add3A_238 : vector<16xf32>
      %swap3A_240 = arith.constant 5 : i32
      %swap3A_241 = arith.index_cast %swap3A_240 : i32 to index
      %swap3A_242 = arith.constant 0 : index
      %swap3A_243 = tpu.vector_load %arg21[%swap3A_241, %swap3A_242] {strides = array<i32>} : memref<48x16xf32, #tpu.memory_space<vmem>>, vector<16xf32>,
      tpu.vector_store %arg21[%swap3A_241, %swap3A_242], %add3A_239 {strides = array<i32>} : memref<48x16xf32, #tpu.memory_space<vmem>>, vector<16xf32>,
      %broadcast_in_dim3A_244 = arith.constant 0.000000e+00 : f32
      %broadcast_in_dim3A_245 = vector.broadcast %broadcast_in_dim3A_244 : f32 to vector<16xf32>
      %slice3A_246 = vector.extract_strided_slice %add3A_185 {offsets = [6], sizes = [1], strides = [1]} : vector<16xf32> to vector<1xf32>
      %squeeze3A_247 = vector.extract %slice3A_246[0] : f32 from vector<1xf32>
      %add3A_248 = vector.broadcast %squeeze3A_247 : f32 to vector<16xf32>
      %add3A_249 = arith.addf %broadcast_in_dim3A_245, %add3A_248 : vector<16xf32>
      %swap3A_250 = arith.constant 6 : i32
      %swap3A_251 = arith.index_cast %swap3A_250 : i32 to index
      %swap3A_252 = arith.constant 0 : index
      %swap3A_253 = tpu.vector_load %arg21[%swap3A_251, %swap3A_252] {strides = array<i32>} : memref<48x16xf32, #tpu.memory_space<vmem>>, vector<16xf32>,
      tpu.vector_store %arg21[%swap3A_251, %swap3A_252], %add3A_249 {strides = array<i32>} : memref<48x16xf32, #tpu.memory_space<vmem>>, vector<16xf32>,
      %broadcast_in_dim3A_254 = arith.constant 0.000000e+00 : f32
      %broadcast_in_dim3A_255 = vector.broadcast %broadcast_in_dim3A_254 : f32 to vector<16xf32>
      %slice3A_256 = vector.extract_strided_slice %add3A_185 {offsets = [7], sizes = [1], strides = [1]} : vector<16xf32> to vector<1xf32>
      %squeeze3A_257 = vector.extract %slice3A_256[0] : f32 from vector<1xf32>
      %add3A_258 = vector.broadcast %squeeze3A_257 : f32 to vector<16xf32>
      %add3A_259 = arith.addf %broadcast_in_dim3A_255, %add3A_258 : vector<16xf32>
      %swap3A_260 = arith.constant 7 : i32
      %swap3A_261 = arith.index_cast %swap3A_260 : i32 to index
      %swap3A_262 = arith.constant 0 : index
      %swap3A_263 = tpu.vector_load %arg21[%swap3A_261, %swap3A_262] {strides = array<i32>} : memref<48x16xf32, #tpu.memory_space<vmem>>, vector<16xf32>,
      tpu.vector_store %arg21[%swap3A_261, %swap3A_262], %add3A_259 {strides = array<i32>} : memref<48x16xf32, #tpu.memory_space<vmem>>, vector<16xf32>,
      %broadcast_in_dim3A_264 = arith.constant 0.000000e+00 : f32
      %broadcast_in_dim3A_265 = vector.broadcast %broadcast_in_dim3A_264 : f32 to vector<16xf32>
      %slice3A_266 = vector.extract_strided_slice %add3A_185 {offsets = [8], sizes = [1], strides = [1]} : vector<16xf32> to vector<1xf32>
      %squeeze3A_267 = vector.extract %slice3A_266[0] : f32 from vector<1xf32>
      %add3A_268 = vector.broadcast %squeeze3A_267 : f32 to vector<16xf32>
      %add3A_269 = arith.addf %broadcast_in_dim3A_265, %add3A_268 : vector<16xf32>
      %swap3A_270 = arith.constant 8 : i32
      %swap3A_271 = arith.index_cast %swap3A_270 : i32 to index
      %swap3A_272 = arith.constant 0 : index
      %swap3A_273 = tpu.vector_load %arg21[%swap3A_271, %swap3A_272] {strides = array<i32>} : memref<48x16xf32, #tpu.memory_space<vmem>>, vector<16xf32>,
      tpu.vector_store %arg21[%swap3A_271, %swap3A_272], %add3A_269 {strides = array<i32>} : memref<48x16xf32, #tpu.memory_space<vmem>>, vector<16xf32>,
      %broadcast_in_dim3A_274 = arith.constant 0.000000e+00 : f32
      %broadcast_in_dim3A_275 = vector.broadcast %broadcast_in_dim3A_274 : f32 to vector<16xf32>
      %slice3A_276 = vector.extract_strided_slice %add3A_185 {offsets = [9], sizes = [1], strides = [1]} : vector<16xf32> to vector<1xf32>
      %squeeze3A_277 = vector.extract %slice3A_276[0] : f32 from vector<1xf32>
      %add3A_278 = vector.broadcast %squeeze3A_277 : f32 to vector<16xf32>
      %add3A_279 = arith.addf %broadcast_in_dim3A_275, %add3A_278 : vector<16xf32>
      %swap3A_280 = arith.constant 9 : i32
      %swap3A_281 = arith.index_cast %swap3A_280 : i32 to index
      %swap3A_282 = arith.constant 0 : index
      %swap3A_283 = tpu.vector_load %arg21[%swap3A_281, %swap3A_282] {strides = array<i32>} : memref<48x16xf32, #tpu.memory_space<vmem>>, vector<16xf32>,
      tpu.vector_store %arg21[%swap3A_281, %swap3A_282], %add3A_279 {strides = array<i32>} : memref<48x16xf32, #tpu.memory_space<vmem>>, vector<16xf32>,
      %broadcast_in_dim3A_284 = arith.constant 0.000000e+00 : f32
      %broadcast_in_dim3A_285 = vector.broadcast %broadcast_in_dim3A_284 : f32 to vector<16xf32>
      %slice3A_286 = vector.extract_strided_slice %add3A_185 {offsets = [10], sizes = [1], strides = [1]} : vector<16xf32> to vector<1xf32>
      %squeeze3A_287 = vector.extract %slice3A_286[0] : f32 from vector<1xf32>
      %add3A_288 = vector.broadcast %squeeze3A_287 : f32 to vector<16xf32>
      %add3A_289 = arith.addf %broadcast_in_dim3A_285, %add3A_288 : vector<16xf32>
      %swap3A_290 = arith.constant 10 : i32
      %swap3A_291 = arith.index_cast %swap3A_290 : i32 to index
      %swap3A_292 = arith.constant 0 : index
      %swap3A_293 = tpu.vector_load %arg21[%swap3A_291, %swap3A_292] {strides = array<i32>} : memref<48x16xf32, #tpu.memory_space<vmem>>, vector<16xf32>,
      tpu.vector_store %arg21[%swap3A_291, %swap3A_292], %add3A_289 {strides = array<i32>} : memref<48x16xf32, #tpu.memory_space<vmem>>, vector<16xf32>,
      %broadcast_in_dim3A_294 = arith.constant 0.000000e+00 : f32
      %broadcast_in_dim3A_295 = vector.broadcast %broadcast_in_dim3A_294 : f32 to vector<16xf32>
      %slice3A_296 = vector.extract_strided_slice %add3A_185 {offsets = [11], sizes = [1], strides = [1]} : vector<16xf32> to vector<1xf32>
      %squeeze3A_297 = vector.extract %slice3A_296[0] : f32 from vector<1xf32>
      %add3A_298 = vector.broadcast %squeeze3A_297 : f32 to vector<16xf32>
      %add3A_299 = arith.addf %broadcast_in_dim3A_295, %add3A_298 : vector<16xf32>
      %swap3A_300 = arith.constant 11 : i32
      %swap3A_301 = arith.index_cast %swap3A_300 : i32 to index
      %swap3A_302 = arith.constant 0 : index
      %swap3A_303 = tpu.vector_load %arg21[%swap3A_301, %swap3A_302] {strides = array<i32>} : memref<48x16xf32, #tpu.memory_space<vmem>>, vector<16xf32>,
      tpu.vector_store %arg21[%swap3A_301, %swap3A_302], %add3A_299 {strides = array<i32>} : memref<48x16xf32, #tpu.memory_space<vmem>>, vector<16xf32>,
      %broadcast_in_dim3A_304 = arith.constant 0.000000e+00 : f32
      %broadcast_in_dim3A_305 = vector.broadcast %broadcast_in_dim3A_304 : f32 to vector<16xf32>
      %slice3A_306 = vector.extract_strided_slice %add3A_185 {offsets = [12], sizes = [1], strides = [1]} : vector<16xf32> to vector<1xf32>
      %squeeze3A_307 = vector.extract %slice3A_306[0] : f32 from vector<1xf32>
      %add3A_308 = vector.broadcast %squeeze3A_307 : f32 to vector<16xf32>
      %add3A_309 = arith.addf %broadcast_in_dim3A_305, %add3A_308 : vector<16xf32>
      %swap3A_310 = arith.constant 12 : i32
      %swap3A_311 = arith.index_cast %swap3A_310 : i32 to index
      %swap3A_312 = arith.constant 0 : index
      %swap3A_313 = tpu.vector_load %arg21[%swap3A_311, %swap3A_312] {strides = array<i32>} : memref<48x16xf32, #tpu.memory_space<vmem>>, vector<16xf32>,
      tpu.vector_store %arg21[%swap3A_311, %swap3A_312], %add3A_309 {strides = array<i32>} : memref<48x16xf32, #tpu.memory_space<vmem>>, vector<16xf32>,
      %broadcast_in_dim3A_314 = arith.constant 0.000000e+00 : f32
      %broadcast_in_dim3A_315 = vector.broadcast %broadcast_in_dim3A_314 : f32 to vector<16xf32>
      %slice3A_316 = vector.extract_strided_slice %add3A_185 {offsets = [13], sizes = [1], strides = [1]} : vector<16xf32> to vector<1xf32>
      %squeeze3A_317 = vector.extract %slice3A_316[0] : f32 from vector<1xf32>
      %add3A_318 = vector.broadcast %squeeze3A_317 : f32 to vector<16xf32>
      %add3A_319 = arith.addf %broadcast_in_dim3A_315, %add3A_318 : vector<16xf32>
      %swap3A_320 = arith.constant 13 : i32
      %swap3A_321 = arith.index_cast %swap3A_320 : i32 to index
      %swap3A_322 = arith.constant 0 : index
      %swap3A_323 = tpu.vector_load %arg21[%swap3A_321, %swap3A_322] {strides = array<i32>} : memref<48x16xf32, #tpu.memory_space<vmem>>, vector<16xf32>,
      tpu.vector_store %arg21[%swap3A_321, %swap3A_322], %add3A_319 {strides = array<i32>} : memref<48x16xf32, #tpu.memory_space<vmem>>, vector<16xf32>,
      %broadcast_in_dim3A_324 = arith.constant 0.000000e+00 : f32
      %broadcast_in_dim3A_325 = vector.broadcast %broadcast_in_dim3A_324 : f32 to vector<16xf32>
      %slice3A_326 = vector.extract_strided_slice %add3A_185 {offsets = [14], sizes = [1], strides = [1]} : vector<16xf32> to vector<1xf32>
      %squeeze3A_327 = vector.extract %slice3A_326[0] : f32 from vector<1xf32>
      %add3A_328 = vector.broadcast %squeeze3A_327 : f32 to vector<16xf32>
      %add3A_329 = arith.addf %broadcast_in_dim3A_325, %add3A_328 : vector<16xf32>
      %swap3A_330 = arith.constant 14 : i32
      %swap3A_331 = arith.index_cast %swap3A_330 : i32 to index
      %swap3A_332 = arith.constant 0 : index
      %swap3A_333 = tpu.vector_load %arg21[%swap3A_331, %swap3A_332] {strides = array<i32>} : memref<48x16xf32, #tpu.memory_space<vmem>>, vector<16xf32>,
      tpu.vector_store %arg21[%swap3A_331, %swap3A_332], %add3A_329 {strides = array<i32>} : memref<48x16xf32, #tpu.memory_space<vmem>>, vector<16xf32>,
      %broadcast_in_dim3A_334 = arith.constant 0.000000e+00 : f32
      %broadcast_in_dim3A_335 = vector.broadcast %broadcast_in_dim3A_334 : f32 to vector<16xf32>
      %slice3A_336 = vector.extract_strided_slice %add3A_185 {offsets = [15], sizes = [1], strides = [1]} : vector<16xf32> to vector<1xf32>
      %squeeze3A_337 = vector.extract %slice3A_336[0] : f32 from vector<1xf32>
      %add3A_338 = vector.broadcast %squeeze3A_337 : f32 to vector<16xf32>
      %add3A_339 = arith.addf %broadcast_in_dim3A_335, %add3A_338 : vector<16xf32>
      %swap3A_340 = arith.constant 15 : i32
      %swap3A_341 = arith.index_cast %swap3A_340 : i32 to index
      %swap3A_342 = arith.constant 0 : index
      %swap3A_343 = tpu.vector_load %arg21[%swap3A_341, %swap3A_342] {strides = array<i32>} : memref<48x16xf32, #tpu.memory_space<vmem>>, vector<16xf32>,
      tpu.vector_store %arg21[%swap3A_341, %swap3A_342], %add3A_339 {strides = array<i32>} : memref<48x16xf32, #tpu.memory_space<vmem>>, vector<16xf32>,
      %get3A_344 = arith.constant 16 : index
      %get3A_345 = tpu.vector_load %arg10[%get3A_344] {strides = array<i32>} : memref<48xi32, #tpu.memory_space<vmem>>, vector<16xi32>,
      %get3A_346 = arith.constant 16 : index
      %get3A_347 = tpu.vector_load %arg11[%get3A_346] {strides = array<i32>} : memref<48xi32, #tpu.memory_space<vmem>>, vector<16xi32>,
      %iota3A_348 = tpu.iota {dimensions = array<i32: 0>} : vector<16xi32>
      %add3A_349 = arith.constant 16 : i32
      %add3A_350 = vector.broadcast %add3A_349 : i32 to vector<16xi32>
      %add3A_351 = arith.addi %add3A_350, %iota3A_348 : vector<16xi32>
      %broadcast_in_dim3A_352 = arith.constant 128 : i32
      %broadcast_in_dim3A_353 = vector.broadcast %broadcast_in_dim3A_352 : i32 to vector<16xi32>
      %gather3A_354 = tpu.vector_load_idx %arg38[%get3A_345] : memref<10000xi32, #tpu.memory_space<vmem>>[vector<16xi32>], vector<16xi32>,
      %gather3A_355 = tpu.vector_load_idx %arg38[%get3A_347] : memref<10000xi32, #tpu.memory_space<vmem>>[vector<16xi32>], vector<16xi32>,
      %and3A_356 = arith.constant -65536 : i32
      %and3A_357 = vector.broadcast %and3A_356 : i32 to vector<16xi32>
      %and3A_358 = arith.andi %gather3A_354, %and3A_357 : vector<16xi32>
      %bitcast3A_359 = vector.bitcast %and3A_358 : vector<16xi32> to vector<16xf32>
      %shift_left3A_360 = arith.constant 16 : i32
      %shift_left3A_361 = vector.broadcast %shift_left3A_360 : i32 to vector<16xi32>
      %shift_left3A_362 = arith.shli %gather3A_355, %shift_left3A_361 : vector<16xi32>
      %bitcast3A_363 = vector.bitcast %shift_left3A_362 : vector<16xi32> to vector<16xf32>
      %add3A_364 = arith.addf %bitcast3A_359, %bitcast3A_363 : vector<16xf32>
      %gather3A_365 = tpu.vector_load_idx %arg15[%add3A_351, %broadcast_in_dim3A_353] : memref<48x144xf32, #tpu.memory_space<vmem>>[vector<16xi32>, vector<16xi32>], vector<16xf32>,
      %add3A_366 = arith.addf %add3A_364, %gather3A_365 : vector<16xf32>
      %broadcast_in_dim3A_367 = arith.constant 0.000000e+00 : f32
      %broadcast_in_dim3A_368 = vector.broadcast %broadcast_in_dim3A_367 : f32 to vector<16xf32>
      %slice3A_369 = vector.extract_strided_slice %add3A_366 {offsets = [0], sizes = [1], strides = [1]} : vector<16xf32> to vector<1xf32>
      %squeeze3A_370 = vector.extract %slice3A_369[0] : f32 from vector<1xf32>
      %add3A_371 = vector.broadcast %squeeze3A_370 : f32 to vector<16xf32>
      %add3A_372 = arith.addf %broadcast_in_dim3A_368, %add3A_371 : vector<16xf32>
      %swap3A_373 = arith.constant 16 : i32
      %swap3A_374 = arith.index_cast %swap3A_373 : i32 to index
      %swap3A_375 = arith.constant 0 : index
      %swap3A_376 = tpu.vector_load %arg21[%swap3A_374, %swap3A_375] {strides = array<i32>} : memref<48x16xf32, #tpu.memory_space<vmem>>, vector<16xf32>,
      tpu.vector_store %arg21[%swap3A_374, %swap3A_375], %add3A_372 {strides = array<i32>} : memref<48x16xf32, #tpu.memory_space<vmem>>, vector<16xf32>,
      %broadcast_in_dim3A_377 = arith.constant 0.000000e+00 : f32
      %broadcast_in_dim3A_378 = vector.broadcast %broadcast_in_dim3A_377 : f32 to vector<16xf32>
      %slice3A_379 = vector.extract_strided_slice %add3A_366 {offsets = [1], sizes = [1], strides = [1]} : vector<16xf32> to vector<1xf32>
      %squeeze3A_380 = vector.extract %slice3A_379[0] : f32 from vector<1xf32>
      %add3A_381 = vector.broadcast %squeeze3A_380 : f32 to vector<16xf32>
      %add3A_382 = arith.addf %broadcast_in_dim3A_378, %add3A_381 : vector<16xf32>
      %swap3A_383 = arith.constant 17 : i32
      %swap3A_384 = arith.index_cast %swap3A_383 : i32 to index
      %swap3A_385 = arith.constant 0 : index
      %swap3A_386 = tpu.vector_load %arg21[%swap3A_384, %swap3A_385] {strides = array<i32>} : memref<48x16xf32, #tpu.memory_space<vmem>>, vector<16xf32>,
      tpu.vector_store %arg21[%swap3A_384, %swap3A_385], %add3A_382 {strides = array<i32>} : memref<48x16xf32, #tpu.memory_space<vmem>>, vector<16xf32>,
      %broadcast_in_dim3A_387 = arith.constant 0.000000e+00 : f32
      %broadcast_in_dim3A_388 = vector.broadcast %broadcast_in_dim3A_387 : f32 to vector<16xf32>
      %slice3A_389 = vector.extract_strided_slice %add3A_366 {offsets = [2], sizes = [1], strides = [1]} : vector<16xf32> to vector<1xf32>
      %squeeze3A_390 = vector.extract %slice3A_389[0] : f32 from vector<1xf32>
      %add3A_391 = vector.broadcast %squeeze3A_390 : f32 to vector<16xf32>
      %add3A_392 = arith.addf %broadcast_in_dim3A_388, %add3A_391 : vector<16xf32>
      %swap3A_393 = arith.constant 18 : i32
      %swap3A_394 = arith.index_cast %swap3A_393 : i32 to index
      %swap3A_395 = arith.constant 0 : index
      %swap3A_396 = tpu.vector_load %arg21[%swap3A_394, %swap3A_395] {strides = array<i32>} : memref<48x16xf32, #tpu.memory_space<vmem>>, vector<16xf32>,
      tpu.vector_store %arg21[%swap3A_394, %swap3A_395], %add3A_392 {strides = array<i32>} : memref<48x16xf32, #tpu.memory_space<vmem>>, vector<16xf32>,
      %broadcast_in_dim3A_397 = arith.constant 0.000000e+00 : f32
      %broadcast_in_dim3A_398 = vector.broadcast %broadcast_in_dim3A_397 : f32 to vector<16xf32>
      %slice3A_399 = vector.extract_strided_slice %add3A_366 {offsets = [3], sizes = [1], strides = [1]} : vector<16xf32> to vector<1xf32>
      %squeeze3A_400 = vector.extract %slice3A_399[0] : f32 from vector<1xf32>
      %add3A_401 = vector.broadcast %squeeze3A_400 : f32 to vector<16xf32>
      %add3A_402 = arith.addf %broadcast_in_dim3A_398, %add3A_401 : vector<16xf32>
      %swap3A_403 = arith.constant 19 : i32
      %swap3A_404 = arith.index_cast %swap3A_403 : i32 to index
      %swap3A_405 = arith.constant 0 : index
      %swap3A_406 = tpu.vector_load %arg21[%swap3A_404, %swap3A_405] {strides = array<i32>} : memref<48x16xf32, #tpu.memory_space<vmem>>, vector<16xf32>,
      tpu.vector_store %arg21[%swap3A_404, %swap3A_405], %add3A_402 {strides = array<i32>} : memref<48x16xf32, #tpu.memory_space<vmem>>, vector<16xf32>,
      %broadcast_in_dim3A_407 = arith.constant 0.000000e+00 : f32
      %broadcast_in_dim3A_408 = vector.broadcast %broadcast_in_dim3A_407 : f32 to vector<16xf32>
      %slice3A_409 = vector.extract_strided_slice %add3A_366 {offsets = [4], sizes = [1], strides = [1]} : vector<16xf32> to vector<1xf32>
      %squeeze3A_410 = vector.extract %slice3A_409[0] : f32 from vector<1xf32>
      %add3A_411 = vector.broadcast %squeeze3A_410 : f32 to vector<16xf32>
      %add3A_412 = arith.addf %broadcast_in_dim3A_408, %add3A_411 : vector<16xf32>
      %swap3A_413 = arith.constant 20 : i32
      %swap3A_414 = arith.index_cast %swap3A_413 : i32 to index
      %swap3A_415 = arith.constant 0 : index
      %swap3A_416 = tpu.vector_load %arg21[%swap3A_414, %swap3A_415] {strides = array<i32>} : memref<48x16xf32, #tpu.memory_space<vmem>>, vector<16xf32>,
      tpu.vector_store %arg21[%swap3A_414, %swap3A_415], %add3A_412 {strides = array<i32>} : memref<48x16xf32, #tpu.memory_space<vmem>>, vector<16xf32>,
      %broadcast_in_dim3A_417 = arith.constant 0.000000e+00 : f32
      %broadcast_in_dim3A_418 = vector.broadcast %broadcast_in_dim3A_417 : f32 to vector<16xf32>
      %slice3A_419 = vector.extract_strided_slice %add3A_366 {offsets = [5], sizes = [1], strides = [1]} : vector<16xf32> to vector<1xf32>
      %squeeze3A_420 = vector.extract %slice3A_419[0] : f32 from vector<1xf32>
      %add3A_421 = vector.broadcast %squeeze3A_420 : f32 to vector<16xf32>
      %add3A_422 = arith.addf %broadcast_in_dim3A_418, %add3A_421 : vector<16xf32>
      %swap3A_423 = arith.constant 21 : i32
      %swap3A_424 = arith.index_cast %swap3A_423 : i32 to index
      %swap3A_425 = arith.constant 0 : index
      %swap3A_426 = tpu.vector_load %arg21[%swap3A_424, %swap3A_425] {strides = array<i32>} : memref<48x16xf32, #tpu.memory_space<vmem>>, vector<16xf32>,
      tpu.vector_store %arg21[%swap3A_424, %swap3A_425], %add3A_422 {strides = array<i32>} : memref<48x16xf32, #tpu.memory_space<vmem>>, vector<16xf32>,
      %broadcast_in_dim3A_427 = arith.constant 0.000000e+00 : f32
      %broadcast_in_dim3A_428 = vector.broadcast %broadcast_in_dim3A_427 : f32 to vector<16xf32>
      %slice3A_429 = vector.extract_strided_slice %add3A_366 {offsets = [6], sizes = [1], strides = [1]} : vector<16xf32> to vector<1xf32>
      %squeeze3A_430 = vector.extract %slice3A_429[0] : f32 from vector<1xf32>
      %add3A_431 = vector.broadcast %squeeze3A_430 : f32 to vector<16xf32>
      %add3A_432 = arith.addf %broadcast_in_dim3A_428, %add3A_431 : vector<16xf32>
      %swap3A_433 = arith.constant 22 : i32
      %swap3A_434 = arith.index_cast %swap3A_433 : i32 to index
      %swap3A_435 = arith.constant 0 : index
      %swap3A_436 = tpu.vector_load %arg21[%swap3A_434, %swap3A_435] {strides = array<i32>} : memref<48x16xf32, #tpu.memory_space<vmem>>, vector<16xf32>,
      tpu.vector_store %arg21[%swap3A_434, %swap3A_435], %add3A_432 {strides = array<i32>} : memref<48x16xf32, #tpu.memory_space<vmem>>, vector<16xf32>,
      %broadcast_in_dim3A_437 = arith.constant 0.000000e+00 : f32
      %broadcast_in_dim3A_438 = vector.broadcast %broadcast_in_dim3A_437 : f32 to vector<16xf32>
      %slice3A_439 = vector.extract_strided_slice %add3A_366 {offsets = [7], sizes = [1], strides = [1]} : vector<16xf32> to vector<1xf32>
      %squeeze3A_440 = vector.extract %slice3A_439[0] : f32 from vector<1xf32>
      %add3A_441 = vector.broadcast %squeeze3A_440 : f32 to vector<16xf32>
      %add3A_442 = arith.addf %broadcast_in_dim3A_438, %add3A_441 : vector<16xf32>
      %swap3A_443 = arith.constant 23 : i32
      %swap3A_444 = arith.index_cast %swap3A_443 : i32 to index
      %swap3A_445 = arith.constant 0 : index
      %swap3A_446 = tpu.vector_load %arg21[%swap3A_444, %swap3A_445] {strides = array<i32>} : memref<48x16xf32, #tpu.memory_space<vmem>>, vector<16xf32>,
      tpu.vector_store %arg21[%swap3A_444, %swap3A_445], %add3A_442 {strides = array<i32>} : memref<48x16xf32, #tpu.memory_space<vmem>>, vector<16xf32>,
      %broadcast_in_dim3A_447 = arith.constant 0.000000e+00 : f32
      %broadcast_in_dim3A_448 = vector.broadcast %broadcast_in_dim3A_447 : f32 to vector<16xf32>
      %slice3A_449 = vector.extract_strided_slice %add3A_366 {offsets = [8], sizes = [1], strides = [1]} : vector<16xf32> to vector<1xf32>
      %squeeze3A_450 = vector.extract %slice3A_449[0] : f32 from vector<1xf32>
      %add3A_451 = vector.broadcast %squeeze3A_450 : f32 to vector<16xf32>
      %add3A_452 = arith.addf %broadcast_in_dim3A_448, %add3A_451 : vector<16xf32>
      %swap3A_453 = arith.constant 24 : i32
      %swap3A_454 = arith.index_cast %swap3A_453 : i32 to index
      %swap3A_455 = arith.constant 0 : index
      %swap3A_456 = tpu.vector_load %arg21[%swap3A_454, %swap3A_455] {strides = array<i32>} : memref<48x16xf32, #tpu.memory_space<vmem>>, vector<16xf32>,
      tpu.vector_store %arg21[%swap3A_454, %swap3A_455], %add3A_452 {strides = array<i32>} : memref<48x16xf32, #tpu.memory_space<vmem>>, vector<16xf32>,
      %broadcast_in_dim3A_457 = arith.constant 0.000000e+00 : f32
      %broadcast_in_dim3A_458 = vector.broadcast %broadcast_in_dim3A_457 : f32 to vector<16xf32>
      %slice3A_459 = vector.extract_strided_slice %add3A_366 {offsets = [9], sizes = [1], strides = [1]} : vector<16xf32> to vector<1xf32>
      %squeeze3A_460 = vector.extract %slice3A_459[0] : f32 from vector<1xf32>
      %add3A_461 = vector.broadcast %squeeze3A_460 : f32 to vector<16xf32>
      %add3A_462 = arith.addf %broadcast_in_dim3A_458, %add3A_461 : vector<16xf32>
      %swap3A_463 = arith.constant 25 : i32
      %swap3A_464 = arith.index_cast %swap3A_463 : i32 to index
      %swap3A_465 = arith.constant 0 : index
      %swap3A_466 = tpu.vector_load %arg21[%swap3A_464, %swap3A_465] {strides = array<i32>} : memref<48x16xf32, #tpu.memory_space<vmem>>, vector<16xf32>,
      tpu.vector_store %arg21[%swap3A_464, %swap3A_465], %add3A_462 {strides = array<i32>} : memref<48x16xf32, #tpu.memory_space<vmem>>, vector<16xf32>,
      %broadcast_in_dim3A_467 = arith.constant 0.000000e+00 : f32
      %broadcast_in_dim3A_468 = vector.broadcast %broadcast_in_dim3A_467 : f32 to vector<16xf32>
      %slice3A_469 = vector.extract_strided_slice %add3A_366 {offsets = [10], sizes = [1], strides = [1]} : vector<16xf32> to vector<1xf32>
      %squeeze3A_470 = vector.extract %slice3A_469[0] : f32 from vector<1xf32>
      %add3A_471 = vector.broadcast %squeeze3A_470 : f32 to vector<16xf32>
      %add3A_472 = arith.addf %broadcast_in_dim3A_468, %add3A_471 : vector<16xf32>
      %swap3A_473 = arith.constant 26 : i32
      %swap3A_474 = arith.index_cast %swap3A_473 : i32 to index
      %swap3A_475 = arith.constant 0 : index
      %swap3A_476 = tpu.vector_load %arg21[%swap3A_474, %swap3A_475] {strides = array<i32>} : memref<48x16xf32, #tpu.memory_space<vmem>>, vector<16xf32>,
      tpu.vector_store %arg21[%swap3A_474, %swap3A_475], %add3A_472 {strides = array<i32>} : memref<48x16xf32, #tpu.memory_space<vmem>>, vector<16xf32>,
      %broadcast_in_dim3A_477 = arith.constant 0.000000e+00 : f32
      %broadcast_in_dim3A_478 = vector.broadcast %broadcast_in_dim3A_477 : f32 to vector<16xf32>
      %slice3A_479 = vector.extract_strided_slice %add3A_366 {offsets = [11], sizes = [1], strides = [1]} : vector<16xf32> to vector<1xf32>
      %squeeze3A_480 = vector.extract %slice3A_479[0] : f32 from vector<1xf32>
      %add3A_481 = vector.broadcast %squeeze3A_480 : f32 to vector<16xf32>
      %add3A_482 = arith.addf %broadcast_in_dim3A_478, %add3A_481 : vector<16xf32>
      %swap3A_483 = arith.constant 27 : i32
      %swap3A_484 = arith.index_cast %swap3A_483 : i32 to index
      %swap3A_485 = arith.constant 0 : index
      %swap3A_486 = tpu.vector_load %arg21[%swap3A_484, %swap3A_485] {strides = array<i32>} : memref<48x16xf32, #tpu.memory_space<vmem>>, vector<16xf32>,
      tpu.vector_store %arg21[%swap3A_484, %swap3A_485], %add3A_482 {strides = array<i32>} : memref<48x16xf32, #tpu.memory_space<vmem>>, vector<16xf32>,
      %broadcast_in_dim3A_487 = arith.constant 0.000000e+00 : f32
      %broadcast_in_dim3A_488 = vector.broadcast %broadcast_in_dim3A_487 : f32 to vector<16xf32>
      %slice3A_489 = vector.extract_strided_slice %add3A_366 {offsets = [12], sizes = [1], strides = [1]} : vector<16xf32> to vector<1xf32>
      %squeeze3A_490 = vector.extract %slice3A_489[0] : f32 from vector<1xf32>
      %add3A_491 = vector.broadcast %squeeze3A_490 : f32 to vector<16xf32>
      %add3A_492 = arith.addf %broadcast_in_dim3A_488, %add3A_491 : vector<16xf32>
      %swap3A_493 = arith.constant 28 : i32
      %swap3A_494 = arith.index_cast %swap3A_493 : i32 to index
      %swap3A_495 = arith.constant 0 : index
      %swap3A_496 = tpu.vector_load %arg21[%swap3A_494, %swap3A_495] {strides = array<i32>} : memref<48x16xf32, #tpu.memory_space<vmem>>, vector<16xf32>,
      tpu.vector_store %arg21[%swap3A_494, %swap3A_495], %add3A_492 {strides = array<i32>} : memref<48x16xf32, #tpu.memory_space<vmem>>, vector<16xf32>,
      %broadcast_in_dim3A_497 = arith.constant 0.000000e+00 : f32
      %broadcast_in_dim3A_498 = vector.broadcast %broadcast_in_dim3A_497 : f32 to vector<16xf32>
      %slice3A_499 = vector.extract_strided_slice %add3A_366 {offsets = [13], sizes = [1], strides = [1]} : vector<16xf32> to vector<1xf32>
      %squeeze3A_500 = vector.extract %slice3A_499[0] : f32 from vector<1xf32>
      %add3A_501 = vector.broadcast %squeeze3A_500 : f32 to vector<16xf32>
      %add3A_502 = arith.addf %broadcast_in_dim3A_498, %add3A_501 : vector<16xf32>
      %swap3A_503 = arith.constant 29 : i32
      %swap3A_504 = arith.index_cast %swap3A_503 : i32 to index
      %swap3A_505 = arith.constant 0 : index
      %swap3A_506 = tpu.vector_load %arg21[%swap3A_504, %swap3A_505] {strides = array<i32>} : memref<48x16xf32, #tpu.memory_space<vmem>>, vector<16xf32>,
      tpu.vector_store %arg21[%swap3A_504, %swap3A_505], %add3A_502 {strides = array<i32>} : memref<48x16xf32, #tpu.memory_space<vmem>>, vector<16xf32>,
      %broadcast_in_dim3A_507 = arith.constant 0.000000e+00 : f32
      %broadcast_in_dim3A_508 = vector.broadcast %broadcast_in_dim3A_507 : f32 to vector<16xf32>
      %slice3A_509 = vector.extract_strided_slice %add3A_366 {offsets = [14], sizes = [1], strides = [1]} : vector<16xf32> to vector<1xf32>
      %squeeze3A_510 = vector.extract %slice3A_509[0] : f32 from vector<1xf32>
      %add3A_511 = vector.broadcast %squeeze3A_510 : f32 to vector<16xf32>
      %add3A_512 = arith.addf %broadcast_in_dim3A_508, %add3A_511 : vector<16xf32>
      %swap3A_513 = arith.constant 30 : i32
      %swap3A_514 = arith.index_cast %swap3A_513 : i32 to index
      %swap3A_515 = arith.constant 0 : index
      %swap3A_516 = tpu.vector_load %arg21[%swap3A_514, %swap3A_515] {strides = array<i32>} : memref<48x16xf32, #tpu.memory_space<vmem>>, vector<16xf32>,
      tpu.vector_store %arg21[%swap3A_514, %swap3A_515], %add3A_512 {strides = array<i32>} : memref<48x16xf32, #tpu.memory_space<vmem>>, vector<16xf32>,
      %broadcast_in_dim3A_517 = arith.constant 0.000000e+00 : f32
      %broadcast_in_dim3A_518 = vector.broadcast %broadcast_in_dim3A_517 : f32 to vector<16xf32>
      %slice3A_519 = vector.extract_strided_slice %add3A_366 {offsets = [15], sizes = [1], strides = [1]} : vector<16xf32> to vector<1xf32>
      %squeeze3A_520 = vector.extract %slice3A_519[0] : f32 from vector<1xf32>
      %add3A_521 = vector.broadcast %squeeze3A_520 : f32 to vector<16xf32>
      %add3A_522 = arith.addf %broadcast_in_dim3A_518, %add3A_521 : vector<16xf32>
      %swap3A_523 = arith.constant 31 : i32
      %swap3A_524 = arith.index_cast %swap3A_523 : i32 to index
      %swap3A_525 = arith.constant 0 : index
      %swap3A_526 = tpu.vector_load %arg21[%swap3A_524, %swap3A_525] {strides = array<i32>} : memref<48x16xf32, #tpu.memory_space<vmem>>, vector<16xf32>,
      tpu.vector_store %arg21[%swap3A_524, %swap3A_525], %add3A_522 {strides = array<i32>} : memref<48x16xf32, #tpu.memory_space<vmem>>, vector<16xf32>,
      %get3A_527 = arith.constant 32 : index
      %get3A_528 = tpu.vector_load %arg10[%get3A_527] {strides = array<i32>} : memref<48xi32, #tpu.memory_space<vmem>>, vector<16xi32>,
      %get3A_529 = arith.constant 32 : index
      %get3A_530 = tpu.vector_load %arg11[%get3A_529] {strides = array<i32>} : memref<48xi32, #tpu.memory_space<vmem>>, vector<16xi32>,
      %iota3A_531 = tpu.iota {dimensions = array<i32: 0>} : vector<16xi32>
      %add3A_532 = arith.constant 32 : i32
      %add3A_533 = vector.broadcast %add3A_532 : i32 to vector<16xi32>
      %add3A_534 = arith.addi %add3A_533, %iota3A_531 : vector<16xi32>
      %broadcast_in_dim3A_535 = arith.constant 128 : i32
      %broadcast_in_dim3A_536 = vector.broadcast %broadcast_in_dim3A_535 : i32 to vector<16xi32>
      %gather3A_537 = tpu.vector_load_idx %arg38[%get3A_528] : memref<10000xi32, #tpu.memory_space<vmem>>[vector<16xi32>], vector<16xi32>,
      %gather3A_538 = tpu.vector_load_idx %arg38[%get3A_530] : memref<10000xi32, #tpu.memory_space<vmem>>[vector<16xi32>], vector<16xi32>,
      %and3A_539 = arith.constant -65536 : i32
      %and3A_540 = vector.broadcast %and3A_539 : i32 to vector<16xi32>
      %and3A_541 = arith.andi %gather3A_537, %and3A_540 : vector<16xi32>
      %bitcast3A_542 = vector.bitcast %and3A_541 : vector<16xi32> to vector<16xf32>
      %shift_left3A_543 = arith.constant 16 : i32
      %shift_left3A_544 = vector.broadcast %shift_left3A_543 : i32 to vector<16xi32>
      %shift_left3A_545 = arith.shli %gather3A_538, %shift_left3A_544 : vector<16xi32>
      %bitcast3A_546 = vector.bitcast %shift_left3A_545 : vector<16xi32> to vector<16xf32>
      %add3A_547 = arith.addf %bitcast3A_542, %bitcast3A_546 : vector<16xf32>
      %gather3A_548 = tpu.vector_load_idx %arg15[%add3A_534, %broadcast_in_dim3A_536] : memref<48x144xf32, #tpu.memory_space<vmem>>[vector<16xi32>, vector<16xi32>], vector<16xf32>,
      %add3A_549 = arith.addf %add3A_547, %gather3A_548 : vector<16xf32>
      %broadcast_in_dim3A_550 = arith.constant 0.000000e+00 : f32
      %broadcast_in_dim3A_551 = vector.broadcast %broadcast_in_dim3A_550 : f32 to vector<16xf32>
      %slice3A_552 = vector.extract_strided_slice %add3A_549 {offsets = [0], sizes = [1], strides = [1]} : vector<16xf32> to vector<1xf32>
      %squeeze3A_553 = vector.extract %slice3A_552[0] : f32 from vector<1xf32>
      %add3A_554 = vector.broadcast %squeeze3A_553 : f32 to vector<16xf32>
      %add3A_555 = arith.addf %broadcast_in_dim3A_551, %add3A_554 : vector<16xf32>
      %swap3A_556 = arith.constant 32 : i32
      %swap3A_557 = arith.index_cast %swap3A_556 : i32 to index
      %swap3A_558 = arith.constant 0 : index
      %swap3A_559 = tpu.vector_load %arg21[%swap3A_557, %swap3A_558] {strides = array<i32>} : memref<48x16xf32, #tpu.memory_space<vmem>>, vector<16xf32>,
      tpu.vector_store %arg21[%swap3A_557, %swap3A_558], %add3A_555 {strides = array<i32>} : memref<48x16xf32, #tpu.memory_space<vmem>>, vector<16xf32>,
      %broadcast_in_dim3A_560 = arith.constant 0.000000e+00 : f32
      %broadcast_in_dim3A_561 = vector.broadcast %broadcast_in_dim3A_560 : f32 to vector<16xf32>
      %slice3A_562 = vector.extract_strided_slice %add3A_549 {offsets = [1], sizes = [1], strides = [1]} : vector<16xf32> to vector<1xf32>
      %squeeze3A_563 = vector.extract %slice3A_562[0] : f32 from vector<1xf32>
      %add3A_564 = vector.broadcast %squeeze3A_563 : f32 to vector<16xf32>
      %add3A_565 = arith.addf %broadcast_in_dim3A_561, %add3A_564 : vector<16xf32>
      %swap3A_566 = arith.constant 33 : i32
      %swap3A_567 = arith.index_cast %swap3A_566 : i32 to index
      %swap3A_568 = arith.constant 0 : index
      %swap3A_569 = tpu.vector_load %arg21[%swap3A_567, %swap3A_568] {strides = array<i32>} : memref<48x16xf32, #tpu.memory_space<vmem>>, vector<16xf32>,
      tpu.vector_store %arg21[%swap3A_567, %swap3A_568], %add3A_565 {strides = array<i32>} : memref<48x16xf32, #tpu.memory_space<vmem>>, vector<16xf32>,
      %broadcast_in_dim3A_570 = arith.constant 0.000000e+00 : f32
      %broadcast_in_dim3A_571 = vector.broadcast %broadcast_in_dim3A_570 : f32 to vector<16xf32>
      %slice3A_572 = vector.extract_strided_slice %add3A_549 {offsets = [2], sizes = [1], strides = [1]} : vector<16xf32> to vector<1xf32>
      %squeeze3A_573 = vector.extract %slice3A_572[0] : f32 from vector<1xf32>
      %add3A_574 = vector.broadcast %squeeze3A_573 : f32 to vector<16xf32>
      %add3A_575 = arith.addf %broadcast_in_dim3A_571, %add3A_574 : vector<16xf32>
      %swap3A_576 = arith.constant 34 : i32
      %swap3A_577 = arith.index_cast %swap3A_576 : i32 to index
      %swap3A_578 = arith.constant 0 : index
      %swap3A_579 = tpu.vector_load %arg21[%swap3A_577, %swap3A_578] {strides = array<i32>} : memref<48x16xf32, #tpu.memory_space<vmem>>, vector<16xf32>,
      tpu.vector_store %arg21[%swap3A_577, %swap3A_578], %add3A_575 {strides = array<i32>} : memref<48x16xf32, #tpu.memory_space<vmem>>, vector<16xf32>,
      %broadcast_in_dim3A_580 = arith.constant 0.000000e+00 : f32
      %broadcast_in_dim3A_581 = vector.broadcast %broadcast_in_dim3A_580 : f32 to vector<16xf32>
      %slice3A_582 = vector.extract_strided_slice %add3A_549 {offsets = [3], sizes = [1], strides = [1]} : vector<16xf32> to vector<1xf32>
      %squeeze3A_583 = vector.extract %slice3A_582[0] : f32 from vector<1xf32>
      %add3A_584 = vector.broadcast %squeeze3A_583 : f32 to vector<16xf32>
      %add3A_585 = arith.addf %broadcast_in_dim3A_581, %add3A_584 : vector<16xf32>
      %swap3A_586 = arith.constant 35 : i32
      %swap3A_587 = arith.index_cast %swap3A_586 : i32 to index
      %swap3A_588 = arith.constant 0 : index
      %swap3A_589 = tpu.vector_load %arg21[%swap3A_587, %swap3A_588] {strides = array<i32>} : memref<48x16xf32, #tpu.memory_space<vmem>>, vector<16xf32>,
      tpu.vector_store %arg21[%swap3A_587, %swap3A_588], %add3A_585 {strides = array<i32>} : memref<48x16xf32, #tpu.memory_space<vmem>>, vector<16xf32>,
      %broadcast_in_dim3A_590 = arith.constant 0.000000e+00 : f32
      %broadcast_in_dim3A_591 = vector.broadcast %broadcast_in_dim3A_590 : f32 to vector<16xf32>
      %slice3A_592 = vector.extract_strided_slice %add3A_549 {offsets = [4], sizes = [1], strides = [1]} : vector<16xf32> to vector<1xf32>
      %squeeze3A_593 = vector.extract %slice3A_592[0] : f32 from vector<1xf32>
      %add3A_594 = vector.broadcast %squeeze3A_593 : f32 to vector<16xf32>
      %add3A_595 = arith.addf %broadcast_in_dim3A_591, %add3A_594 : vector<16xf32>
      %swap3A_596 = arith.constant 36 : i32
      %swap3A_597 = arith.index_cast %swap3A_596 : i32 to index
      %swap3A_598 = arith.constant 0 : index
      %swap3A_599 = tpu.vector_load %arg21[%swap3A_597, %swap3A_598] {strides = array<i32>} : memref<48x16xf32, #tpu.memory_space<vmem>>, vector<16xf32>,
      tpu.vector_store %arg21[%swap3A_597, %swap3A_598], %add3A_595 {strides = array<i32>} : memref<48x16xf32, #tpu.memory_space<vmem>>, vector<16xf32>,
      %broadcast_in_dim3A_600 = arith.constant 0.000000e+00 : f32
      %broadcast_in_dim3A_601 = vector.broadcast %broadcast_in_dim3A_600 : f32 to vector<16xf32>
      %slice3A_602 = vector.extract_strided_slice %add3A_549 {offsets = [5], sizes = [1], strides = [1]} : vector<16xf32> to vector<1xf32>
      %squeeze3A_603 = vector.extract %slice3A_602[0] : f32 from vector<1xf32>
      %add3A_604 = vector.broadcast %squeeze3A_603 : f32 to vector<16xf32>
      %add3A_605 = arith.addf %broadcast_in_dim3A_601, %add3A_604 : vector<16xf32>
      %swap3A_606 = arith.constant 37 : i32
      %swap3A_607 = arith.index_cast %swap3A_606 : i32 to index
      %swap3A_608 = arith.constant 0 : index
      %swap3A_609 = tpu.vector_load %arg21[%swap3A_607, %swap3A_608] {strides = array<i32>} : memref<48x16xf32, #tpu.memory_space<vmem>>, vector<16xf32>,
      tpu.vector_store %arg21[%swap3A_607, %swap3A_608], %add3A_605 {strides = array<i32>} : memref<48x16xf32, #tpu.memory_space<vmem>>, vector<16xf32>,
      %broadcast_in_dim3A_610 = arith.constant 0.000000e+00 : f32
      %broadcast_in_dim3A_611 = vector.broadcast %broadcast_in_dim3A_610 : f32 to vector<16xf32>
      %slice3A_612 = vector.extract_strided_slice %add3A_549 {offsets = [6], sizes = [1], strides = [1]} : vector<16xf32> to vector<1xf32>
      %squeeze3A_613 = vector.extract %slice3A_612[0] : f32 from vector<1xf32>
      %add3A_614 = vector.broadcast %squeeze3A_613 : f32 to vector<16xf32>
      %add3A_615 = arith.addf %broadcast_in_dim3A_611, %add3A_614 : vector<16xf32>
      %swap3A_616 = arith.constant 38 : i32
      %swap3A_617 = arith.index_cast %swap3A_616 : i32 to index
      %swap3A_618 = arith.constant 0 : index
      %swap3A_619 = tpu.vector_load %arg21[%swap3A_617, %swap3A_618] {strides = array<i32>} : memref<48x16xf32, #tpu.memory_space<vmem>>, vector<16xf32>,
      tpu.vector_store %arg21[%swap3A_617, %swap3A_618], %add3A_615 {strides = array<i32>} : memref<48x16xf32, #tpu.memory_space<vmem>>, vector<16xf32>,
      %broadcast_in_dim3A_620 = arith.constant 0.000000e+00 : f32
      %broadcast_in_dim3A_621 = vector.broadcast %broadcast_in_dim3A_620 : f32 to vector<16xf32>
      %slice3A_622 = vector.extract_strided_slice %add3A_549 {offsets = [7], sizes = [1], strides = [1]} : vector<16xf32> to vector<1xf32>
      %squeeze3A_623 = vector.extract %slice3A_622[0] : f32 from vector<1xf32>
      %add3A_624 = vector.broadcast %squeeze3A_623 : f32 to vector<16xf32>
      %add3A_625 = arith.addf %broadcast_in_dim3A_621, %add3A_624 : vector<16xf32>
      %swap3A_626 = arith.constant 39 : i32
      %swap3A_627 = arith.index_cast %swap3A_626 : i32 to index
      %swap3A_628 = arith.constant 0 : index
      %swap3A_629 = tpu.vector_load %arg21[%swap3A_627, %swap3A_628] {strides = array<i32>} : memref<48x16xf32, #tpu.memory_space<vmem>>, vector<16xf32>,
      tpu.vector_store %arg21[%swap3A_627, %swap3A_628], %add3A_625 {strides = array<i32>} : memref<48x16xf32, #tpu.memory_space<vmem>>, vector<16xf32>,
      %broadcast_in_dim3A_630 = arith.constant 0.000000e+00 : f32
      %broadcast_in_dim3A_631 = vector.broadcast %broadcast_in_dim3A_630 : f32 to vector<16xf32>
      %slice3A_632 = vector.extract_strided_slice %add3A_549 {offsets = [8], sizes = [1], strides = [1]} : vector<16xf32> to vector<1xf32>
      %squeeze3A_633 = vector.extract %slice3A_632[0] : f32 from vector<1xf32>
      %add3A_634 = vector.broadcast %squeeze3A_633 : f32 to vector<16xf32>
      %add3A_635 = arith.addf %broadcast_in_dim3A_631, %add3A_634 : vector<16xf32>
      %swap3A_636 = arith.constant 40 : i32
      %swap3A_637 = arith.index_cast %swap3A_636 : i32 to index
      %swap3A_638 = arith.constant 0 : index
      %swap3A_639 = tpu.vector_load %arg21[%swap3A_637, %swap3A_638] {strides = array<i32>} : memref<48x16xf32, #tpu.memory_space<vmem>>, vector<16xf32>,
      tpu.vector_store %arg21[%swap3A_637, %swap3A_638], %add3A_635 {strides = array<i32>} : memref<48x16xf32, #tpu.memory_space<vmem>>, vector<16xf32>,
      %broadcast_in_dim3A_640 = arith.constant 0.000000e+00 : f32
      %broadcast_in_dim3A_641 = vector.broadcast %broadcast_in_dim3A_640 : f32 to vector<16xf32>
      %slice3A_642 = vector.extract_strided_slice %add3A_549 {offsets = [9], sizes = [1], strides = [1]} : vector<16xf32> to vector<1xf32>
      %squeeze3A_643 = vector.extract %slice3A_642[0] : f32 from vector<1xf32>
      %add3A_644 = vector.broadcast %squeeze3A_643 : f32 to vector<16xf32>
      %add3A_645 = arith.addf %broadcast_in_dim3A_641, %add3A_644 : vector<16xf32>
      %swap3A_646 = arith.constant 41 : i32
      %swap3A_647 = arith.index_cast %swap3A_646 : i32 to index
      %swap3A_648 = arith.constant 0 : index
      %swap3A_649 = tpu.vector_load %arg21[%swap3A_647, %swap3A_648] {strides = array<i32>} : memref<48x16xf32, #tpu.memory_space<vmem>>, vector<16xf32>,
      tpu.vector_store %arg21[%swap3A_647, %swap3A_648], %add3A_645 {strides = array<i32>} : memref<48x16xf32, #tpu.memory_space<vmem>>, vector<16xf32>,
      %broadcast_in_dim3A_650 = arith.constant 0.000000e+00 : f32
      %broadcast_in_dim3A_651 = vector.broadcast %broadcast_in_dim3A_650 : f32 to vector<16xf32>
      %slice3A_652 = vector.extract_strided_slice %add3A_549 {offsets = [10], sizes = [1], strides = [1]} : vector<16xf32> to vector<1xf32>
      %squeeze3A_653 = vector.extract %slice3A_652[0] : f32 from vector<1xf32>
      %add3A_654 = vector.broadcast %squeeze3A_653 : f32 to vector<16xf32>
      %add3A_655 = arith.addf %broadcast_in_dim3A_651, %add3A_654 : vector<16xf32>
      %swap3A_656 = arith.constant 42 : i32
      %swap3A_657 = arith.index_cast %swap3A_656 : i32 to index
      %swap3A_658 = arith.constant 0 : index
      %swap3A_659 = tpu.vector_load %arg21[%swap3A_657, %swap3A_658] {strides = array<i32>} : memref<48x16xf32, #tpu.memory_space<vmem>>, vector<16xf32>,
      tpu.vector_store %arg21[%swap3A_657, %swap3A_658], %add3A_655 {strides = array<i32>} : memref<48x16xf32, #tpu.memory_space<vmem>>, vector<16xf32>,
      %broadcast_in_dim3A_660 = arith.constant 0.000000e+00 : f32
      %broadcast_in_dim3A_661 = vector.broadcast %broadcast_in_dim3A_660 : f32 to vector<16xf32>
      %slice3A_662 = vector.extract_strided_slice %add3A_549 {offsets = [11], sizes = [1], strides = [1]} : vector<16xf32> to vector<1xf32>
      %squeeze3A_663 = vector.extract %slice3A_662[0] : f32 from vector<1xf32>
      %add3A_664 = vector.broadcast %squeeze3A_663 : f32 to vector<16xf32>
      %add3A_665 = arith.addf %broadcast_in_dim3A_661, %add3A_664 : vector<16xf32>
      %swap3A_666 = arith.constant 43 : i32
      %swap3A_667 = arith.index_cast %swap3A_666 : i32 to index
      %swap3A_668 = arith.constant 0 : index
      %swap3A_669 = tpu.vector_load %arg21[%swap3A_667, %swap3A_668] {strides = array<i32>} : memref<48x16xf32, #tpu.memory_space<vmem>>, vector<16xf32>,
      tpu.vector_store %arg21[%swap3A_667, %swap3A_668], %add3A_665 {strides = array<i32>} : memref<48x16xf32, #tpu.memory_space<vmem>>, vector<16xf32>,
      %broadcast_in_dim3A_670 = arith.constant 0.000000e+00 : f32
      %broadcast_in_dim3A_671 = vector.broadcast %broadcast_in_dim3A_670 : f32 to vector<16xf32>
      %slice3A_672 = vector.extract_strided_slice %add3A_549 {offsets = [12], sizes = [1], strides = [1]} : vector<16xf32> to vector<1xf32>
      %squeeze3A_673 = vector.extract %slice3A_672[0] : f32 from vector<1xf32>
      %add3A_674 = vector.broadcast %squeeze3A_673 : f32 to vector<16xf32>
      %add3A_675 = arith.addf %broadcast_in_dim3A_671, %add3A_674 : vector<16xf32>
      %swap3A_676 = arith.constant 44 : i32
      %swap3A_677 = arith.index_cast %swap3A_676 : i32 to index
      %swap3A_678 = arith.constant 0 : index
      %swap3A_679 = tpu.vector_load %arg21[%swap3A_677, %swap3A_678] {strides = array<i32>} : memref<48x16xf32, #tpu.memory_space<vmem>>, vector<16xf32>,
      tpu.vector_store %arg21[%swap3A_677, %swap3A_678], %add3A_675 {strides = array<i32>} : memref<48x16xf32, #tpu.memory_space<vmem>>, vector<16xf32>,
      %broadcast_in_dim3A_680 = arith.constant 0.000000e+00 : f32
      %broadcast_in_dim3A_681 = vector.broadcast %broadcast_in_dim3A_680 : f32 to vector<16xf32>
      %slice3A_682 = vector.extract_strided_slice %add3A_549 {offsets = [13], sizes = [1], strides = [1]} : vector<16xf32> to vector<1xf32>
      %squeeze3A_683 = vector.extract %slice3A_682[0] : f32 from vector<1xf32>
      %add3A_684 = vector.broadcast %squeeze3A_683 : f32 to vector<16xf32>
      %add3A_685 = arith.addf %broadcast_in_dim3A_681, %add3A_684 : vector<16xf32>
      %swap3A_686 = arith.constant 45 : i32
      %swap3A_687 = arith.index_cast %swap3A_686 : i32 to index
      %swap3A_688 = arith.constant 0 : index
      %swap3A_689 = tpu.vector_load %arg21[%swap3A_687, %swap3A_688] {strides = array<i32>} : memref<48x16xf32, #tpu.memory_space<vmem>>, vector<16xf32>,
      tpu.vector_store %arg21[%swap3A_687, %swap3A_688], %add3A_685 {strides = array<i32>} : memref<48x16xf32, #tpu.memory_space<vmem>>, vector<16xf32>,
      %broadcast_in_dim3A_690 = arith.constant 0.000000e+00 : f32
      %broadcast_in_dim3A_691 = vector.broadcast %broadcast_in_dim3A_690 : f32 to vector<16xf32>
      %slice3A_692 = vector.extract_strided_slice %add3A_549 {offsets = [14], sizes = [1], strides = [1]} : vector<16xf32> to vector<1xf32>
      %squeeze3A_693 = vector.extract %slice3A_692[0] : f32 from vector<1xf32>
      %add3A_694 = vector.broadcast %squeeze3A_693 : f32 to vector<16xf32>
      %add3A_695 = arith.addf %broadcast_in_dim3A_691, %add3A_694 : vector<16xf32>
      %swap3A_696 = arith.constant 46 : i32
      %swap3A_697 = arith.index_cast %swap3A_696 : i32 to index
      %swap3A_698 = arith.constant 0 : index
      %swap3A_699 = tpu.vector_load %arg21[%swap3A_697, %swap3A_698] {strides = array<i32>} : memref<48x16xf32, #tpu.memory_space<vmem>>, vector<16xf32>,
      tpu.vector_store %arg21[%swap3A_697, %swap3A_698], %add3A_695 {strides = array<i32>} : memref<48x16xf32, #tpu.memory_space<vmem>>, vector<16xf32>,
      %broadcast_in_dim3A_700 = arith.constant 0.000000e+00 : f32
      %broadcast_in_dim3A_701 = vector.broadcast %broadcast_in_dim3A_700 : f32 to vector<16xf32>
      %slice3A_702 = vector.extract_strided_slice %add3A_549 {offsets = [15], sizes = [1], strides = [1]} : vector<16xf32> to vector<1xf32>
      %squeeze3A_703 = vector.extract %slice3A_702[0] : f32 from vector<1xf32>
      %add3A_704 = vector.broadcast %squeeze3A_703 : f32 to vector<16xf32>
      %add3A_705 = arith.addf %broadcast_in_dim3A_701, %add3A_704 : vector<16xf32>
      %swap3A_706 = arith.constant 47 : i32
      %swap3A_707 = arith.index_cast %swap3A_706 : i32 to index
      %swap3A_708 = arith.constant 0 : index
      %swap3A_709 = tpu.vector_load %arg21[%swap3A_707, %swap3A_708] {strides = array<i32>} : memref<48x16xf32, #tpu.memory_space<vmem>>, vector<16xf32>,
      tpu.vector_store %arg21[%swap3A_707, %swap3A_708], %add3A_705 {strides = array<i32>} : memref<48x16xf32, #tpu.memory_space<vmem>>, vector<16xf32>,
      %parallel_loop3A = arith.constant 0 : i32
      %parallel_loop3A_710 = arith.constant 48 : i32
      %parallel_loop3A_711 = arith.constant 1 : i32
      scf.for %parallel_loop3A_1381 = %parallel_loop3A to %parallel_loop3A_710 step %parallel_loop3A_711  : i32 {
        %parallel_loop3A_1382 = arith.index_cast %parallel_loop3A_1381 : i32 to index
        %parallel_loop3A_1383 = arith.constant 0 : index
        %parallel_loop3A_1384 = tpu.vector_load %arg21[%parallel_loop3A_1382, %parallel_loop3A_1383] {strides = array<i32>} : memref<48x16xf32, #tpu.memory_space<vmem>>, vector<16xf32>,
        %parallel_loop3A_1385 = arith.index_cast %parallel_loop3A_1381 : i32 to index
        %parallel_loop3A_1386 = arith.constant 0 : index
        %parallel_loop3A_1387 = tpu.vector_load %arg13[%parallel_loop3A_1385, %parallel_loop3A_1386] {strides = array<i32>} : memref<48x128xf32, #tpu.memory_space<vmem>>, vector<16xf32>,
        %parallel_loop3A_1388 = arith.index_cast %parallel_loop3A_1381 : i32 to index
        %parallel_loop3A_1389 = arith.constant 0 : index
        %parallel_loop3A_1390 = tpu.vector_load %arg14[%parallel_loop3A_1388, %parallel_loop3A_1389] {strides = array<i32>} : memref<48x128xf32, #tpu.memory_space<vmem>>, vector<16xf32>,
        %parallel_loop3A_1391 = arith.addf %parallel_loop3A_1387, %parallel_loop3A_1390 : vector<16xf32>
        %parallel_loop3A_1392 = arith.index_cast %parallel_loop3A_1381 : i32 to index
        %parallel_loop3A_1393 = arith.constant 0 : index
        %parallel_loop3A_1394 = tpu.vector_load %arg15[%parallel_loop3A_1392, %parallel_loop3A_1393] {strides = array<i32>} : memref<48x144xf32, #tpu.memory_space<vmem>>, vector<16xf32>,
        %parallel_loop3A_1395 = arith.addf %parallel_loop3A_1391, %parallel_loop3A_1394 : vector<16xf32>
        %parallel_loop3A_1396 = arith.mulf %parallel_loop3A_1395, %parallel_loop3A_1384 : vector<16xf32>
        %parallel_loop3A_1397 = arith.index_cast %parallel_loop3A_1381 : i32 to index
        %parallel_loop3A_1398 = arith.constant 0 : index
        %parallel_loop3A_1399 = tpu.vector_load %arg16[%parallel_loop3A_1397, %parallel_loop3A_1398] {strides = array<i32>} : memref<48x128xf32, #tpu.memory_space<vmem>>, vector<16xf32>,
        tpu.vector_store %arg16[%parallel_loop3A_1397, %parallel_loop3A_1398], %parallel_loop3A_1396 {strides = array<i32>} : memref<48x128xf32, #tpu.memory_space<vmem>>, vector<16xf32>,
        %parallel_loop3A_1400 = arith.index_cast %parallel_loop3A_1381 : i32 to index
        %parallel_loop3A_1401 = arith.constant 16 : index
        %parallel_loop3A_1402 = tpu.vector_load %arg13[%parallel_loop3A_1400, %parallel_loop3A_1401] {strides = array<i32>} : memref<48x128xf32, #tpu.memory_space<vmem>>, vector<16xf32>,
        %parallel_loop3A_1403 = arith.index_cast %parallel_loop3A_1381 : i32 to index
        %parallel_loop3A_1404 = arith.constant 16 : index
        %parallel_loop3A_1405 = tpu.vector_load %arg14[%parallel_loop3A_1403, %parallel_loop3A_1404] {strides = array<i32>} : memref<48x128xf32, #tpu.memory_space<vmem>>, vector<16xf32>,
        %parallel_loop3A_1406 = arith.addf %parallel_loop3A_1402, %parallel_loop3A_1405 : vector<16xf32>
        %parallel_loop3A_1407 = arith.index_cast %parallel_loop3A_1381 : i32 to index
        %parallel_loop3A_1408 = arith.constant 16 : index
        %parallel_loop3A_1409 = tpu.vector_load %arg15[%parallel_loop3A_1407, %parallel_loop3A_1408] {strides = array<i32>} : memref<48x144xf32, #tpu.memory_space<vmem>>, vector<16xf32>,
        %parallel_loop3A_1410 = arith.addf %parallel_loop3A_1406, %parallel_loop3A_1409 : vector<16xf32>
        %parallel_loop3A_1411 = arith.mulf %parallel_loop3A_1410, %parallel_loop3A_1384 : vector<16xf32>
        %parallel_loop3A_1412 = arith.index_cast %parallel_loop3A_1381 : i32 to index
        %parallel_loop3A_1413 = arith.constant 16 : index
        %parallel_loop3A_1414 = tpu.vector_load %arg16[%parallel_loop3A_1412, %parallel_loop3A_1413] {strides = array<i32>} : memref<48x128xf32, #tpu.memory_space<vmem>>, vector<16xf32>,
        tpu.vector_store %arg16[%parallel_loop3A_1412, %parallel_loop3A_1413], %parallel_loop3A_1411 {strides = array<i32>} : memref<48x128xf32, #tpu.memory_space<vmem>>, vector<16xf32>,
        %parallel_loop3A_1415 = arith.index_cast %parallel_loop3A_1381 : i32 to index
        %parallel_loop3A_1416 = arith.constant 32 : index
        %parallel_loop3A_1417 = tpu.vector_load %arg13[%parallel_loop3A_1415, %parallel_loop3A_1416] {strides = array<i32>} : memref<48x128xf32, #tpu.memory_space<vmem>>, vector<16xf32>,
        %parallel_loop3A_1418 = arith.index_cast %parallel_loop3A_1381 : i32 to index
        %parallel_loop3A_1419 = arith.constant 32 : index
        %parallel_loop3A_1420 = tpu.vector_load %arg14[%parallel_loop3A_1418, %parallel_loop3A_1419] {strides = array<i32>} : memref<48x128xf32, #tpu.memory_space<vmem>>, vector<16xf32>,
        %parallel_loop3A_1421 = arith.addf %parallel_loop3A_1417, %parallel_loop3A_1420 : vector<16xf32>
        %parallel_loop3A_1422 = arith.index_cast %parallel_loop3A_1381 : i32 to index
        %parallel_loop3A_1423 = arith.constant 32 : index
        %parallel_loop3A_1424 = tpu.vector_load %arg15[%parallel_loop3A_1422, %parallel_loop3A_1423] {strides = array<i32>} : memref<48x144xf32, #tpu.memory_space<vmem>>, vector<16xf32>,
        %parallel_loop3A_1425 = arith.addf %parallel_loop3A_1421, %parallel_loop3A_1424 : vector<16xf32>
        %parallel_loop3A_1426 = arith.mulf %parallel_loop3A_1425, %parallel_loop3A_1384 : vector<16xf32>
        %parallel_loop3A_1427 = arith.index_cast %parallel_loop3A_1381 : i32 to index
        %parallel_loop3A_1428 = arith.constant 32 : index
        %parallel_loop3A_1429 = tpu.vector_load %arg16[%parallel_loop3A_1427, %parallel_loop3A_1428] {strides = array<i32>} : memref<48x128xf32, #tpu.memory_space<vmem>>, vector<16xf32>,
        tpu.vector_store %arg16[%parallel_loop3A_1427, %parallel_loop3A_1428], %parallel_loop3A_1426 {strides = array<i32>} : memref<48x128xf32, #tpu.memory_space<vmem>>, vector<16xf32>,
        %parallel_loop3A_1430 = arith.index_cast %parallel_loop3A_1381 : i32 to index
        %parallel_loop3A_1431 = arith.constant 48 : index
        %parallel_loop3A_1432 = tpu.vector_load %arg13[%parallel_loop3A_1430, %parallel_loop3A_1431] {strides = array<i32>} : memref<48x128xf32, #tpu.memory_space<vmem>>, vector<16xf32>,
        %parallel_loop3A_1433 = arith.index_cast %parallel_loop3A_1381 : i32 to index
        %parallel_loop3A_1434 = arith.constant 48 : index
        %parallel_loop3A_1435 = tpu.vector_load %arg14[%parallel_loop3A_1433, %parallel_loop3A_1434] {strides = array<i32>} : memref<48x128xf32, #tpu.memory_space<vmem>>, vector<16xf32>,
        %parallel_loop3A_1436 = arith.addf %parallel_loop3A_1432, %parallel_loop3A_1435 : vector<16xf32>
        %parallel_loop3A_1437 = arith.index_cast %parallel_loop3A_1381 : i32 to index
        %parallel_loop3A_1438 = arith.constant 48 : index
        %parallel_loop3A_1439 = tpu.vector_load %arg15[%parallel_loop3A_1437, %parallel_loop3A_1438] {strides = array<i32>} : memref<48x144xf32, #tpu.memory_space<vmem>>, vector<16xf32>,
        %parallel_loop3A_1440 = arith.addf %parallel_loop3A_1436, %parallel_loop3A_1439 : vector<16xf32>
        %parallel_loop3A_1441 = arith.mulf %parallel_loop3A_1440, %parallel_loop3A_1384 : vector<16xf32>
        %parallel_loop3A_1442 = arith.index_cast %parallel_loop3A_1381 : i32 to index
        %parallel_loop3A_1443 = arith.constant 48 : index
        %parallel_loop3A_1444 = tpu.vector_load %arg16[%parallel_loop3A_1442, %parallel_loop3A_1443] {strides = array<i32>} : memref<48x128xf32, #tpu.memory_space<vmem>>, vector<16xf32>,
        tpu.vector_store %arg16[%parallel_loop3A_1442, %parallel_loop3A_1443], %parallel_loop3A_1441 {strides = array<i32>} : memref<48x128xf32, #tpu.memory_space<vmem>>, vector<16xf32>,
        %parallel_loop3A_1445 = arith.index_cast %parallel_loop3A_1381 : i32 to index
        %parallel_loop3A_1446 = arith.constant 64 : index
        %parallel_loop3A_1447 = tpu.vector_load %arg13[%parallel_loop3A_1445, %parallel_loop3A_1446] {strides = array<i32>} : memref<48x128xf32, #tpu.memory_space<vmem>>, vector<16xf32>,
        %parallel_loop3A_1448 = arith.index_cast %parallel_loop3A_1381 : i32 to index
        %parallel_loop3A_1449 = arith.constant 64 : index
        %parallel_loop3A_1450 = tpu.vector_load %arg14[%parallel_loop3A_1448, %parallel_loop3A_1449] {strides = array<i32>} : memref<48x128xf32, #tpu.memory_space<vmem>>, vector<16xf32>,
        %parallel_loop3A_1451 = arith.addf %parallel_loop3A_1447, %parallel_loop3A_1450 : vector<16xf32>
        %parallel_loop3A_1452 = arith.index_cast %parallel_loop3A_1381 : i32 to index
        %parallel_loop3A_1453 = arith.constant 64 : index
        %parallel_loop3A_1454 = tpu.vector_load %arg15[%parallel_loop3A_1452, %parallel_loop3A_1453] {strides = array<i32>} : memref<48x144xf32, #tpu.memory_space<vmem>>, vector<16xf32>,
        %parallel_loop3A_1455 = arith.addf %parallel_loop3A_1451, %parallel_loop3A_1454 : vector<16xf32>
        %parallel_loop3A_1456 = arith.mulf %parallel_loop3A_1455, %parallel_loop3A_1384 : vector<16xf32>
        %parallel_loop3A_1457 = arith.index_cast %parallel_loop3A_1381 : i32 to index
        %parallel_loop3A_1458 = arith.constant 64 : index
        %parallel_loop3A_1459 = tpu.vector_load %arg16[%parallel_loop3A_1457, %parallel_loop3A_1458] {strides = array<i32>} : memref<48x128xf32, #tpu.memory_space<vmem>>, vector<16xf32>,
        tpu.vector_store %arg16[%parallel_loop3A_1457, %parallel_loop3A_1458], %parallel_loop3A_1456 {strides = array<i32>} : memref<48x128xf32, #tpu.memory_space<vmem>>, vector<16xf32>,
        %parallel_loop3A_1460 = arith.index_cast %parallel_loop3A_1381 : i32 to index
        %parallel_loop3A_1461 = arith.constant 80 : index
        %parallel_loop3A_1462 = tpu.vector_load %arg13[%parallel_loop3A_1460, %parallel_loop3A_1461] {strides = array<i32>} : memref<48x128xf32, #tpu.memory_space<vmem>>, vector<16xf32>,
        %parallel_loop3A_1463 = arith.index_cast %parallel_loop3A_1381 : i32 to index
        %parallel_loop3A_1464 = arith.constant 80 : index
        %parallel_loop3A_1465 = tpu.vector_load %arg14[%parallel_loop3A_1463, %parallel_loop3A_1464] {strides = array<i32>} : memref<48x128xf32, #tpu.memory_space<vmem>>, vector<16xf32>,
        %parallel_loop3A_1466 = arith.addf %parallel_loop3A_1462, %parallel_loop3A_1465 : vector<16xf32>
        %parallel_loop3A_1467 = arith.index_cast %parallel_loop3A_1381 : i32 to index
        %parallel_loop3A_1468 = arith.constant 80 : index
        %parallel_loop3A_1469 = tpu.vector_load %arg15[%parallel_loop3A_1467, %parallel_loop3A_1468] {strides = array<i32>} : memref<48x144xf32, #tpu.memory_space<vmem>>, vector<16xf32>,
        %parallel_loop3A_1470 = arith.addf %parallel_loop3A_1466, %parallel_loop3A_1469 : vector<16xf32>
        %parallel_loop3A_1471 = arith.mulf %parallel_loop3A_1470, %parallel_loop3A_1384 : vector<16xf32>
        %parallel_loop3A_1472 = arith.index_cast %parallel_loop3A_1381 : i32 to index
        %parallel_loop3A_1473 = arith.constant 80 : index
        %parallel_loop3A_1474 = tpu.vector_load %arg16[%parallel_loop3A_1472, %parallel_loop3A_1473] {strides = array<i32>} : memref<48x128xf32, #tpu.memory_space<vmem>>, vector<16xf32>,
        tpu.vector_store %arg16[%parallel_loop3A_1472, %parallel_loop3A_1473], %parallel_loop3A_1471 {strides = array<i32>} : memref<48x128xf32, #tpu.memory_space<vmem>>, vector<16xf32>,
        %parallel_loop3A_1475 = arith.index_cast %parallel_loop3A_1381 : i32 to index
        %parallel_loop3A_1476 = arith.constant 96 : index
        %parallel_loop3A_1477 = tpu.vector_load %arg13[%parallel_loop3A_1475, %parallel_loop3A_1476] {strides = array<i32>} : memref<48x128xf32, #tpu.memory_space<vmem>>, vector<16xf32>,
        %parallel_loop3A_1478 = arith.index_cast %parallel_loop3A_1381 : i32 to index
        %parallel_loop3A_1479 = arith.constant 96 : index
        %parallel_loop3A_1480 = tpu.vector_load %arg14[%parallel_loop3A_1478, %parallel_loop3A_1479] {strides = array<i32>} : memref<48x128xf32, #tpu.memory_space<vmem>>, vector<16xf32>,
        %parallel_loop3A_1481 = arith.addf %parallel_loop3A_1477, %parallel_loop3A_1480 : vector<16xf32>
        %parallel_loop3A_1482 = arith.index_cast %parallel_loop3A_1381 : i32 to index
        %parallel_loop3A_1483 = arith.constant 96 : index
        %parallel_loop3A_1484 = tpu.vector_load %arg15[%parallel_loop3A_1482, %parallel_loop3A_1483] {strides = array<i32>} : memref<48x144xf32, #tpu.memory_space<vmem>>, vector<16xf32>,
        %parallel_loop3A_1485 = arith.addf %parallel_loop3A_1481, %parallel_loop3A_1484 : vector<16xf32>
        %parallel_loop3A_1486 = arith.mulf %parallel_loop3A_1485, %parallel_loop3A_1384 : vector<16xf32>
        %parallel_loop3A_1487 = arith.index_cast %parallel_loop3A_1381 : i32 to index
        %parallel_loop3A_1488 = arith.constant 96 : index
        %parallel_loop3A_1489 = tpu.vector_load %arg16[%parallel_loop3A_1487, %parallel_loop3A_1488] {strides = array<i32>} : memref<48x128xf32, #tpu.memory_space<vmem>>, vector<16xf32>,
        tpu.vector_store %arg16[%parallel_loop3A_1487, %parallel_loop3A_1488], %parallel_loop3A_1486 {strides = array<i32>} : memref<48x128xf32, #tpu.memory_space<vmem>>, vector<16xf32>,
        %parallel_loop3A_1490 = arith.index_cast %parallel_loop3A_1381 : i32 to index
        %parallel_loop3A_1491 = arith.constant 112 : index
        %parallel_loop3A_1492 = tpu.vector_load %arg13[%parallel_loop3A_1490, %parallel_loop3A_1491] {strides = array<i32>} : memref<48x128xf32, #tpu.memory_space<vmem>>, vector<16xf32>,
        %parallel_loop3A_1493 = arith.index_cast %parallel_loop3A_1381 : i32 to index
        %parallel_loop3A_1494 = arith.constant 112 : index
        %parallel_loop3A_1495 = tpu.vector_load %arg14[%parallel_loop3A_1493, %parallel_loop3A_1494] {strides = array<i32>} : memref<48x128xf32, #tpu.memory_space<vmem>>, vector<16xf32>,
        %parallel_loop3A_1496 = arith.addf %parallel_loop3A_1492, %parallel_loop3A_1495 : vector<16xf32>
        %parallel_loop3A_1497 = arith.index_cast %parallel_loop3A_1381 : i32 to index
        %parallel_loop3A_1498 = arith.constant 112 : index
        %parallel_loop3A_1499 = tpu.vector_load %arg15[%parallel_loop3A_1497, %parallel_loop3A_1498] {strides = array<i32>} : memref<48x144xf32, #tpu.memory_space<vmem>>, vector<16xf32>,
        %parallel_loop3A_1500 = arith.addf %parallel_loop3A_1496, %parallel_loop3A_1499 : vector<16xf32>
        %parallel_loop3A_1501 = arith.mulf %parallel_loop3A_1500, %parallel_loop3A_1384 : vector<16xf32>
        %parallel_loop3A_1502 = arith.index_cast %parallel_loop3A_1381 : i32 to index
        %parallel_loop3A_1503 = arith.constant 112 : index
        %parallel_loop3A_1504 = tpu.vector_load %arg16[%parallel_loop3A_1502, %parallel_loop3A_1503] {strides = array<i32>} : memref<48x128xf32, #tpu.memory_space<vmem>>, vector<16xf32>,
        tpu.vector_store %arg16[%parallel_loop3A_1502, %parallel_loop3A_1503], %parallel_loop3A_1501 {strides = array<i32>} : memref<48x128xf32, #tpu.memory_space<vmem>>, vector<16xf32>,
      } {sc.loop_unroll_factor = 4 : i64, sc.parallel_access}
      %dma_start3A_712 = arith.constant 0 : i32
      %dma_start3A_713 = arith.constant 0 : i32
      %dma_start3A_714 = tpu.memref_slice %arg39[%dma_start3A_712, %dma_start3A_713] : memref<5248x128xf32, #tpu.memory_space<vmem_shared>> -> memref<5248x128xf32, #tpu.memory_space<vmem_shared>>
      tpu.enqueue_indirect_dma source(%arg16 : memref<48x128xf32, #tpu.memory_space<vmem>>) target(%dma_start3A_714 : memref<5248x128xf32, #tpu.memory_space<vmem_shared>>) offsets(%arg12 : memref<48xi32, #tpu.memory_space<vmem>>) semaphore(%arg20 : memref<!tpu.dma_semaphore, #tpu.memory_space<semaphore_mem>>) {add = true}
      %add3A_715 = arith.constant 1 : i32
      %add3A_716 = arith.addi %scan3A_51, %add3A_715 : i32
      %lt3A_717 = arith.constant 209 : i32
      %lt3A_718 = arith.cmpi slt, %add3A_716, %lt3A_717 : i32
      %convert_element_type3A_719 = arith.extui %lt3A_718 : i1 to i32
      %cond3A_720 = arith.constant 0 : i32
      %cond3A_721 = arith.cmpi ne, %convert_element_type3A_719, %cond3A_720 : i32
      scf.if %cond3A_721 {
        %add3A_1381 = arith.constant 2 : i32
        %add3A_1382 = arith.addi %mul3A_53, %add3A_1381 : i32
        %mul3A_1383 = arith.constant 48 : i32
        %mul3A_1384 = arith.muli %add3A_1382, %mul3A_1383 : i32
        %add3A_1385 = arith.addi %mul3A_4, %mul3A_1384 : i32
        %dma_start3A_1386 = tpu.memref_slice %arg6[%add3A_1385] : memref<321024xi32, #tpu.memory_space<hbm>> -> memref<48xi32, #tpu.memory_space<hbm>>
        %dma_start3A_1387 = tpu.memref_slice %arg6[%add3A_1385] : memref<321024xi32, #tpu.memory_space<hbm>> -> memref<48xi32, #tpu.memory_space<hbm>>
        tpu.enqueue_dma source(%dma_start3A_1387 : memref<48xi32, #tpu.memory_space<hbm>>) target(%arg10 : memref<48xi32, #tpu.memory_space<vmem>>) target_semaphore(%arg22 : memref<!tpu.dma_semaphore, #tpu.memory_space<semaphore_mem>>)
        %mul3A_1388 = arith.constant 48 : i32
        %mul3A_1389 = arith.muli %add3A_1382, %mul3A_1388 : i32
        %add3A_1390 = arith.addi %mul3A_4, %mul3A_1389 : i32
        %dma_start3A_1391 = tpu.memref_slice %arg7[%add3A_1390] : memref<321024xi32, #tpu.memory_space<hbm>> -> memref<48xi32, #tpu.memory_space<hbm>>
        %dma_start3A_1392 = tpu.memref_slice %arg7[%add3A_1390] : memref<321024xi32, #tpu.memory_space<hbm>> -> memref<48xi32, #tpu.memory_space<hbm>>
        tpu.enqueue_dma source(%dma_start3A_1392 : memref<48xi32, #tpu.memory_space<hbm>>) target(%arg11 : memref<48xi32, #tpu.memory_space<vmem>>) target_semaphore(%arg23 : memref<!tpu.dma_semaphore, #tpu.memory_space<semaphore_mem>>)
      } else {
      }
      %dma_wait3A_722 = arith.constant 0 : i32
      %dma_wait3A_723 = arith.constant 0 : i32
      %dma_wait3A_724 = tpu.memref_slice %arg2[%dma_wait3A_722, %dma_wait3A_723] : memref<10000x128xf32, #tpu.memory_space<hbm>> -> memref<10000x128xf32, #tpu.memory_space<hbm>>
      tpu.wait_indirect_dma semaphore(%arg31 : memref<!tpu.dma_semaphore, #tpu.memory_space<semaphore_mem>>) src(%dma_wait3A_724 : memref<10000x128xf32, #tpu.memory_space<hbm>>) dst(%arg27 : memref<48x128xf32, #tpu.memory_space<vmem>>)
      %dma_wait3A_725 = arith.constant 0 : i32
      %dma_wait3A_726 = arith.constant 0 : i32
      %dma_wait3A_727 = tpu.memref_slice %arg3[%dma_wait3A_725, %dma_wait3A_726] : memref<10000x128xf32, #tpu.memory_space<hbm>> -> memref<10000x128xf32, #tpu.memory_space<hbm>>
      tpu.wait_indirect_dma semaphore(%arg32 : memref<!tpu.dma_semaphore, #tpu.memory_space<semaphore_mem>>) src(%dma_wait3A_727 : memref<10000x128xf32, #tpu.memory_space<hbm>>) dst(%arg28 : memref<48x128xf32, #tpu.memory_space<vmem>>)
      %dma_wait3A_728 = arith.constant 0 : i32
      %dma_wait3A_729 = arith.constant 0 : i32
      %dma_wait3A_730 = tpu.memref_slice %arg5[%dma_wait3A_728, %dma_wait3A_729] : memref<320000x144xf32, #tpu.memory_space<hbm>> -> memref<48x144xf32, #tpu.memory_space<hbm>>
      %dma_wait3A_731 = arith.constant 0 : i32
      %dma_wait3A_732 = arith.constant 0 : i32
      %dma_wait3A_733 = tpu.memref_slice %arg5[%dma_wait3A_731, %dma_wait3A_732] : memref<320000x144xf32, #tpu.memory_space<hbm>> -> memref<48x144xf32, #tpu.memory_space<hbm>>
      tpu.wait_dma2 semaphore(%arg33 : memref<!tpu.dma_semaphore, #tpu.memory_space<semaphore_mem>>) src(%dma_wait3A_733 : memref<48x144xf32, #tpu.memory_space<hbm>>) dst(%arg29 : memref<48x144xf32, #tpu.memory_space<vmem>>)
      %mul3A_734 = arith.constant 48 : i32
      %mul3A_735 = arith.muli %add3A_55, %mul3A_734 : i32
      %add3A_736 = arith.addi %mul3A_4, %mul3A_735 : i32
      %get3A_737 = arith.constant 0 : index
      %get3A_738 = tpu.vector_load %arg24[%get3A_737] {strides = array<i32>} : memref<48xi32, #tpu.memory_space<vmem>>, vector<16xi32>,
      %sub3A_739 = vector.broadcast %mul3A_0 : i32 to vector<16xi32>
      %sub3A_740 = arith.subi %get3A_738, %sub3A_739 : vector<16xi32>
      %add3A_741 = arith.constant 0 : i32
      %add3A_742 = arith.addi %add3A_736, %add3A_741 : i32
      %iota3A_743 = tpu.iota {dimensions = array<i32: 0>} : vector<16xi32>
      %add3A_744 = vector.broadcast %add3A_742 : i32 to vector<16xi32>
      %add3A_745 = arith.addi %add3A_744, %iota3A_743 : vector<16xi32>
      %lt3A_746 = arith.constant 320000 : i32
      %lt3A_747 = vector.broadcast %lt3A_746 : i32 to vector<16xi32>
      %lt3A_748 = arith.cmpi slt, %add3A_745, %lt3A_747 : vector<16xi32>
      %ge3A_749 = arith.constant 0 : i32
      %ge3A_750 = vector.broadcast %ge3A_749 : i32 to vector<16xi32>
      %ge3A_751 = arith.cmpi sge, %sub3A_740, %ge3A_750 : vector<16xi32>
      %lt3A_752 = arith.constant 5120 : i32
      %lt3A_753 = vector.broadcast %lt3A_752 : i32 to vector<16xi32>
      %lt3A_754 = arith.cmpi slt, %sub3A_740, %lt3A_753 : vector<16xi32>
      %and3A_755 = arith.andi %ge3A_751, %lt3A_754 : vector<16xi1>
      %and3A_756 = arith.andi %and3A_755, %lt3A_748 : vector<16xi1>
      %jit3A_757 = arith.constant 5120 : i32
      %broadcast_in_dim3A_758 = vector.broadcast %jit3A_757 : i32 to vector<16xi32>
      %select_n3A_759 = arith.select %and3A_756, %sub3A_740, %broadcast_in_dim3A_758 : vector<16xi1>, vector<16xi32>
      %swap3A_760 = arith.constant 0 : index
      %swap3A_761 = tpu.vector_load %arg26[%swap3A_760] {strides = array<i32>} : memref<48xi32, #tpu.memory_space<vmem>>, vector<16xi32>,
      tpu.vector_store %arg26[%swap3A_760], %select_n3A_759 {strides = array<i32>} : memref<48xi32, #tpu.memory_space<vmem>>, vector<16xi32>,
      %get3A_762 = arith.constant 16 : index
      %get3A_763 = tpu.vector_load %arg24[%get3A_762] {strides = array<i32>} : memref<48xi32, #tpu.memory_space<vmem>>, vector<16xi32>,
      %sub3A_764 = vector.broadcast %mul3A_0 : i32 to vector<16xi32>
      %sub3A_765 = arith.subi %get3A_763, %sub3A_764 : vector<16xi32>
      %add3A_766 = arith.constant 16 : i32
      %add3A_767 = arith.addi %add3A_736, %add3A_766 : i32
      %iota3A_768 = tpu.iota {dimensions = array<i32: 0>} : vector<16xi32>
      %add3A_769 = vector.broadcast %add3A_767 : i32 to vector<16xi32>
      %add3A_770 = arith.addi %add3A_769, %iota3A_768 : vector<16xi32>
      %lt3A_771 = arith.constant 320000 : i32
      %lt3A_772 = vector.broadcast %lt3A_771 : i32 to vector<16xi32>
      %lt3A_773 = arith.cmpi slt, %add3A_770, %lt3A_772 : vector<16xi32>
      %ge3A_774 = arith.constant 0 : i32
      %ge3A_775 = vector.broadcast %ge3A_774 : i32 to vector<16xi32>
      %ge3A_776 = arith.cmpi sge, %sub3A_765, %ge3A_775 : vector<16xi32>
      %lt3A_777 = arith.constant 5120 : i32
      %lt3A_778 = vector.broadcast %lt3A_777 : i32 to vector<16xi32>
      %lt3A_779 = arith.cmpi slt, %sub3A_765, %lt3A_778 : vector<16xi32>
      %and3A_780 = arith.andi %ge3A_776, %lt3A_779 : vector<16xi1>
      %and3A_781 = arith.andi %and3A_780, %lt3A_773 : vector<16xi1>
      %jit3A_782 = arith.constant 5120 : i32
      %broadcast_in_dim3A_783 = vector.broadcast %jit3A_782 : i32 to vector<16xi32>
      %select_n3A_784 = arith.select %and3A_781, %sub3A_765, %broadcast_in_dim3A_783 : vector<16xi1>, vector<16xi32>
      %swap3A_785 = arith.constant 16 : index
      %swap3A_786 = tpu.vector_load %arg26[%swap3A_785] {strides = array<i32>} : memref<48xi32, #tpu.memory_space<vmem>>, vector<16xi32>,
      tpu.vector_store %arg26[%swap3A_785], %select_n3A_784 {strides = array<i32>} : memref<48xi32, #tpu.memory_space<vmem>>, vector<16xi32>,
      %get3A_787 = arith.constant 32 : index
      %get3A_788 = tpu.vector_load %arg24[%get3A_787] {strides = array<i32>} : memref<48xi32, #tpu.memory_space<vmem>>, vector<16xi32>,
      %sub3A_789 = vector.broadcast %mul3A_0 : i32 to vector<16xi32>
      %sub3A_790 = arith.subi %get3A_788, %sub3A_789 : vector<16xi32>
      %add3A_791 = arith.constant 32 : i32
      %add3A_792 = arith.addi %add3A_736, %add3A_791 : i32
      %iota3A_793 = tpu.iota {dimensions = array<i32: 0>} : vector<16xi32>
      %add3A_794 = vector.broadcast %add3A_792 : i32 to vector<16xi32>
      %add3A_795 = arith.addi %add3A_794, %iota3A_793 : vector<16xi32>
      %lt3A_796 = arith.constant 320000 : i32
      %lt3A_797 = vector.broadcast %lt3A_796 : i32 to vector<16xi32>
      %lt3A_798 = arith.cmpi slt, %add3A_795, %lt3A_797 : vector<16xi32>
      %ge3A_799 = arith.constant 0 : i32
      %ge3A_800 = vector.broadcast %ge3A_799 : i32 to vector<16xi32>
      %ge3A_801 = arith.cmpi sge, %sub3A_790, %ge3A_800 : vector<16xi32>
      %lt3A_802 = arith.constant 5120 : i32
      %lt3A_803 = vector.broadcast %lt3A_802 : i32 to vector<16xi32>
      %lt3A_804 = arith.cmpi slt, %sub3A_790, %lt3A_803 : vector<16xi32>
      %and3A_805 = arith.andi %ge3A_801, %lt3A_804 : vector<16xi1>
      %and3A_806 = arith.andi %and3A_805, %lt3A_798 : vector<16xi1>
      %jit3A_807 = arith.constant 5120 : i32
      %broadcast_in_dim3A_808 = vector.broadcast %jit3A_807 : i32 to vector<16xi32>
      %select_n3A_809 = arith.select %and3A_806, %sub3A_790, %broadcast_in_dim3A_808 : vector<16xi1>, vector<16xi32>
      %swap3A_810 = arith.constant 32 : index
      %swap3A_811 = tpu.vector_load %arg26[%swap3A_810] {strides = array<i32>} : memref<48xi32, #tpu.memory_space<vmem>>, vector<16xi32>,
      tpu.vector_store %arg26[%swap3A_810], %select_n3A_809 {strides = array<i32>} : memref<48xi32, #tpu.memory_space<vmem>>, vector<16xi32>,
      %add3A_812 = arith.constant 1 : i32
      %add3A_813 = arith.addi %scan3A_51, %add3A_812 : i32
      %lt3A_814 = arith.constant 209 : i32
      %lt3A_815 = arith.cmpi slt, %add3A_813, %lt3A_814 : i32
      %convert_element_type3A_816 = arith.extui %lt3A_815 : i1 to i32
      %cond3A_817 = arith.constant 0 : i32
      %cond3A_818 = arith.cmpi ne, %convert_element_type3A_816, %cond3A_817 : i32
      scf.if %cond3A_818 {
        %dma_wait3A_1381 = arith.constant 0 : i32
        %dma_wait3A_1382 = tpu.memref_slice %arg6[%dma_wait3A_1381] : memref<321024xi32, #tpu.memory_space<hbm>> -> memref<48xi32, #tpu.memory_space<hbm>>
        %dma_wait3A_1383 = arith.constant 0 : i32
        %dma_wait3A_1384 = tpu.memref_slice %arg6[%dma_wait3A_1383] : memref<321024xi32, #tpu.memory_space<hbm>> -> memref<48xi32, #tpu.memory_space<hbm>>
        tpu.wait_dma2 semaphore(%arg22 : memref<!tpu.dma_semaphore, #tpu.memory_space<semaphore_mem>>) src(%dma_wait3A_1384 : memref<48xi32, #tpu.memory_space<hbm>>) dst(%arg10 : memref<48xi32, #tpu.memory_space<vmem>>)
        %dma_wait3A_1385 = arith.constant 0 : i32
        %dma_wait3A_1386 = tpu.memref_slice %arg7[%dma_wait3A_1385] : memref<321024xi32, #tpu.memory_space<hbm>> -> memref<48xi32, #tpu.memory_space<hbm>>
        %dma_wait3A_1387 = arith.constant 0 : i32
        %dma_wait3A_1388 = tpu.memref_slice %arg7[%dma_wait3A_1387] : memref<321024xi32, #tpu.memory_space<hbm>> -> memref<48xi32, #tpu.memory_space<hbm>>
        tpu.wait_dma2 semaphore(%arg23 : memref<!tpu.dma_semaphore, #tpu.memory_space<semaphore_mem>>) src(%dma_wait3A_1388 : memref<48xi32, #tpu.memory_space<hbm>>) dst(%arg11 : memref<48xi32, #tpu.memory_space<vmem>>)
        %add3A_1389 = arith.constant 2 : i32
        %add3A_1390 = arith.addi %mul3A_53, %add3A_1389 : i32
        %dma_start3A_1391 = arith.constant 0 : i32
        %dma_start3A_1392 = arith.constant 0 : i32
        %dma_start3A_1393 = tpu.memref_slice %arg2[%dma_start3A_1391, %dma_start3A_1392] : memref<10000x128xf32, #tpu.memory_space<hbm>> -> memref<10000x128xf32, #tpu.memory_space<hbm>>
        tpu.enqueue_indirect_dma source(%dma_start3A_1393 : memref<10000x128xf32, #tpu.memory_space<hbm>>) target(%arg13 : memref<48x128xf32, #tpu.memory_space<vmem>>) offsets(%arg10 : memref<48xi32, #tpu.memory_space<vmem>>) semaphore(%arg17 : memref<!tpu.dma_semaphore, #tpu.memory_space<semaphore_mem>>)
        %dma_start3A_1394 = arith.constant 0 : i32
        %dma_start3A_1395 = arith.constant 0 : i32
        %dma_start3A_1396 = tpu.memref_slice %arg3[%dma_start3A_1394, %dma_start3A_1395] : memref<10000x128xf32, #tpu.memory_space<hbm>> -> memref<10000x128xf32, #tpu.memory_space<hbm>>
        tpu.enqueue_indirect_dma source(%dma_start3A_1396 : memref<10000x128xf32, #tpu.memory_space<hbm>>) target(%arg14 : memref<48x128xf32, #tpu.memory_space<vmem>>) offsets(%arg11 : memref<48xi32, #tpu.memory_space<vmem>>) semaphore(%arg18 : memref<!tpu.dma_semaphore, #tpu.memory_space<semaphore_mem>>)
        %mul3A_1397 = arith.constant 48 : i32
        %mul3A_1398 = arith.muli %add3A_1390, %mul3A_1397 : i32
        %add3A_1399 = arith.addi %mul3A_4, %mul3A_1398 : i32
        %min3A_1400 = arith.constant 319952 : i32
        %min3A_1401 = arith.minsi %add3A_1399, %min3A_1400 : i32
        %dma_start3A_1402 = arith.constant 0 : i32
        %dma_start3A_1403 = tpu.memref_slice %arg5[%min3A_1401, %dma_start3A_1402] : memref<320000x144xf32, #tpu.memory_space<hbm>> -> memref<48x144xf32, #tpu.memory_space<hbm>>
        %dma_start3A_1404 = arith.constant 0 : i32
        %dma_start3A_1405 = tpu.memref_slice %arg5[%min3A_1401, %dma_start3A_1404] : memref<320000x144xf32, #tpu.memory_space<hbm>> -> memref<48x144xf32, #tpu.memory_space<hbm>>
        tpu.enqueue_dma source(%dma_start3A_1405 : memref<48x144xf32, #tpu.memory_space<hbm>>) target(%arg15 : memref<48x144xf32, #tpu.memory_space<vmem>>) target_semaphore(%arg19 : memref<!tpu.dma_semaphore, #tpu.memory_space<semaphore_mem>>)
      } else {
      }
      %get3A_819 = arith.constant 0 : index
      %get3A_820 = tpu.vector_load %arg24[%get3A_819] {strides = array<i32>} : memref<48xi32, #tpu.memory_space<vmem>>, vector<16xi32>,
      %get3A_821 = arith.constant 0 : index
      %get3A_822 = tpu.vector_load %arg25[%get3A_821] {strides = array<i32>} : memref<48xi32, #tpu.memory_space<vmem>>, vector<16xi32>,
      %iota3A_823 = tpu.iota {dimensions = array<i32: 0>} : vector<16xi32>
      %add3A_824 = arith.constant 0 : i32
      %add3A_825 = vector.broadcast %add3A_824 : i32 to vector<16xi32>
      %add3A_826 = arith.addi %add3A_825, %iota3A_823 : vector<16xi32>
      %broadcast_in_dim3A_827 = arith.constant 128 : i32
      %broadcast_in_dim3A_828 = vector.broadcast %broadcast_in_dim3A_827 : i32 to vector<16xi32>
      %gather3A_829 = tpu.vector_load_idx %arg38[%get3A_820] : memref<10000xi32, #tpu.memory_space<vmem>>[vector<16xi32>], vector<16xi32>,
      %gather3A_830 = tpu.vector_load_idx %arg38[%get3A_822] : memref<10000xi32, #tpu.memory_space<vmem>>[vector<16xi32>], vector<16xi32>,
      %and3A_831 = arith.constant -65536 : i32
      %and3A_832 = vector.broadcast %and3A_831 : i32 to vector<16xi32>
      %and3A_833 = arith.andi %gather3A_829, %and3A_832 : vector<16xi32>
      %bitcast3A_834 = vector.bitcast %and3A_833 : vector<16xi32> to vector<16xf32>
      %shift_left3A_835 = arith.constant 16 : i32
      %shift_left3A_836 = vector.broadcast %shift_left3A_835 : i32 to vector<16xi32>
      %shift_left3A_837 = arith.shli %gather3A_830, %shift_left3A_836 : vector<16xi32>
      %bitcast3A_838 = vector.bitcast %shift_left3A_837 : vector<16xi32> to vector<16xf32>
      %add3A_839 = arith.addf %bitcast3A_834, %bitcast3A_838 : vector<16xf32>
      %gather3A_840 = tpu.vector_load_idx %arg29[%add3A_826, %broadcast_in_dim3A_828] : memref<48x144xf32, #tpu.memory_space<vmem>>[vector<16xi32>, vector<16xi32>], vector<16xf32>,
      %add3A_841 = arith.addf %add3A_839, %gather3A_840 : vector<16xf32>
      %broadcast_in_dim3A_842 = arith.constant 0.000000e+00 : f32
      %broadcast_in_dim3A_843 = vector.broadcast %broadcast_in_dim3A_842 : f32 to vector<16xf32>
      %slice3A_844 = vector.extract_strided_slice %add3A_841 {offsets = [0], sizes = [1], strides = [1]} : vector<16xf32> to vector<1xf32>
      %squeeze3A_845 = vector.extract %slice3A_844[0] : f32 from vector<1xf32>
      %add3A_846 = vector.broadcast %squeeze3A_845 : f32 to vector<16xf32>
      %add3A_847 = arith.addf %broadcast_in_dim3A_843, %add3A_846 : vector<16xf32>
      %swap3A_848 = arith.constant 0 : i32
      %swap3A_849 = arith.index_cast %swap3A_848 : i32 to index
      %swap3A_850 = arith.constant 0 : index
      %swap3A_851 = tpu.vector_load %arg35[%swap3A_849, %swap3A_850] {strides = array<i32>} : memref<48x16xf32, #tpu.memory_space<vmem>>, vector<16xf32>,
      tpu.vector_store %arg35[%swap3A_849, %swap3A_850], %add3A_847 {strides = array<i32>} : memref<48x16xf32, #tpu.memory_space<vmem>>, vector<16xf32>,
      %broadcast_in_dim3A_852 = arith.constant 0.000000e+00 : f32
      %broadcast_in_dim3A_853 = vector.broadcast %broadcast_in_dim3A_852 : f32 to vector<16xf32>
      %slice3A_854 = vector.extract_strided_slice %add3A_841 {offsets = [1], sizes = [1], strides = [1]} : vector<16xf32> to vector<1xf32>
      %squeeze3A_855 = vector.extract %slice3A_854[0] : f32 from vector<1xf32>
      %add3A_856 = vector.broadcast %squeeze3A_855 : f32 to vector<16xf32>
      %add3A_857 = arith.addf %broadcast_in_dim3A_853, %add3A_856 : vector<16xf32>
      %swap3A_858 = arith.constant 1 : i32
      %swap3A_859 = arith.index_cast %swap3A_858 : i32 to index
      %swap3A_860 = arith.constant 0 : index
      %swap3A_861 = tpu.vector_load %arg35[%swap3A_859, %swap3A_860] {strides = array<i32>} : memref<48x16xf32, #tpu.memory_space<vmem>>, vector<16xf32>,
      tpu.vector_store %arg35[%swap3A_859, %swap3A_860], %add3A_857 {strides = array<i32>} : memref<48x16xf32, #tpu.memory_space<vmem>>, vector<16xf32>,
      %broadcast_in_dim3A_862 = arith.constant 0.000000e+00 : f32
      %broadcast_in_dim3A_863 = vector.broadcast %broadcast_in_dim3A_862 : f32 to vector<16xf32>
      %slice3A_864 = vector.extract_strided_slice %add3A_841 {offsets = [2], sizes = [1], strides = [1]} : vector<16xf32> to vector<1xf32>
      %squeeze3A_865 = vector.extract %slice3A_864[0] : f32 from vector<1xf32>
      %add3A_866 = vector.broadcast %squeeze3A_865 : f32 to vector<16xf32>
      %add3A_867 = arith.addf %broadcast_in_dim3A_863, %add3A_866 : vector<16xf32>
      %swap3A_868 = arith.constant 2 : i32
      %swap3A_869 = arith.index_cast %swap3A_868 : i32 to index
      %swap3A_870 = arith.constant 0 : index
      %swap3A_871 = tpu.vector_load %arg35[%swap3A_869, %swap3A_870] {strides = array<i32>} : memref<48x16xf32, #tpu.memory_space<vmem>>, vector<16xf32>,
      tpu.vector_store %arg35[%swap3A_869, %swap3A_870], %add3A_867 {strides = array<i32>} : memref<48x16xf32, #tpu.memory_space<vmem>>, vector<16xf32>,
      %broadcast_in_dim3A_872 = arith.constant 0.000000e+00 : f32
      %broadcast_in_dim3A_873 = vector.broadcast %broadcast_in_dim3A_872 : f32 to vector<16xf32>
      %slice3A_874 = vector.extract_strided_slice %add3A_841 {offsets = [3], sizes = [1], strides = [1]} : vector<16xf32> to vector<1xf32>
      %squeeze3A_875 = vector.extract %slice3A_874[0] : f32 from vector<1xf32>
      %add3A_876 = vector.broadcast %squeeze3A_875 : f32 to vector<16xf32>
      %add3A_877 = arith.addf %broadcast_in_dim3A_873, %add3A_876 : vector<16xf32>
      %swap3A_878 = arith.constant 3 : i32
      %swap3A_879 = arith.index_cast %swap3A_878 : i32 to index
      %swap3A_880 = arith.constant 0 : index
      %swap3A_881 = tpu.vector_load %arg35[%swap3A_879, %swap3A_880] {strides = array<i32>} : memref<48x16xf32, #tpu.memory_space<vmem>>, vector<16xf32>,
      tpu.vector_store %arg35[%swap3A_879, %swap3A_880], %add3A_877 {strides = array<i32>} : memref<48x16xf32, #tpu.memory_space<vmem>>, vector<16xf32>,
      %broadcast_in_dim3A_882 = arith.constant 0.000000e+00 : f32
      %broadcast_in_dim3A_883 = vector.broadcast %broadcast_in_dim3A_882 : f32 to vector<16xf32>
      %slice3A_884 = vector.extract_strided_slice %add3A_841 {offsets = [4], sizes = [1], strides = [1]} : vector<16xf32> to vector<1xf32>
      %squeeze3A_885 = vector.extract %slice3A_884[0] : f32 from vector<1xf32>
      %add3A_886 = vector.broadcast %squeeze3A_885 : f32 to vector<16xf32>
      %add3A_887 = arith.addf %broadcast_in_dim3A_883, %add3A_886 : vector<16xf32>
      %swap3A_888 = arith.constant 4 : i32
      %swap3A_889 = arith.index_cast %swap3A_888 : i32 to index
      %swap3A_890 = arith.constant 0 : index
      %swap3A_891 = tpu.vector_load %arg35[%swap3A_889, %swap3A_890] {strides = array<i32>} : memref<48x16xf32, #tpu.memory_space<vmem>>, vector<16xf32>,
      tpu.vector_store %arg35[%swap3A_889, %swap3A_890], %add3A_887 {strides = array<i32>} : memref<48x16xf32, #tpu.memory_space<vmem>>, vector<16xf32>,
      %broadcast_in_dim3A_892 = arith.constant 0.000000e+00 : f32
      %broadcast_in_dim3A_893 = vector.broadcast %broadcast_in_dim3A_892 : f32 to vector<16xf32>
      %slice3A_894 = vector.extract_strided_slice %add3A_841 {offsets = [5], sizes = [1], strides = [1]} : vector<16xf32> to vector<1xf32>
      %squeeze3A_895 = vector.extract %slice3A_894[0] : f32 from vector<1xf32>
      %add3A_896 = vector.broadcast %squeeze3A_895 : f32 to vector<16xf32>
      %add3A_897 = arith.addf %broadcast_in_dim3A_893, %add3A_896 : vector<16xf32>
      %swap3A_898 = arith.constant 5 : i32
      %swap3A_899 = arith.index_cast %swap3A_898 : i32 to index
      %swap3A_900 = arith.constant 0 : index
      %swap3A_901 = tpu.vector_load %arg35[%swap3A_899, %swap3A_900] {strides = array<i32>} : memref<48x16xf32, #tpu.memory_space<vmem>>, vector<16xf32>,
      tpu.vector_store %arg35[%swap3A_899, %swap3A_900], %add3A_897 {strides = array<i32>} : memref<48x16xf32, #tpu.memory_space<vmem>>, vector<16xf32>,
      %broadcast_in_dim3A_902 = arith.constant 0.000000e+00 : f32
      %broadcast_in_dim3A_903 = vector.broadcast %broadcast_in_dim3A_902 : f32 to vector<16xf32>
      %slice3A_904 = vector.extract_strided_slice %add3A_841 {offsets = [6], sizes = [1], strides = [1]} : vector<16xf32> to vector<1xf32>
      %squeeze3A_905 = vector.extract %slice3A_904[0] : f32 from vector<1xf32>
      %add3A_906 = vector.broadcast %squeeze3A_905 : f32 to vector<16xf32>
      %add3A_907 = arith.addf %broadcast_in_dim3A_903, %add3A_906 : vector<16xf32>
      %swap3A_908 = arith.constant 6 : i32
      %swap3A_909 = arith.index_cast %swap3A_908 : i32 to index
      %swap3A_910 = arith.constant 0 : index
      %swap3A_911 = tpu.vector_load %arg35[%swap3A_909, %swap3A_910] {strides = array<i32>} : memref<48x16xf32, #tpu.memory_space<vmem>>, vector<16xf32>,
      tpu.vector_store %arg35[%swap3A_909, %swap3A_910], %add3A_907 {strides = array<i32>} : memref<48x16xf32, #tpu.memory_space<vmem>>, vector<16xf32>,
      %broadcast_in_dim3A_912 = arith.constant 0.000000e+00 : f32
      %broadcast_in_dim3A_913 = vector.broadcast %broadcast_in_dim3A_912 : f32 to vector<16xf32>
      %slice3A_914 = vector.extract_strided_slice %add3A_841 {offsets = [7], sizes = [1], strides = [1]} : vector<16xf32> to vector<1xf32>
      %squeeze3A_915 = vector.extract %slice3A_914[0] : f32 from vector<1xf32>
      %add3A_916 = vector.broadcast %squeeze3A_915 : f32 to vector<16xf32>
      %add3A_917 = arith.addf %broadcast_in_dim3A_913, %add3A_916 : vector<16xf32>
      %swap3A_918 = arith.constant 7 : i32
      %swap3A_919 = arith.index_cast %swap3A_918 : i32 to index
      %swap3A_920 = arith.constant 0 : index
      %swap3A_921 = tpu.vector_load %arg35[%swap3A_919, %swap3A_920] {strides = array<i32>} : memref<48x16xf32, #tpu.memory_space<vmem>>, vector<16xf32>,
      tpu.vector_store %arg35[%swap3A_919, %swap3A_920], %add3A_917 {strides = array<i32>} : memref<48x16xf32, #tpu.memory_space<vmem>>, vector<16xf32>,
      %broadcast_in_dim3A_922 = arith.constant 0.000000e+00 : f32
      %broadcast_in_dim3A_923 = vector.broadcast %broadcast_in_dim3A_922 : f32 to vector<16xf32>
      %slice3A_924 = vector.extract_strided_slice %add3A_841 {offsets = [8], sizes = [1], strides = [1]} : vector<16xf32> to vector<1xf32>
      %squeeze3A_925 = vector.extract %slice3A_924[0] : f32 from vector<1xf32>
      %add3A_926 = vector.broadcast %squeeze3A_925 : f32 to vector<16xf32>
      %add3A_927 = arith.addf %broadcast_in_dim3A_923, %add3A_926 : vector<16xf32>
      %swap3A_928 = arith.constant 8 : i32
      %swap3A_929 = arith.index_cast %swap3A_928 : i32 to index
      %swap3A_930 = arith.constant 0 : index
      %swap3A_931 = tpu.vector_load %arg35[%swap3A_929, %swap3A_930] {strides = array<i32>} : memref<48x16xf32, #tpu.memory_space<vmem>>, vector<16xf32>,
      tpu.vector_store %arg35[%swap3A_929, %swap3A_930], %add3A_927 {strides = array<i32>} : memref<48x16xf32, #tpu.memory_space<vmem>>, vector<16xf32>,
      %broadcast_in_dim3A_932 = arith.constant 0.000000e+00 : f32
      %broadcast_in_dim3A_933 = vector.broadcast %broadcast_in_dim3A_932 : f32 to vector<16xf32>
      %slice3A_934 = vector.extract_strided_slice %add3A_841 {offsets = [9], sizes = [1], strides = [1]} : vector<16xf32> to vector<1xf32>
      %squeeze3A_935 = vector.extract %slice3A_934[0] : f32 from vector<1xf32>
      %add3A_936 = vector.broadcast %squeeze3A_935 : f32 to vector<16xf32>
      %add3A_937 = arith.addf %broadcast_in_dim3A_933, %add3A_936 : vector<16xf32>
      %swap3A_938 = arith.constant 9 : i32
      %swap3A_939 = arith.index_cast %swap3A_938 : i32 to index
      %swap3A_940 = arith.constant 0 : index
      %swap3A_941 = tpu.vector_load %arg35[%swap3A_939, %swap3A_940] {strides = array<i32>} : memref<48x16xf32, #tpu.memory_space<vmem>>, vector<16xf32>,
      tpu.vector_store %arg35[%swap3A_939, %swap3A_940], %add3A_937 {strides = array<i32>} : memref<48x16xf32, #tpu.memory_space<vmem>>, vector<16xf32>,
      %broadcast_in_dim3A_942 = arith.constant 0.000000e+00 : f32
      %broadcast_in_dim3A_943 = vector.broadcast %broadcast_in_dim3A_942 : f32 to vector<16xf32>
      %slice3A_944 = vector.extract_strided_slice %add3A_841 {offsets = [10], sizes = [1], strides = [1]} : vector<16xf32> to vector<1xf32>
      %squeeze3A_945 = vector.extract %slice3A_944[0] : f32 from vector<1xf32>
      %add3A_946 = vector.broadcast %squeeze3A_945 : f32 to vector<16xf32>
      %add3A_947 = arith.addf %broadcast_in_dim3A_943, %add3A_946 : vector<16xf32>
      %swap3A_948 = arith.constant 10 : i32
      %swap3A_949 = arith.index_cast %swap3A_948 : i32 to index
      %swap3A_950 = arith.constant 0 : index
      %swap3A_951 = tpu.vector_load %arg35[%swap3A_949, %swap3A_950] {strides = array<i32>} : memref<48x16xf32, #tpu.memory_space<vmem>>, vector<16xf32>,
      tpu.vector_store %arg35[%swap3A_949, %swap3A_950], %add3A_947 {strides = array<i32>} : memref<48x16xf32, #tpu.memory_space<vmem>>, vector<16xf32>,
      %broadcast_in_dim3A_952 = arith.constant 0.000000e+00 : f32
      %broadcast_in_dim3A_953 = vector.broadcast %broadcast_in_dim3A_952 : f32 to vector<16xf32>
      %slice3A_954 = vector.extract_strided_slice %add3A_841 {offsets = [11], sizes = [1], strides = [1]} : vector<16xf32> to vector<1xf32>
      %squeeze3A_955 = vector.extract %slice3A_954[0] : f32 from vector<1xf32>
      %add3A_956 = vector.broadcast %squeeze3A_955 : f32 to vector<16xf32>
      %add3A_957 = arith.addf %broadcast_in_dim3A_953, %add3A_956 : vector<16xf32>
      %swap3A_958 = arith.constant 11 : i32
      %swap3A_959 = arith.index_cast %swap3A_958 : i32 to index
      %swap3A_960 = arith.constant 0 : index
      %swap3A_961 = tpu.vector_load %arg35[%swap3A_959, %swap3A_960] {strides = array<i32>} : memref<48x16xf32, #tpu.memory_space<vmem>>, vector<16xf32>,
      tpu.vector_store %arg35[%swap3A_959, %swap3A_960], %add3A_957 {strides = array<i32>} : memref<48x16xf32, #tpu.memory_space<vmem>>, vector<16xf32>,
      %broadcast_in_dim3A_962 = arith.constant 0.000000e+00 : f32
      %broadcast_in_dim3A_963 = vector.broadcast %broadcast_in_dim3A_962 : f32 to vector<16xf32>
      %slice3A_964 = vector.extract_strided_slice %add3A_841 {offsets = [12], sizes = [1], strides = [1]} : vector<16xf32> to vector<1xf32>
      %squeeze3A_965 = vector.extract %slice3A_964[0] : f32 from vector<1xf32>
      %add3A_966 = vector.broadcast %squeeze3A_965 : f32 to vector<16xf32>
      %add3A_967 = arith.addf %broadcast_in_dim3A_963, %add3A_966 : vector<16xf32>
      %swap3A_968 = arith.constant 12 : i32
      %swap3A_969 = arith.index_cast %swap3A_968 : i32 to index
      %swap3A_970 = arith.constant 0 : index
      %swap3A_971 = tpu.vector_load %arg35[%swap3A_969, %swap3A_970] {strides = array<i32>} : memref<48x16xf32, #tpu.memory_space<vmem>>, vector<16xf32>,
      tpu.vector_store %arg35[%swap3A_969, %swap3A_970], %add3A_967 {strides = array<i32>} : memref<48x16xf32, #tpu.memory_space<vmem>>, vector<16xf32>,
      %broadcast_in_dim3A_972 = arith.constant 0.000000e+00 : f32
      %broadcast_in_dim3A_973 = vector.broadcast %broadcast_in_dim3A_972 : f32 to vector<16xf32>
      %slice3A_974 = vector.extract_strided_slice %add3A_841 {offsets = [13], sizes = [1], strides = [1]} : vector<16xf32> to vector<1xf32>
      %squeeze3A_975 = vector.extract %slice3A_974[0] : f32 from vector<1xf32>
      %add3A_976 = vector.broadcast %squeeze3A_975 : f32 to vector<16xf32>
      %add3A_977 = arith.addf %broadcast_in_dim3A_973, %add3A_976 : vector<16xf32>
      %swap3A_978 = arith.constant 13 : i32
      %swap3A_979 = arith.index_cast %swap3A_978 : i32 to index
      %swap3A_980 = arith.constant 0 : index
      %swap3A_981 = tpu.vector_load %arg35[%swap3A_979, %swap3A_980] {strides = array<i32>} : memref<48x16xf32, #tpu.memory_space<vmem>>, vector<16xf32>,
      tpu.vector_store %arg35[%swap3A_979, %swap3A_980], %add3A_977 {strides = array<i32>} : memref<48x16xf32, #tpu.memory_space<vmem>>, vector<16xf32>,
      %broadcast_in_dim3A_982 = arith.constant 0.000000e+00 : f32
      %broadcast_in_dim3A_983 = vector.broadcast %broadcast_in_dim3A_982 : f32 to vector<16xf32>
      %slice3A_984 = vector.extract_strided_slice %add3A_841 {offsets = [14], sizes = [1], strides = [1]} : vector<16xf32> to vector<1xf32>
      %squeeze3A_985 = vector.extract %slice3A_984[0] : f32 from vector<1xf32>
      %add3A_986 = vector.broadcast %squeeze3A_985 : f32 to vector<16xf32>
      %add3A_987 = arith.addf %broadcast_in_dim3A_983, %add3A_986 : vector<16xf32>
      %swap3A_988 = arith.constant 14 : i32
      %swap3A_989 = arith.index_cast %swap3A_988 : i32 to index
      %swap3A_990 = arith.constant 0 : index
      %swap3A_991 = tpu.vector_load %arg35[%swap3A_989, %swap3A_990] {strides = array<i32>} : memref<48x16xf32, #tpu.memory_space<vmem>>, vector<16xf32>,
      tpu.vector_store %arg35[%swap3A_989, %swap3A_990], %add3A_987 {strides = array<i32>} : memref<48x16xf32, #tpu.memory_space<vmem>>, vector<16xf32>,
      %broadcast_in_dim3A_992 = arith.constant 0.000000e+00 : f32
      %broadcast_in_dim3A_993 = vector.broadcast %broadcast_in_dim3A_992 : f32 to vector<16xf32>
      %slice3A_994 = vector.extract_strided_slice %add3A_841 {offsets = [15], sizes = [1], strides = [1]} : vector<16xf32> to vector<1xf32>
      %squeeze3A_995 = vector.extract %slice3A_994[0] : f32 from vector<1xf32>
      %add3A_996 = vector.broadcast %squeeze3A_995 : f32 to vector<16xf32>
      %add3A_997 = arith.addf %broadcast_in_dim3A_993, %add3A_996 : vector<16xf32>
      %swap3A_998 = arith.constant 15 : i32
      %swap3A_999 = arith.index_cast %swap3A_998 : i32 to index
      %swap3A_1000 = arith.constant 0 : index
      %swap3A_1001 = tpu.vector_load %arg35[%swap3A_999, %swap3A_1000] {strides = array<i32>} : memref<48x16xf32, #tpu.memory_space<vmem>>, vector<16xf32>,
      tpu.vector_store %arg35[%swap3A_999, %swap3A_1000], %add3A_997 {strides = array<i32>} : memref<48x16xf32, #tpu.memory_space<vmem>>, vector<16xf32>,
      %get3A_1002 = arith.constant 16 : index
      %get3A_1003 = tpu.vector_load %arg24[%get3A_1002] {strides = array<i32>} : memref<48xi32, #tpu.memory_space<vmem>>, vector<16xi32>,
      %get3A_1004 = arith.constant 16 : index
      %get3A_1005 = tpu.vector_load %arg25[%get3A_1004] {strides = array<i32>} : memref<48xi32, #tpu.memory_space<vmem>>, vector<16xi32>,
      %iota3A_1006 = tpu.iota {dimensions = array<i32: 0>} : vector<16xi32>
      %add3A_1007 = arith.constant 16 : i32
      %add3A_1008 = vector.broadcast %add3A_1007 : i32 to vector<16xi32>
      %add3A_1009 = arith.addi %add3A_1008, %iota3A_1006 : vector<16xi32>
      %broadcast_in_dim3A_1010 = arith.constant 128 : i32
      %broadcast_in_dim3A_1011 = vector.broadcast %broadcast_in_dim3A_1010 : i32 to vector<16xi32>
      %gather3A_1012 = tpu.vector_load_idx %arg38[%get3A_1003] : memref<10000xi32, #tpu.memory_space<vmem>>[vector<16xi32>], vector<16xi32>,
      %gather3A_1013 = tpu.vector_load_idx %arg38[%get3A_1005] : memref<10000xi32, #tpu.memory_space<vmem>>[vector<16xi32>], vector<16xi32>,
      %and3A_1014 = arith.constant -65536 : i32
      %and3A_1015 = vector.broadcast %and3A_1014 : i32 to vector<16xi32>
      %and3A_1016 = arith.andi %gather3A_1012, %and3A_1015 : vector<16xi32>
      %bitcast3A_1017 = vector.bitcast %and3A_1016 : vector<16xi32> to vector<16xf32>
      %shift_left3A_1018 = arith.constant 16 : i32
      %shift_left3A_1019 = vector.broadcast %shift_left3A_1018 : i32 to vector<16xi32>
      %shift_left3A_1020 = arith.shli %gather3A_1013, %shift_left3A_1019 : vector<16xi32>
      %bitcast3A_1021 = vector.bitcast %shift_left3A_1020 : vector<16xi32> to vector<16xf32>
      %add3A_1022 = arith.addf %bitcast3A_1017, %bitcast3A_1021 : vector<16xf32>
      %gather3A_1023 = tpu.vector_load_idx %arg29[%add3A_1009, %broadcast_in_dim3A_1011] : memref<48x144xf32, #tpu.memory_space<vmem>>[vector<16xi32>, vector<16xi32>], vector<16xf32>,
      %add3A_1024 = arith.addf %add3A_1022, %gather3A_1023 : vector<16xf32>
      %broadcast_in_dim3A_1025 = arith.constant 0.000000e+00 : f32
      %broadcast_in_dim3A_1026 = vector.broadcast %broadcast_in_dim3A_1025 : f32 to vector<16xf32>
      %slice3A_1027 = vector.extract_strided_slice %add3A_1024 {offsets = [0], sizes = [1], strides = [1]} : vector<16xf32> to vector<1xf32>
      %squeeze3A_1028 = vector.extract %slice3A_1027[0] : f32 from vector<1xf32>
      %add3A_1029 = vector.broadcast %squeeze3A_1028 : f32 to vector<16xf32>
      %add3A_1030 = arith.addf %broadcast_in_dim3A_1026, %add3A_1029 : vector<16xf32>
      %swap3A_1031 = arith.constant 16 : i32
      %swap3A_1032 = arith.index_cast %swap3A_1031 : i32 to index
      %swap3A_1033 = arith.constant 0 : index
      %swap3A_1034 = tpu.vector_load %arg35[%swap3A_1032, %swap3A_1033] {strides = array<i32>} : memref<48x16xf32, #tpu.memory_space<vmem>>, vector<16xf32>,
      tpu.vector_store %arg35[%swap3A_1032, %swap3A_1033], %add3A_1030 {strides = array<i32>} : memref<48x16xf32, #tpu.memory_space<vmem>>, vector<16xf32>,
      %broadcast_in_dim3A_1035 = arith.constant 0.000000e+00 : f32
      %broadcast_in_dim3A_1036 = vector.broadcast %broadcast_in_dim3A_1035 : f32 to vector<16xf32>
      %slice3A_1037 = vector.extract_strided_slice %add3A_1024 {offsets = [1], sizes = [1], strides = [1]} : vector<16xf32> to vector<1xf32>
      %squeeze3A_1038 = vector.extract %slice3A_1037[0] : f32 from vector<1xf32>
      %add3A_1039 = vector.broadcast %squeeze3A_1038 : f32 to vector<16xf32>
      %add3A_1040 = arith.addf %broadcast_in_dim3A_1036, %add3A_1039 : vector<16xf32>
      %swap3A_1041 = arith.constant 17 : i32
      %swap3A_1042 = arith.index_cast %swap3A_1041 : i32 to index
      %swap3A_1043 = arith.constant 0 : index
      %swap3A_1044 = tpu.vector_load %arg35[%swap3A_1042, %swap3A_1043] {strides = array<i32>} : memref<48x16xf32, #tpu.memory_space<vmem>>, vector<16xf32>,
      tpu.vector_store %arg35[%swap3A_1042, %swap3A_1043], %add3A_1040 {strides = array<i32>} : memref<48x16xf32, #tpu.memory_space<vmem>>, vector<16xf32>,
      %broadcast_in_dim3A_1045 = arith.constant 0.000000e+00 : f32
      %broadcast_in_dim3A_1046 = vector.broadcast %broadcast_in_dim3A_1045 : f32 to vector<16xf32>
      %slice3A_1047 = vector.extract_strided_slice %add3A_1024 {offsets = [2], sizes = [1], strides = [1]} : vector<16xf32> to vector<1xf32>
      %squeeze3A_1048 = vector.extract %slice3A_1047[0] : f32 from vector<1xf32>
      %add3A_1049 = vector.broadcast %squeeze3A_1048 : f32 to vector<16xf32>
      %add3A_1050 = arith.addf %broadcast_in_dim3A_1046, %add3A_1049 : vector<16xf32>
      %swap3A_1051 = arith.constant 18 : i32
      %swap3A_1052 = arith.index_cast %swap3A_1051 : i32 to index
      %swap3A_1053 = arith.constant 0 : index
      %swap3A_1054 = tpu.vector_load %arg35[%swap3A_1052, %swap3A_1053] {strides = array<i32>} : memref<48x16xf32, #tpu.memory_space<vmem>>, vector<16xf32>,
      tpu.vector_store %arg35[%swap3A_1052, %swap3A_1053], %add3A_1050 {strides = array<i32>} : memref<48x16xf32, #tpu.memory_space<vmem>>, vector<16xf32>,
      %broadcast_in_dim3A_1055 = arith.constant 0.000000e+00 : f32
      %broadcast_in_dim3A_1056 = vector.broadcast %broadcast_in_dim3A_1055 : f32 to vector<16xf32>
      %slice3A_1057 = vector.extract_strided_slice %add3A_1024 {offsets = [3], sizes = [1], strides = [1]} : vector<16xf32> to vector<1xf32>
      %squeeze3A_1058 = vector.extract %slice3A_1057[0] : f32 from vector<1xf32>
      %add3A_1059 = vector.broadcast %squeeze3A_1058 : f32 to vector<16xf32>
      %add3A_1060 = arith.addf %broadcast_in_dim3A_1056, %add3A_1059 : vector<16xf32>
      %swap3A_1061 = arith.constant 19 : i32
      %swap3A_1062 = arith.index_cast %swap3A_1061 : i32 to index
      %swap3A_1063 = arith.constant 0 : index
      %swap3A_1064 = tpu.vector_load %arg35[%swap3A_1062, %swap3A_1063] {strides = array<i32>} : memref<48x16xf32, #tpu.memory_space<vmem>>, vector<16xf32>,
      tpu.vector_store %arg35[%swap3A_1062, %swap3A_1063], %add3A_1060 {strides = array<i32>} : memref<48x16xf32, #tpu.memory_space<vmem>>, vector<16xf32>,
      %broadcast_in_dim3A_1065 = arith.constant 0.000000e+00 : f32
      %broadcast_in_dim3A_1066 = vector.broadcast %broadcast_in_dim3A_1065 : f32 to vector<16xf32>
      %slice3A_1067 = vector.extract_strided_slice %add3A_1024 {offsets = [4], sizes = [1], strides = [1]} : vector<16xf32> to vector<1xf32>
      %squeeze3A_1068 = vector.extract %slice3A_1067[0] : f32 from vector<1xf32>
      %add3A_1069 = vector.broadcast %squeeze3A_1068 : f32 to vector<16xf32>
      %add3A_1070 = arith.addf %broadcast_in_dim3A_1066, %add3A_1069 : vector<16xf32>
      %swap3A_1071 = arith.constant 20 : i32
      %swap3A_1072 = arith.index_cast %swap3A_1071 : i32 to index
      %swap3A_1073 = arith.constant 0 : index
      %swap3A_1074 = tpu.vector_load %arg35[%swap3A_1072, %swap3A_1073] {strides = array<i32>} : memref<48x16xf32, #tpu.memory_space<vmem>>, vector<16xf32>,
      tpu.vector_store %arg35[%swap3A_1072, %swap3A_1073], %add3A_1070 {strides = array<i32>} : memref<48x16xf32, #tpu.memory_space<vmem>>, vector<16xf32>,
      %broadcast_in_dim3A_1075 = arith.constant 0.000000e+00 : f32
      %broadcast_in_dim3A_1076 = vector.broadcast %broadcast_in_dim3A_1075 : f32 to vector<16xf32>
      %slice3A_1077 = vector.extract_strided_slice %add3A_1024 {offsets = [5], sizes = [1], strides = [1]} : vector<16xf32> to vector<1xf32>
      %squeeze3A_1078 = vector.extract %slice3A_1077[0] : f32 from vector<1xf32>
      %add3A_1079 = vector.broadcast %squeeze3A_1078 : f32 to vector<16xf32>
      %add3A_1080 = arith.addf %broadcast_in_dim3A_1076, %add3A_1079 : vector<16xf32>
      %swap3A_1081 = arith.constant 21 : i32
      %swap3A_1082 = arith.index_cast %swap3A_1081 : i32 to index
      %swap3A_1083 = arith.constant 0 : index
      %swap3A_1084 = tpu.vector_load %arg35[%swap3A_1082, %swap3A_1083] {strides = array<i32>} : memref<48x16xf32, #tpu.memory_space<vmem>>, vector<16xf32>,
      tpu.vector_store %arg35[%swap3A_1082, %swap3A_1083], %add3A_1080 {strides = array<i32>} : memref<48x16xf32, #tpu.memory_space<vmem>>, vector<16xf32>,
      %broadcast_in_dim3A_1085 = arith.constant 0.000000e+00 : f32
      %broadcast_in_dim3A_1086 = vector.broadcast %broadcast_in_dim3A_1085 : f32 to vector<16xf32>
      %slice3A_1087 = vector.extract_strided_slice %add3A_1024 {offsets = [6], sizes = [1], strides = [1]} : vector<16xf32> to vector<1xf32>
      %squeeze3A_1088 = vector.extract %slice3A_1087[0] : f32 from vector<1xf32>
      %add3A_1089 = vector.broadcast %squeeze3A_1088 : f32 to vector<16xf32>
      %add3A_1090 = arith.addf %broadcast_in_dim3A_1086, %add3A_1089 : vector<16xf32>
      %swap3A_1091 = arith.constant 22 : i32
      %swap3A_1092 = arith.index_cast %swap3A_1091 : i32 to index
      %swap3A_1093 = arith.constant 0 : index
      %swap3A_1094 = tpu.vector_load %arg35[%swap3A_1092, %swap3A_1093] {strides = array<i32>} : memref<48x16xf32, #tpu.memory_space<vmem>>, vector<16xf32>,
      tpu.vector_store %arg35[%swap3A_1092, %swap3A_1093], %add3A_1090 {strides = array<i32>} : memref<48x16xf32, #tpu.memory_space<vmem>>, vector<16xf32>,
      %broadcast_in_dim3A_1095 = arith.constant 0.000000e+00 : f32
      %broadcast_in_dim3A_1096 = vector.broadcast %broadcast_in_dim3A_1095 : f32 to vector<16xf32>
      %slice3A_1097 = vector.extract_strided_slice %add3A_1024 {offsets = [7], sizes = [1], strides = [1]} : vector<16xf32> to vector<1xf32>
      %squeeze3A_1098 = vector.extract %slice3A_1097[0] : f32 from vector<1xf32>
      %add3A_1099 = vector.broadcast %squeeze3A_1098 : f32 to vector<16xf32>
      %add3A_1100 = arith.addf %broadcast_in_dim3A_1096, %add3A_1099 : vector<16xf32>
      %swap3A_1101 = arith.constant 23 : i32
      %swap3A_1102 = arith.index_cast %swap3A_1101 : i32 to index
      %swap3A_1103 = arith.constant 0 : index
      %swap3A_1104 = tpu.vector_load %arg35[%swap3A_1102, %swap3A_1103] {strides = array<i32>} : memref<48x16xf32, #tpu.memory_space<vmem>>, vector<16xf32>,
      tpu.vector_store %arg35[%swap3A_1102, %swap3A_1103], %add3A_1100 {strides = array<i32>} : memref<48x16xf32, #tpu.memory_space<vmem>>, vector<16xf32>,
      %broadcast_in_dim3A_1105 = arith.constant 0.000000e+00 : f32
      %broadcast_in_dim3A_1106 = vector.broadcast %broadcast_in_dim3A_1105 : f32 to vector<16xf32>
      %slice3A_1107 = vector.extract_strided_slice %add3A_1024 {offsets = [8], sizes = [1], strides = [1]} : vector<16xf32> to vector<1xf32>
      %squeeze3A_1108 = vector.extract %slice3A_1107[0] : f32 from vector<1xf32>
      %add3A_1109 = vector.broadcast %squeeze3A_1108 : f32 to vector<16xf32>
      %add3A_1110 = arith.addf %broadcast_in_dim3A_1106, %add3A_1109 : vector<16xf32>
      %swap3A_1111 = arith.constant 24 : i32
      %swap3A_1112 = arith.index_cast %swap3A_1111 : i32 to index
      %swap3A_1113 = arith.constant 0 : index
      %swap3A_1114 = tpu.vector_load %arg35[%swap3A_1112, %swap3A_1113] {strides = array<i32>} : memref<48x16xf32, #tpu.memory_space<vmem>>, vector<16xf32>,
      tpu.vector_store %arg35[%swap3A_1112, %swap3A_1113], %add3A_1110 {strides = array<i32>} : memref<48x16xf32, #tpu.memory_space<vmem>>, vector<16xf32>,
      %broadcast_in_dim3A_1115 = arith.constant 0.000000e+00 : f32
      %broadcast_in_dim3A_1116 = vector.broadcast %broadcast_in_dim3A_1115 : f32 to vector<16xf32>
      %slice3A_1117 = vector.extract_strided_slice %add3A_1024 {offsets = [9], sizes = [1], strides = [1]} : vector<16xf32> to vector<1xf32>
      %squeeze3A_1118 = vector.extract %slice3A_1117[0] : f32 from vector<1xf32>
      %add3A_1119 = vector.broadcast %squeeze3A_1118 : f32 to vector<16xf32>
      %add3A_1120 = arith.addf %broadcast_in_dim3A_1116, %add3A_1119 : vector<16xf32>
      %swap3A_1121 = arith.constant 25 : i32
      %swap3A_1122 = arith.index_cast %swap3A_1121 : i32 to index
      %swap3A_1123 = arith.constant 0 : index
      %swap3A_1124 = tpu.vector_load %arg35[%swap3A_1122, %swap3A_1123] {strides = array<i32>} : memref<48x16xf32, #tpu.memory_space<vmem>>, vector<16xf32>,
      tpu.vector_store %arg35[%swap3A_1122, %swap3A_1123], %add3A_1120 {strides = array<i32>} : memref<48x16xf32, #tpu.memory_space<vmem>>, vector<16xf32>,
      %broadcast_in_dim3A_1125 = arith.constant 0.000000e+00 : f32
      %broadcast_in_dim3A_1126 = vector.broadcast %broadcast_in_dim3A_1125 : f32 to vector<16xf32>
      %slice3A_1127 = vector.extract_strided_slice %add3A_1024 {offsets = [10], sizes = [1], strides = [1]} : vector<16xf32> to vector<1xf32>
      %squeeze3A_1128 = vector.extract %slice3A_1127[0] : f32 from vector<1xf32>
      %add3A_1129 = vector.broadcast %squeeze3A_1128 : f32 to vector<16xf32>
      %add3A_1130 = arith.addf %broadcast_in_dim3A_1126, %add3A_1129 : vector<16xf32>
      %swap3A_1131 = arith.constant 26 : i32
      %swap3A_1132 = arith.index_cast %swap3A_1131 : i32 to index
      %swap3A_1133 = arith.constant 0 : index
      %swap3A_1134 = tpu.vector_load %arg35[%swap3A_1132, %swap3A_1133] {strides = array<i32>} : memref<48x16xf32, #tpu.memory_space<vmem>>, vector<16xf32>,
      tpu.vector_store %arg35[%swap3A_1132, %swap3A_1133], %add3A_1130 {strides = array<i32>} : memref<48x16xf32, #tpu.memory_space<vmem>>, vector<16xf32>,
      %broadcast_in_dim3A_1135 = arith.constant 0.000000e+00 : f32
      %broadcast_in_dim3A_1136 = vector.broadcast %broadcast_in_dim3A_1135 : f32 to vector<16xf32>
      %slice3A_1137 = vector.extract_strided_slice %add3A_1024 {offsets = [11], sizes = [1], strides = [1]} : vector<16xf32> to vector<1xf32>
      %squeeze3A_1138 = vector.extract %slice3A_1137[0] : f32 from vector<1xf32>
      %add3A_1139 = vector.broadcast %squeeze3A_1138 : f32 to vector<16xf32>
      %add3A_1140 = arith.addf %broadcast_in_dim3A_1136, %add3A_1139 : vector<16xf32>
      %swap3A_1141 = arith.constant 27 : i32
      %swap3A_1142 = arith.index_cast %swap3A_1141 : i32 to index
      %swap3A_1143 = arith.constant 0 : index
      %swap3A_1144 = tpu.vector_load %arg35[%swap3A_1142, %swap3A_1143] {strides = array<i32>} : memref<48x16xf32, #tpu.memory_space<vmem>>, vector<16xf32>,
      tpu.vector_store %arg35[%swap3A_1142, %swap3A_1143], %add3A_1140 {strides = array<i32>} : memref<48x16xf32, #tpu.memory_space<vmem>>, vector<16xf32>,
      %broadcast_in_dim3A_1145 = arith.constant 0.000000e+00 : f32
      %broadcast_in_dim3A_1146 = vector.broadcast %broadcast_in_dim3A_1145 : f32 to vector<16xf32>
      %slice3A_1147 = vector.extract_strided_slice %add3A_1024 {offsets = [12], sizes = [1], strides = [1]} : vector<16xf32> to vector<1xf32>
      %squeeze3A_1148 = vector.extract %slice3A_1147[0] : f32 from vector<1xf32>
      %add3A_1149 = vector.broadcast %squeeze3A_1148 : f32 to vector<16xf32>
      %add3A_1150 = arith.addf %broadcast_in_dim3A_1146, %add3A_1149 : vector<16xf32>
      %swap3A_1151 = arith.constant 28 : i32
      %swap3A_1152 = arith.index_cast %swap3A_1151 : i32 to index
      %swap3A_1153 = arith.constant 0 : index
      %swap3A_1154 = tpu.vector_load %arg35[%swap3A_1152, %swap3A_1153] {strides = array<i32>} : memref<48x16xf32, #tpu.memory_space<vmem>>, vector<16xf32>,
      tpu.vector_store %arg35[%swap3A_1152, %swap3A_1153], %add3A_1150 {strides = array<i32>} : memref<48x16xf32, #tpu.memory_space<vmem>>, vector<16xf32>,
      %broadcast_in_dim3A_1155 = arith.constant 0.000000e+00 : f32
      %broadcast_in_dim3A_1156 = vector.broadcast %broadcast_in_dim3A_1155 : f32 to vector<16xf32>
      %slice3A_1157 = vector.extract_strided_slice %add3A_1024 {offsets = [13], sizes = [1], strides = [1]} : vector<16xf32> to vector<1xf32>
      %squeeze3A_1158 = vector.extract %slice3A_1157[0] : f32 from vector<1xf32>
      %add3A_1159 = vector.broadcast %squeeze3A_1158 : f32 to vector<16xf32>
      %add3A_1160 = arith.addf %broadcast_in_dim3A_1156, %add3A_1159 : vector<16xf32>
      %swap3A_1161 = arith.constant 29 : i32
      %swap3A_1162 = arith.index_cast %swap3A_1161 : i32 to index
      %swap3A_1163 = arith.constant 0 : index
      %swap3A_1164 = tpu.vector_load %arg35[%swap3A_1162, %swap3A_1163] {strides = array<i32>} : memref<48x16xf32, #tpu.memory_space<vmem>>, vector<16xf32>,
      tpu.vector_store %arg35[%swap3A_1162, %swap3A_1163], %add3A_1160 {strides = array<i32>} : memref<48x16xf32, #tpu.memory_space<vmem>>, vector<16xf32>,
      %broadcast_in_dim3A_1165 = arith.constant 0.000000e+00 : f32
      %broadcast_in_dim3A_1166 = vector.broadcast %broadcast_in_dim3A_1165 : f32 to vector<16xf32>
      %slice3A_1167 = vector.extract_strided_slice %add3A_1024 {offsets = [14], sizes = [1], strides = [1]} : vector<16xf32> to vector<1xf32>
      %squeeze3A_1168 = vector.extract %slice3A_1167[0] : f32 from vector<1xf32>
      %add3A_1169 = vector.broadcast %squeeze3A_1168 : f32 to vector<16xf32>
      %add3A_1170 = arith.addf %broadcast_in_dim3A_1166, %add3A_1169 : vector<16xf32>
      %swap3A_1171 = arith.constant 30 : i32
      %swap3A_1172 = arith.index_cast %swap3A_1171 : i32 to index
      %swap3A_1173 = arith.constant 0 : index
      %swap3A_1174 = tpu.vector_load %arg35[%swap3A_1172, %swap3A_1173] {strides = array<i32>} : memref<48x16xf32, #tpu.memory_space<vmem>>, vector<16xf32>,
      tpu.vector_store %arg35[%swap3A_1172, %swap3A_1173], %add3A_1170 {strides = array<i32>} : memref<48x16xf32, #tpu.memory_space<vmem>>, vector<16xf32>,
      %broadcast_in_dim3A_1175 = arith.constant 0.000000e+00 : f32
      %broadcast_in_dim3A_1176 = vector.broadcast %broadcast_in_dim3A_1175 : f32 to vector<16xf32>
      %slice3A_1177 = vector.extract_strided_slice %add3A_1024 {offsets = [15], sizes = [1], strides = [1]} : vector<16xf32> to vector<1xf32>
      %squeeze3A_1178 = vector.extract %slice3A_1177[0] : f32 from vector<1xf32>
      %add3A_1179 = vector.broadcast %squeeze3A_1178 : f32 to vector<16xf32>
      %add3A_1180 = arith.addf %broadcast_in_dim3A_1176, %add3A_1179 : vector<16xf32>
      %swap3A_1181 = arith.constant 31 : i32
      %swap3A_1182 = arith.index_cast %swap3A_1181 : i32 to index
      %swap3A_1183 = arith.constant 0 : index
      %swap3A_1184 = tpu.vector_load %arg35[%swap3A_1182, %swap3A_1183] {strides = array<i32>} : memref<48x16xf32, #tpu.memory_space<vmem>>, vector<16xf32>,
      tpu.vector_store %arg35[%swap3A_1182, %swap3A_1183], %add3A_1180 {strides = array<i32>} : memref<48x16xf32, #tpu.memory_space<vmem>>, vector<16xf32>,
      %get3A_1185 = arith.constant 32 : index
      %get3A_1186 = tpu.vector_load %arg24[%get3A_1185] {strides = array<i32>} : memref<48xi32, #tpu.memory_space<vmem>>, vector<16xi32>,
      %get3A_1187 = arith.constant 32 : index
      %get3A_1188 = tpu.vector_load %arg25[%get3A_1187] {strides = array<i32>} : memref<48xi32, #tpu.memory_space<vmem>>, vector<16xi32>,
      %iota3A_1189 = tpu.iota {dimensions = array<i32: 0>} : vector<16xi32>
      %add3A_1190 = arith.constant 32 : i32
      %add3A_1191 = vector.broadcast %add3A_1190 : i32 to vector<16xi32>
      %add3A_1192 = arith.addi %add3A_1191, %iota3A_1189 : vector<16xi32>
      %broadcast_in_dim3A_1193 = arith.constant 128 : i32
      %broadcast_in_dim3A_1194 = vector.broadcast %broadcast_in_dim3A_1193 : i32 to vector<16xi32>
      %gather3A_1195 = tpu.vector_load_idx %arg38[%get3A_1186] : memref<10000xi32, #tpu.memory_space<vmem>>[vector<16xi32>], vector<16xi32>,
      %gather3A_1196 = tpu.vector_load_idx %arg38[%get3A_1188] : memref<10000xi32, #tpu.memory_space<vmem>>[vector<16xi32>], vector<16xi32>,
      %and3A_1197 = arith.constant -65536 : i32
      %and3A_1198 = vector.broadcast %and3A_1197 : i32 to vector<16xi32>
      %and3A_1199 = arith.andi %gather3A_1195, %and3A_1198 : vector<16xi32>
      %bitcast3A_1200 = vector.bitcast %and3A_1199 : vector<16xi32> to vector<16xf32>
      %shift_left3A_1201 = arith.constant 16 : i32
      %shift_left3A_1202 = vector.broadcast %shift_left3A_1201 : i32 to vector<16xi32>
      %shift_left3A_1203 = arith.shli %gather3A_1196, %shift_left3A_1202 : vector<16xi32>
      %bitcast3A_1204 = vector.bitcast %shift_left3A_1203 : vector<16xi32> to vector<16xf32>
      %add3A_1205 = arith.addf %bitcast3A_1200, %bitcast3A_1204 : vector<16xf32>
      %gather3A_1206 = tpu.vector_load_idx %arg29[%add3A_1192, %broadcast_in_dim3A_1194] : memref<48x144xf32, #tpu.memory_space<vmem>>[vector<16xi32>, vector<16xi32>], vector<16xf32>,
      %add3A_1207 = arith.addf %add3A_1205, %gather3A_1206 : vector<16xf32>
      %broadcast_in_dim3A_1208 = arith.constant 0.000000e+00 : f32
      %broadcast_in_dim3A_1209 = vector.broadcast %broadcast_in_dim3A_1208 : f32 to vector<16xf32>
      %slice3A_1210 = vector.extract_strided_slice %add3A_1207 {offsets = [0], sizes = [1], strides = [1]} : vector<16xf32> to vector<1xf32>
      %squeeze3A_1211 = vector.extract %slice3A_1210[0] : f32 from vector<1xf32>
      %add3A_1212 = vector.broadcast %squeeze3A_1211 : f32 to vector<16xf32>
      %add3A_1213 = arith.addf %broadcast_in_dim3A_1209, %add3A_1212 : vector<16xf32>
      %swap3A_1214 = arith.constant 32 : i32
      %swap3A_1215 = arith.index_cast %swap3A_1214 : i32 to index
      %swap3A_1216 = arith.constant 0 : index
      %swap3A_1217 = tpu.vector_load %arg35[%swap3A_1215, %swap3A_1216] {strides = array<i32>} : memref<48x16xf32, #tpu.memory_space<vmem>>, vector<16xf32>,
      tpu.vector_store %arg35[%swap3A_1215, %swap3A_1216], %add3A_1213 {strides = array<i32>} : memref<48x16xf32, #tpu.memory_space<vmem>>, vector<16xf32>,
      %broadcast_in_dim3A_1218 = arith.constant 0.000000e+00 : f32
      %broadcast_in_dim3A_1219 = vector.broadcast %broadcast_in_dim3A_1218 : f32 to vector<16xf32>
      %slice3A_1220 = vector.extract_strided_slice %add3A_1207 {offsets = [1], sizes = [1], strides = [1]} : vector<16xf32> to vector<1xf32>
      %squeeze3A_1221 = vector.extract %slice3A_1220[0] : f32 from vector<1xf32>
      %add3A_1222 = vector.broadcast %squeeze3A_1221 : f32 to vector<16xf32>
      %add3A_1223 = arith.addf %broadcast_in_dim3A_1219, %add3A_1222 : vector<16xf32>
      %swap3A_1224 = arith.constant 33 : i32
      %swap3A_1225 = arith.index_cast %swap3A_1224 : i32 to index
      %swap3A_1226 = arith.constant 0 : index
      %swap3A_1227 = tpu.vector_load %arg35[%swap3A_1225, %swap3A_1226] {strides = array<i32>} : memref<48x16xf32, #tpu.memory_space<vmem>>, vector<16xf32>,
      tpu.vector_store %arg35[%swap3A_1225, %swap3A_1226], %add3A_1223 {strides = array<i32>} : memref<48x16xf32, #tpu.memory_space<vmem>>, vector<16xf32>,
      %broadcast_in_dim3A_1228 = arith.constant 0.000000e+00 : f32
      %broadcast_in_dim3A_1229 = vector.broadcast %broadcast_in_dim3A_1228 : f32 to vector<16xf32>
      %slice3A_1230 = vector.extract_strided_slice %add3A_1207 {offsets = [2], sizes = [1], strides = [1]} : vector<16xf32> to vector<1xf32>
      %squeeze3A_1231 = vector.extract %slice3A_1230[0] : f32 from vector<1xf32>
      %add3A_1232 = vector.broadcast %squeeze3A_1231 : f32 to vector<16xf32>
      %add3A_1233 = arith.addf %broadcast_in_dim3A_1229, %add3A_1232 : vector<16xf32>
      %swap3A_1234 = arith.constant 34 : i32
      %swap3A_1235 = arith.index_cast %swap3A_1234 : i32 to index
      %swap3A_1236 = arith.constant 0 : index
      %swap3A_1237 = tpu.vector_load %arg35[%swap3A_1235, %swap3A_1236] {strides = array<i32>} : memref<48x16xf32, #tpu.memory_space<vmem>>, vector<16xf32>,
      tpu.vector_store %arg35[%swap3A_1235, %swap3A_1236], %add3A_1233 {strides = array<i32>} : memref<48x16xf32, #tpu.memory_space<vmem>>, vector<16xf32>,
      %broadcast_in_dim3A_1238 = arith.constant 0.000000e+00 : f32
      %broadcast_in_dim3A_1239 = vector.broadcast %broadcast_in_dim3A_1238 : f32 to vector<16xf32>
      %slice3A_1240 = vector.extract_strided_slice %add3A_1207 {offsets = [3], sizes = [1], strides = [1]} : vector<16xf32> to vector<1xf32>
      %squeeze3A_1241 = vector.extract %slice3A_1240[0] : f32 from vector<1xf32>
      %add3A_1242 = vector.broadcast %squeeze3A_1241 : f32 to vector<16xf32>
      %add3A_1243 = arith.addf %broadcast_in_dim3A_1239, %add3A_1242 : vector<16xf32>
      %swap3A_1244 = arith.constant 35 : i32
      %swap3A_1245 = arith.index_cast %swap3A_1244 : i32 to index
      %swap3A_1246 = arith.constant 0 : index
      %swap3A_1247 = tpu.vector_load %arg35[%swap3A_1245, %swap3A_1246] {strides = array<i32>} : memref<48x16xf32, #tpu.memory_space<vmem>>, vector<16xf32>,
      tpu.vector_store %arg35[%swap3A_1245, %swap3A_1246], %add3A_1243 {strides = array<i32>} : memref<48x16xf32, #tpu.memory_space<vmem>>, vector<16xf32>,
      %broadcast_in_dim3A_1248 = arith.constant 0.000000e+00 : f32
      %broadcast_in_dim3A_1249 = vector.broadcast %broadcast_in_dim3A_1248 : f32 to vector<16xf32>
      %slice3A_1250 = vector.extract_strided_slice %add3A_1207 {offsets = [4], sizes = [1], strides = [1]} : vector<16xf32> to vector<1xf32>
      %squeeze3A_1251 = vector.extract %slice3A_1250[0] : f32 from vector<1xf32>
      %add3A_1252 = vector.broadcast %squeeze3A_1251 : f32 to vector<16xf32>
      %add3A_1253 = arith.addf %broadcast_in_dim3A_1249, %add3A_1252 : vector<16xf32>
      %swap3A_1254 = arith.constant 36 : i32
      %swap3A_1255 = arith.index_cast %swap3A_1254 : i32 to index
      %swap3A_1256 = arith.constant 0 : index
      %swap3A_1257 = tpu.vector_load %arg35[%swap3A_1255, %swap3A_1256] {strides = array<i32>} : memref<48x16xf32, #tpu.memory_space<vmem>>, vector<16xf32>,
      tpu.vector_store %arg35[%swap3A_1255, %swap3A_1256], %add3A_1253 {strides = array<i32>} : memref<48x16xf32, #tpu.memory_space<vmem>>, vector<16xf32>,
      %broadcast_in_dim3A_1258 = arith.constant 0.000000e+00 : f32
      %broadcast_in_dim3A_1259 = vector.broadcast %broadcast_in_dim3A_1258 : f32 to vector<16xf32>
      %slice3A_1260 = vector.extract_strided_slice %add3A_1207 {offsets = [5], sizes = [1], strides = [1]} : vector<16xf32> to vector<1xf32>
      %squeeze3A_1261 = vector.extract %slice3A_1260[0] : f32 from vector<1xf32>
      %add3A_1262 = vector.broadcast %squeeze3A_1261 : f32 to vector<16xf32>
      %add3A_1263 = arith.addf %broadcast_in_dim3A_1259, %add3A_1262 : vector<16xf32>
      %swap3A_1264 = arith.constant 37 : i32
      %swap3A_1265 = arith.index_cast %swap3A_1264 : i32 to index
      %swap3A_1266 = arith.constant 0 : index
      %swap3A_1267 = tpu.vector_load %arg35[%swap3A_1265, %swap3A_1266] {strides = array<i32>} : memref<48x16xf32, #tpu.memory_space<vmem>>, vector<16xf32>,
      tpu.vector_store %arg35[%swap3A_1265, %swap3A_1266], %add3A_1263 {strides = array<i32>} : memref<48x16xf32, #tpu.memory_space<vmem>>, vector<16xf32>,
      %broadcast_in_dim3A_1268 = arith.constant 0.000000e+00 : f32
      %broadcast_in_dim3A_1269 = vector.broadcast %broadcast_in_dim3A_1268 : f32 to vector<16xf32>
      %slice3A_1270 = vector.extract_strided_slice %add3A_1207 {offsets = [6], sizes = [1], strides = [1]} : vector<16xf32> to vector<1xf32>
      %squeeze3A_1271 = vector.extract %slice3A_1270[0] : f32 from vector<1xf32>
      %add3A_1272 = vector.broadcast %squeeze3A_1271 : f32 to vector<16xf32>
      %add3A_1273 = arith.addf %broadcast_in_dim3A_1269, %add3A_1272 : vector<16xf32>
      %swap3A_1274 = arith.constant 38 : i32
      %swap3A_1275 = arith.index_cast %swap3A_1274 : i32 to index
      %swap3A_1276 = arith.constant 0 : index
      %swap3A_1277 = tpu.vector_load %arg35[%swap3A_1275, %swap3A_1276] {strides = array<i32>} : memref<48x16xf32, #tpu.memory_space<vmem>>, vector<16xf32>,
      tpu.vector_store %arg35[%swap3A_1275, %swap3A_1276], %add3A_1273 {strides = array<i32>} : memref<48x16xf32, #tpu.memory_space<vmem>>, vector<16xf32>,
      %broadcast_in_dim3A_1278 = arith.constant 0.000000e+00 : f32
      %broadcast_in_dim3A_1279 = vector.broadcast %broadcast_in_dim3A_1278 : f32 to vector<16xf32>
      %slice3A_1280 = vector.extract_strided_slice %add3A_1207 {offsets = [7], sizes = [1], strides = [1]} : vector<16xf32> to vector<1xf32>
      %squeeze3A_1281 = vector.extract %slice3A_1280[0] : f32 from vector<1xf32>
      %add3A_1282 = vector.broadcast %squeeze3A_1281 : f32 to vector<16xf32>
      %add3A_1283 = arith.addf %broadcast_in_dim3A_1279, %add3A_1282 : vector<16xf32>
      %swap3A_1284 = arith.constant 39 : i32
      %swap3A_1285 = arith.index_cast %swap3A_1284 : i32 to index
      %swap3A_1286 = arith.constant 0 : index
      %swap3A_1287 = tpu.vector_load %arg35[%swap3A_1285, %swap3A_1286] {strides = array<i32>} : memref<48x16xf32, #tpu.memory_space<vmem>>, vector<16xf32>,
      tpu.vector_store %arg35[%swap3A_1285, %swap3A_1286], %add3A_1283 {strides = array<i32>} : memref<48x16xf32, #tpu.memory_space<vmem>>, vector<16xf32>,
      %broadcast_in_dim3A_1288 = arith.constant 0.000000e+00 : f32
      %broadcast_in_dim3A_1289 = vector.broadcast %broadcast_in_dim3A_1288 : f32 to vector<16xf32>
      %slice3A_1290 = vector.extract_strided_slice %add3A_1207 {offsets = [8], sizes = [1], strides = [1]} : vector<16xf32> to vector<1xf32>
      %squeeze3A_1291 = vector.extract %slice3A_1290[0] : f32 from vector<1xf32>
      %add3A_1292 = vector.broadcast %squeeze3A_1291 : f32 to vector<16xf32>
      %add3A_1293 = arith.addf %broadcast_in_dim3A_1289, %add3A_1292 : vector<16xf32>
      %swap3A_1294 = arith.constant 40 : i32
      %swap3A_1295 = arith.index_cast %swap3A_1294 : i32 to index
      %swap3A_1296 = arith.constant 0 : index
      %swap3A_1297 = tpu.vector_load %arg35[%swap3A_1295, %swap3A_1296] {strides = array<i32>} : memref<48x16xf32, #tpu.memory_space<vmem>>, vector<16xf32>,
      tpu.vector_store %arg35[%swap3A_1295, %swap3A_1296], %add3A_1293 {strides = array<i32>} : memref<48x16xf32, #tpu.memory_space<vmem>>, vector<16xf32>,
      %broadcast_in_dim3A_1298 = arith.constant 0.000000e+00 : f32
      %broadcast_in_dim3A_1299 = vector.broadcast %broadcast_in_dim3A_1298 : f32 to vector<16xf32>
      %slice3A_1300 = vector.extract_strided_slice %add3A_1207 {offsets = [9], sizes = [1], strides = [1]} : vector<16xf32> to vector<1xf32>
      %squeeze3A_1301 = vector.extract %slice3A_1300[0] : f32 from vector<1xf32>
      %add3A_1302 = vector.broadcast %squeeze3A_1301 : f32 to vector<16xf32>
      %add3A_1303 = arith.addf %broadcast_in_dim3A_1299, %add3A_1302 : vector<16xf32>
      %swap3A_1304 = arith.constant 41 : i32
      %swap3A_1305 = arith.index_cast %swap3A_1304 : i32 to index
      %swap3A_1306 = arith.constant 0 : index
      %swap3A_1307 = tpu.vector_load %arg35[%swap3A_1305, %swap3A_1306] {strides = array<i32>} : memref<48x16xf32, #tpu.memory_space<vmem>>, vector<16xf32>,
      tpu.vector_store %arg35[%swap3A_1305, %swap3A_1306], %add3A_1303 {strides = array<i32>} : memref<48x16xf32, #tpu.memory_space<vmem>>, vector<16xf32>,
      %broadcast_in_dim3A_1308 = arith.constant 0.000000e+00 : f32
      %broadcast_in_dim3A_1309 = vector.broadcast %broadcast_in_dim3A_1308 : f32 to vector<16xf32>
      %slice3A_1310 = vector.extract_strided_slice %add3A_1207 {offsets = [10], sizes = [1], strides = [1]} : vector<16xf32> to vector<1xf32>
      %squeeze3A_1311 = vector.extract %slice3A_1310[0] : f32 from vector<1xf32>
      %add3A_1312 = vector.broadcast %squeeze3A_1311 : f32 to vector<16xf32>
      %add3A_1313 = arith.addf %broadcast_in_dim3A_1309, %add3A_1312 : vector<16xf32>
      %swap3A_1314 = arith.constant 42 : i32
      %swap3A_1315 = arith.index_cast %swap3A_1314 : i32 to index
      %swap3A_1316 = arith.constant 0 : index
      %swap3A_1317 = tpu.vector_load %arg35[%swap3A_1315, %swap3A_1316] {strides = array<i32>} : memref<48x16xf32, #tpu.memory_space<vmem>>, vector<16xf32>,
      tpu.vector_store %arg35[%swap3A_1315, %swap3A_1316], %add3A_1313 {strides = array<i32>} : memref<48x16xf32, #tpu.memory_space<vmem>>, vector<16xf32>,
      %broadcast_in_dim3A_1318 = arith.constant 0.000000e+00 : f32
      %broadcast_in_dim3A_1319 = vector.broadcast %broadcast_in_dim3A_1318 : f32 to vector<16xf32>
      %slice3A_1320 = vector.extract_strided_slice %add3A_1207 {offsets = [11], sizes = [1], strides = [1]} : vector<16xf32> to vector<1xf32>
      %squeeze3A_1321 = vector.extract %slice3A_1320[0] : f32 from vector<1xf32>
      %add3A_1322 = vector.broadcast %squeeze3A_1321 : f32 to vector<16xf32>
      %add3A_1323 = arith.addf %broadcast_in_dim3A_1319, %add3A_1322 : vector<16xf32>
      %swap3A_1324 = arith.constant 43 : i32
      %swap3A_1325 = arith.index_cast %swap3A_1324 : i32 to index
      %swap3A_1326 = arith.constant 0 : index
      %swap3A_1327 = tpu.vector_load %arg35[%swap3A_1325, %swap3A_1326] {strides = array<i32>} : memref<48x16xf32, #tpu.memory_space<vmem>>, vector<16xf32>,
      tpu.vector_store %arg35[%swap3A_1325, %swap3A_1326], %add3A_1323 {strides = array<i32>} : memref<48x16xf32, #tpu.memory_space<vmem>>, vector<16xf32>,
      %broadcast_in_dim3A_1328 = arith.constant 0.000000e+00 : f32
      %broadcast_in_dim3A_1329 = vector.broadcast %broadcast_in_dim3A_1328 : f32 to vector<16xf32>
      %slice3A_1330 = vector.extract_strided_slice %add3A_1207 {offsets = [12], sizes = [1], strides = [1]} : vector<16xf32> to vector<1xf32>
      %squeeze3A_1331 = vector.extract %slice3A_1330[0] : f32 from vector<1xf32>
      %add3A_1332 = vector.broadcast %squeeze3A_1331 : f32 to vector<16xf32>
      %add3A_1333 = arith.addf %broadcast_in_dim3A_1329, %add3A_1332 : vector<16xf32>
      %swap3A_1334 = arith.constant 44 : i32
      %swap3A_1335 = arith.index_cast %swap3A_1334 : i32 to index
      %swap3A_1336 = arith.constant 0 : index
      %swap3A_1337 = tpu.vector_load %arg35[%swap3A_1335, %swap3A_1336] {strides = array<i32>} : memref<48x16xf32, #tpu.memory_space<vmem>>, vector<16xf32>,
      tpu.vector_store %arg35[%swap3A_1335, %swap3A_1336], %add3A_1333 {strides = array<i32>} : memref<48x16xf32, #tpu.memory_space<vmem>>, vector<16xf32>,
      %broadcast_in_dim3A_1338 = arith.constant 0.000000e+00 : f32
      %broadcast_in_dim3A_1339 = vector.broadcast %broadcast_in_dim3A_1338 : f32 to vector<16xf32>
      %slice3A_1340 = vector.extract_strided_slice %add3A_1207 {offsets = [13], sizes = [1], strides = [1]} : vector<16xf32> to vector<1xf32>
      %squeeze3A_1341 = vector.extract %slice3A_1340[0] : f32 from vector<1xf32>
      %add3A_1342 = vector.broadcast %squeeze3A_1341 : f32 to vector<16xf32>
      %add3A_1343 = arith.addf %broadcast_in_dim3A_1339, %add3A_1342 : vector<16xf32>
      %swap3A_1344 = arith.constant 45 : i32
      %swap3A_1345 = arith.index_cast %swap3A_1344 : i32 to index
      %swap3A_1346 = arith.constant 0 : index
      %swap3A_1347 = tpu.vector_load %arg35[%swap3A_1345, %swap3A_1346] {strides = array<i32>} : memref<48x16xf32, #tpu.memory_space<vmem>>, vector<16xf32>,
      tpu.vector_store %arg35[%swap3A_1345, %swap3A_1346], %add3A_1343 {strides = array<i32>} : memref<48x16xf32, #tpu.memory_space<vmem>>, vector<16xf32>,
      %broadcast_in_dim3A_1348 = arith.constant 0.000000e+00 : f32
      %broadcast_in_dim3A_1349 = vector.broadcast %broadcast_in_dim3A_1348 : f32 to vector<16xf32>
      %slice3A_1350 = vector.extract_strided_slice %add3A_1207 {offsets = [14], sizes = [1], strides = [1]} : vector<16xf32> to vector<1xf32>
      %squeeze3A_1351 = vector.extract %slice3A_1350[0] : f32 from vector<1xf32>
      %add3A_1352 = vector.broadcast %squeeze3A_1351 : f32 to vector<16xf32>
      %add3A_1353 = arith.addf %broadcast_in_dim3A_1349, %add3A_1352 : vector<16xf32>
      %swap3A_1354 = arith.constant 46 : i32
      %swap3A_1355 = arith.index_cast %swap3A_1354 : i32 to index
      %swap3A_1356 = arith.constant 0 : index
      %swap3A_1357 = tpu.vector_load %arg35[%swap3A_1355, %swap3A_1356] {strides = array<i32>} : memref<48x16xf32, #tpu.memory_space<vmem>>, vector<16xf32>,
      tpu.vector_store %arg35[%swap3A_1355, %swap3A_1356], %add3A_1353 {strides = array<i32>} : memref<48x16xf32, #tpu.memory_space<vmem>>, vector<16xf32>,
      %broadcast_in_dim3A_1358 = arith.constant 0.000000e+00 : f32
      %broadcast_in_dim3A_1359 = vector.broadcast %broadcast_in_dim3A_1358 : f32 to vector<16xf32>
      %slice3A_1360 = vector.extract_strided_slice %add3A_1207 {offsets = [15], sizes = [1], strides = [1]} : vector<16xf32> to vector<1xf32>
      %squeeze3A_1361 = vector.extract %slice3A_1360[0] : f32 from vector<1xf32>
      %add3A_1362 = vector.broadcast %squeeze3A_1361 : f32 to vector<16xf32>
      %add3A_1363 = arith.addf %broadcast_in_dim3A_1359, %add3A_1362 : vector<16xf32>
      %swap3A_1364 = arith.constant 47 : i32
      %swap3A_1365 = arith.index_cast %swap3A_1364 : i32 to index
      %swap3A_1366 = arith.constant 0 : index
      %swap3A_1367 = tpu.vector_load %arg35[%swap3A_1365, %swap3A_1366] {strides = array<i32>} : memref<48x16xf32, #tpu.memory_space<vmem>>, vector<16xf32>,
      tpu.vector_store %arg35[%swap3A_1365, %swap3A_1366], %add3A_1363 {strides = array<i32>} : memref<48x16xf32, #tpu.memory_space<vmem>>, vector<16xf32>,
      %parallel_loop3A_1368 = arith.constant 0 : i32
      %parallel_loop3A_1369 = arith.constant 48 : i32
      %parallel_loop3A_1370 = arith.constant 1 : i32
      scf.for %parallel_loop3A_1381 = %parallel_loop3A_1368 to %parallel_loop3A_1369 step %parallel_loop3A_1370  : i32 {
        %parallel_loop3A_1382 = arith.index_cast %parallel_loop3A_1381 : i32 to index
        %parallel_loop3A_1383 = arith.constant 0 : index
        %parallel_loop3A_1384 = tpu.vector_load %arg35[%parallel_loop3A_1382, %parallel_loop3A_1383] {strides = array<i32>} : memref<48x16xf32, #tpu.memory_space<vmem>>, vector<16xf32>,
        %parallel_loop3A_1385 = arith.index_cast %parallel_loop3A_1381 : i32 to index
        %parallel_loop3A_1386 = arith.constant 0 : index
        %parallel_loop3A_1387 = tpu.vector_load %arg27[%parallel_loop3A_1385, %parallel_loop3A_1386] {strides = array<i32>} : memref<48x128xf32, #tpu.memory_space<vmem>>, vector<16xf32>,
        %parallel_loop3A_1388 = arith.index_cast %parallel_loop3A_1381 : i32 to index
        %parallel_loop3A_1389 = arith.constant 0 : index
        %parallel_loop3A_1390 = tpu.vector_load %arg28[%parallel_loop3A_1388, %parallel_loop3A_1389] {strides = array<i32>} : memref<48x128xf32, #tpu.memory_space<vmem>>, vector<16xf32>,
        %parallel_loop3A_1391 = arith.addf %parallel_loop3A_1387, %parallel_loop3A_1390 : vector<16xf32>
        %parallel_loop3A_1392 = arith.index_cast %parallel_loop3A_1381 : i32 to index
        %parallel_loop3A_1393 = arith.constant 0 : index
        %parallel_loop3A_1394 = tpu.vector_load %arg29[%parallel_loop3A_1392, %parallel_loop3A_1393] {strides = array<i32>} : memref<48x144xf32, #tpu.memory_space<vmem>>, vector<16xf32>,
        %parallel_loop3A_1395 = arith.addf %parallel_loop3A_1391, %parallel_loop3A_1394 : vector<16xf32>
        %parallel_loop3A_1396 = arith.mulf %parallel_loop3A_1395, %parallel_loop3A_1384 : vector<16xf32>
        %parallel_loop3A_1397 = arith.index_cast %parallel_loop3A_1381 : i32 to index
        %parallel_loop3A_1398 = arith.constant 0 : index
        %parallel_loop3A_1399 = tpu.vector_load %arg30[%parallel_loop3A_1397, %parallel_loop3A_1398] {strides = array<i32>} : memref<48x128xf32, #tpu.memory_space<vmem>>, vector<16xf32>,
        tpu.vector_store %arg30[%parallel_loop3A_1397, %parallel_loop3A_1398], %parallel_loop3A_1396 {strides = array<i32>} : memref<48x128xf32, #tpu.memory_space<vmem>>, vector<16xf32>,
        %parallel_loop3A_1400 = arith.index_cast %parallel_loop3A_1381 : i32 to index
        %parallel_loop3A_1401 = arith.constant 16 : index
        %parallel_loop3A_1402 = tpu.vector_load %arg27[%parallel_loop3A_1400, %parallel_loop3A_1401] {strides = array<i32>} : memref<48x128xf32, #tpu.memory_space<vmem>>, vector<16xf32>,
        %parallel_loop3A_1403 = arith.index_cast %parallel_loop3A_1381 : i32 to index
        %parallel_loop3A_1404 = arith.constant 16 : index
        %parallel_loop3A_1405 = tpu.vector_load %arg28[%parallel_loop3A_1403, %parallel_loop3A_1404] {strides = array<i32>} : memref<48x128xf32, #tpu.memory_space<vmem>>, vector<16xf32>,
        %parallel_loop3A_1406 = arith.addf %parallel_loop3A_1402, %parallel_loop3A_1405 : vector<16xf32>
        %parallel_loop3A_1407 = arith.index_cast %parallel_loop3A_1381 : i32 to index
        %parallel_loop3A_1408 = arith.constant 16 : index
        %parallel_loop3A_1409 = tpu.vector_load %arg29[%parallel_loop3A_1407, %parallel_loop3A_1408] {strides = array<i32>} : memref<48x144xf32, #tpu.memory_space<vmem>>, vector<16xf32>,
        %parallel_loop3A_1410 = arith.addf %parallel_loop3A_1406, %parallel_loop3A_1409 : vector<16xf32>
        %parallel_loop3A_1411 = arith.mulf %parallel_loop3A_1410, %parallel_loop3A_1384 : vector<16xf32>
        %parallel_loop3A_1412 = arith.index_cast %parallel_loop3A_1381 : i32 to index
        %parallel_loop3A_1413 = arith.constant 16 : index
        %parallel_loop3A_1414 = tpu.vector_load %arg30[%parallel_loop3A_1412, %parallel_loop3A_1413] {strides = array<i32>} : memref<48x128xf32, #tpu.memory_space<vmem>>, vector<16xf32>,
        tpu.vector_store %arg30[%parallel_loop3A_1412, %parallel_loop3A_1413], %parallel_loop3A_1411 {strides = array<i32>} : memref<48x128xf32, #tpu.memory_space<vmem>>, vector<16xf32>,
        %parallel_loop3A_1415 = arith.index_cast %parallel_loop3A_1381 : i32 to index
        %parallel_loop3A_1416 = arith.constant 32 : index
        %parallel_loop3A_1417 = tpu.vector_load %arg27[%parallel_loop3A_1415, %parallel_loop3A_1416] {strides = array<i32>} : memref<48x128xf32, #tpu.memory_space<vmem>>, vector<16xf32>,
        %parallel_loop3A_1418 = arith.index_cast %parallel_loop3A_1381 : i32 to index
        %parallel_loop3A_1419 = arith.constant 32 : index
        %parallel_loop3A_1420 = tpu.vector_load %arg28[%parallel_loop3A_1418, %parallel_loop3A_1419] {strides = array<i32>} : memref<48x128xf32, #tpu.memory_space<vmem>>, vector<16xf32>,
        %parallel_loop3A_1421 = arith.addf %parallel_loop3A_1417, %parallel_loop3A_1420 : vector<16xf32>
        %parallel_loop3A_1422 = arith.index_cast %parallel_loop3A_1381 : i32 to index
        %parallel_loop3A_1423 = arith.constant 32 : index
        %parallel_loop3A_1424 = tpu.vector_load %arg29[%parallel_loop3A_1422, %parallel_loop3A_1423] {strides = array<i32>} : memref<48x144xf32, #tpu.memory_space<vmem>>, vector<16xf32>,
        %parallel_loop3A_1425 = arith.addf %parallel_loop3A_1421, %parallel_loop3A_1424 : vector<16xf32>
        %parallel_loop3A_1426 = arith.mulf %parallel_loop3A_1425, %parallel_loop3A_1384 : vector<16xf32>
        %parallel_loop3A_1427 = arith.index_cast %parallel_loop3A_1381 : i32 to index
        %parallel_loop3A_1428 = arith.constant 32 : index
        %parallel_loop3A_1429 = tpu.vector_load %arg30[%parallel_loop3A_1427, %parallel_loop3A_1428] {strides = array<i32>} : memref<48x128xf32, #tpu.memory_space<vmem>>, vector<16xf32>,
        tpu.vector_store %arg30[%parallel_loop3A_1427, %parallel_loop3A_1428], %parallel_loop3A_1426 {strides = array<i32>} : memref<48x128xf32, #tpu.memory_space<vmem>>, vector<16xf32>,
        %parallel_loop3A_1430 = arith.index_cast %parallel_loop3A_1381 : i32 to index
        %parallel_loop3A_1431 = arith.constant 48 : index
        %parallel_loop3A_1432 = tpu.vector_load %arg27[%parallel_loop3A_1430, %parallel_loop3A_1431] {strides = array<i32>} : memref<48x128xf32, #tpu.memory_space<vmem>>, vector<16xf32>,
        %parallel_loop3A_1433 = arith.index_cast %parallel_loop3A_1381 : i32 to index
        %parallel_loop3A_1434 = arith.constant 48 : index
        %parallel_loop3A_1435 = tpu.vector_load %arg28[%parallel_loop3A_1433, %parallel_loop3A_1434] {strides = array<i32>} : memref<48x128xf32, #tpu.memory_space<vmem>>, vector<16xf32>,
        %parallel_loop3A_1436 = arith.addf %parallel_loop3A_1432, %parallel_loop3A_1435 : vector<16xf32>
        %parallel_loop3A_1437 = arith.index_cast %parallel_loop3A_1381 : i32 to index
        %parallel_loop3A_1438 = arith.constant 48 : index
        %parallel_loop3A_1439 = tpu.vector_load %arg29[%parallel_loop3A_1437, %parallel_loop3A_1438] {strides = array<i32>} : memref<48x144xf32, #tpu.memory_space<vmem>>, vector<16xf32>,
        %parallel_loop3A_1440 = arith.addf %parallel_loop3A_1436, %parallel_loop3A_1439 : vector<16xf32>
        %parallel_loop3A_1441 = arith.mulf %parallel_loop3A_1440, %parallel_loop3A_1384 : vector<16xf32>
        %parallel_loop3A_1442 = arith.index_cast %parallel_loop3A_1381 : i32 to index
        %parallel_loop3A_1443 = arith.constant 48 : index
        %parallel_loop3A_1444 = tpu.vector_load %arg30[%parallel_loop3A_1442, %parallel_loop3A_1443] {strides = array<i32>} : memref<48x128xf32, #tpu.memory_space<vmem>>, vector<16xf32>,
        tpu.vector_store %arg30[%parallel_loop3A_1442, %parallel_loop3A_1443], %parallel_loop3A_1441 {strides = array<i32>} : memref<48x128xf32, #tpu.memory_space<vmem>>, vector<16xf32>,
        %parallel_loop3A_1445 = arith.index_cast %parallel_loop3A_1381 : i32 to index
        %parallel_loop3A_1446 = arith.constant 64 : index
        %parallel_loop3A_1447 = tpu.vector_load %arg27[%parallel_loop3A_1445, %parallel_loop3A_1446] {strides = array<i32>} : memref<48x128xf32, #tpu.memory_space<vmem>>, vector<16xf32>,
        %parallel_loop3A_1448 = arith.index_cast %parallel_loop3A_1381 : i32 to index
        %parallel_loop3A_1449 = arith.constant 64 : index
        %parallel_loop3A_1450 = tpu.vector_load %arg28[%parallel_loop3A_1448, %parallel_loop3A_1449] {strides = array<i32>} : memref<48x128xf32, #tpu.memory_space<vmem>>, vector<16xf32>,
        %parallel_loop3A_1451 = arith.addf %parallel_loop3A_1447, %parallel_loop3A_1450 : vector<16xf32>
        %parallel_loop3A_1452 = arith.index_cast %parallel_loop3A_1381 : i32 to index
        %parallel_loop3A_1453 = arith.constant 64 : index
        %parallel_loop3A_1454 = tpu.vector_load %arg29[%parallel_loop3A_1452, %parallel_loop3A_1453] {strides = array<i32>} : memref<48x144xf32, #tpu.memory_space<vmem>>, vector<16xf32>,
        %parallel_loop3A_1455 = arith.addf %parallel_loop3A_1451, %parallel_loop3A_1454 : vector<16xf32>
        %parallel_loop3A_1456 = arith.mulf %parallel_loop3A_1455, %parallel_loop3A_1384 : vector<16xf32>
        %parallel_loop3A_1457 = arith.index_cast %parallel_loop3A_1381 : i32 to index
        %parallel_loop3A_1458 = arith.constant 64 : index
        %parallel_loop3A_1459 = tpu.vector_load %arg30[%parallel_loop3A_1457, %parallel_loop3A_1458] {strides = array<i32>} : memref<48x128xf32, #tpu.memory_space<vmem>>, vector<16xf32>,
        tpu.vector_store %arg30[%parallel_loop3A_1457, %parallel_loop3A_1458], %parallel_loop3A_1456 {strides = array<i32>} : memref<48x128xf32, #tpu.memory_space<vmem>>, vector<16xf32>,
        %parallel_loop3A_1460 = arith.index_cast %parallel_loop3A_1381 : i32 to index
        %parallel_loop3A_1461 = arith.constant 80 : index
        %parallel_loop3A_1462 = tpu.vector_load %arg27[%parallel_loop3A_1460, %parallel_loop3A_1461] {strides = array<i32>} : memref<48x128xf32, #tpu.memory_space<vmem>>, vector<16xf32>,
        %parallel_loop3A_1463 = arith.index_cast %parallel_loop3A_1381 : i32 to index
        %parallel_loop3A_1464 = arith.constant 80 : index
        %parallel_loop3A_1465 = tpu.vector_load %arg28[%parallel_loop3A_1463, %parallel_loop3A_1464] {strides = array<i32>} : memref<48x128xf32, #tpu.memory_space<vmem>>, vector<16xf32>,
        %parallel_loop3A_1466 = arith.addf %parallel_loop3A_1462, %parallel_loop3A_1465 : vector<16xf32>
        %parallel_loop3A_1467 = arith.index_cast %parallel_loop3A_1381 : i32 to index
        %parallel_loop3A_1468 = arith.constant 80 : index
        %parallel_loop3A_1469 = tpu.vector_load %arg29[%parallel_loop3A_1467, %parallel_loop3A_1468] {strides = array<i32>} : memref<48x144xf32, #tpu.memory_space<vmem>>, vector<16xf32>,
        %parallel_loop3A_1470 = arith.addf %parallel_loop3A_1466, %parallel_loop3A_1469 : vector<16xf32>
        %parallel_loop3A_1471 = arith.mulf %parallel_loop3A_1470, %parallel_loop3A_1384 : vector<16xf32>
        %parallel_loop3A_1472 = arith.index_cast %parallel_loop3A_1381 : i32 to index
        %parallel_loop3A_1473 = arith.constant 80 : index
        %parallel_loop3A_1474 = tpu.vector_load %arg30[%parallel_loop3A_1472, %parallel_loop3A_1473] {strides = array<i32>} : memref<48x128xf32, #tpu.memory_space<vmem>>, vector<16xf32>,
        tpu.vector_store %arg30[%parallel_loop3A_1472, %parallel_loop3A_1473], %parallel_loop3A_1471 {strides = array<i32>} : memref<48x128xf32, #tpu.memory_space<vmem>>, vector<16xf32>,
        %parallel_loop3A_1475 = arith.index_cast %parallel_loop3A_1381 : i32 to index
        %parallel_loop3A_1476 = arith.constant 96 : index
        %parallel_loop3A_1477 = tpu.vector_load %arg27[%parallel_loop3A_1475, %parallel_loop3A_1476] {strides = array<i32>} : memref<48x128xf32, #tpu.memory_space<vmem>>, vector<16xf32>,
        %parallel_loop3A_1478 = arith.index_cast %parallel_loop3A_1381 : i32 to index
        %parallel_loop3A_1479 = arith.constant 96 : index
        %parallel_loop3A_1480 = tpu.vector_load %arg28[%parallel_loop3A_1478, %parallel_loop3A_1479] {strides = array<i32>} : memref<48x128xf32, #tpu.memory_space<vmem>>, vector<16xf32>,
        %parallel_loop3A_1481 = arith.addf %parallel_loop3A_1477, %parallel_loop3A_1480 : vector<16xf32>
        %parallel_loop3A_1482 = arith.index_cast %parallel_loop3A_1381 : i32 to index
        %parallel_loop3A_1483 = arith.constant 96 : index
        %parallel_loop3A_1484 = tpu.vector_load %arg29[%parallel_loop3A_1482, %parallel_loop3A_1483] {strides = array<i32>} : memref<48x144xf32, #tpu.memory_space<vmem>>, vector<16xf32>,
        %parallel_loop3A_1485 = arith.addf %parallel_loop3A_1481, %parallel_loop3A_1484 : vector<16xf32>
        %parallel_loop3A_1486 = arith.mulf %parallel_loop3A_1485, %parallel_loop3A_1384 : vector<16xf32>
        %parallel_loop3A_1487 = arith.index_cast %parallel_loop3A_1381 : i32 to index
        %parallel_loop3A_1488 = arith.constant 96 : index
        %parallel_loop3A_1489 = tpu.vector_load %arg30[%parallel_loop3A_1487, %parallel_loop3A_1488] {strides = array<i32>} : memref<48x128xf32, #tpu.memory_space<vmem>>, vector<16xf32>,
        tpu.vector_store %arg30[%parallel_loop3A_1487, %parallel_loop3A_1488], %parallel_loop3A_1486 {strides = array<i32>} : memref<48x128xf32, #tpu.memory_space<vmem>>, vector<16xf32>,
        %parallel_loop3A_1490 = arith.index_cast %parallel_loop3A_1381 : i32 to index
        %parallel_loop3A_1491 = arith.constant 112 : index
        %parallel_loop3A_1492 = tpu.vector_load %arg27[%parallel_loop3A_1490, %parallel_loop3A_1491] {strides = array<i32>} : memref<48x128xf32, #tpu.memory_space<vmem>>, vector<16xf32>,
        %parallel_loop3A_1493 = arith.index_cast %parallel_loop3A_1381 : i32 to index
        %parallel_loop3A_1494 = arith.constant 112 : index
        %parallel_loop3A_1495 = tpu.vector_load %arg28[%parallel_loop3A_1493, %parallel_loop3A_1494] {strides = array<i32>} : memref<48x128xf32, #tpu.memory_space<vmem>>, vector<16xf32>,
        %parallel_loop3A_1496 = arith.addf %parallel_loop3A_1492, %parallel_loop3A_1495 : vector<16xf32>
        %parallel_loop3A_1497 = arith.index_cast %parallel_loop3A_1381 : i32 to index
        %parallel_loop3A_1498 = arith.constant 112 : index
        %parallel_loop3A_1499 = tpu.vector_load %arg29[%parallel_loop3A_1497, %parallel_loop3A_1498] {strides = array<i32>} : memref<48x144xf32, #tpu.memory_space<vmem>>, vector<16xf32>,
        %parallel_loop3A_1500 = arith.addf %parallel_loop3A_1496, %parallel_loop3A_1499 : vector<16xf32>
        %parallel_loop3A_1501 = arith.mulf %parallel_loop3A_1500, %parallel_loop3A_1384 : vector<16xf32>
        %parallel_loop3A_1502 = arith.index_cast %parallel_loop3A_1381 : i32 to index
        %parallel_loop3A_1503 = arith.constant 112 : index
        %parallel_loop3A_1504 = tpu.vector_load %arg30[%parallel_loop3A_1502, %parallel_loop3A_1503] {strides = array<i32>} : memref<48x128xf32, #tpu.memory_space<vmem>>, vector<16xf32>,
        tpu.vector_store %arg30[%parallel_loop3A_1502, %parallel_loop3A_1503], %parallel_loop3A_1501 {strides = array<i32>} : memref<48x128xf32, #tpu.memory_space<vmem>>, vector<16xf32>,
      } {sc.loop_unroll_factor = 4 : i64, sc.parallel_access}
      %dma_start3A_1371 = arith.constant 0 : i32
      %dma_start3A_1372 = arith.constant 0 : i32
      %dma_start3A_1373 = tpu.memref_slice %arg39[%dma_start3A_1371, %dma_start3A_1372] : memref<5248x128xf32, #tpu.memory_space<vmem_shared>> -> memref<5248x128xf32, #tpu.memory_space<vmem_shared>>
      tpu.enqueue_indirect_dma source(%arg30 : memref<48x128xf32, #tpu.memory_space<vmem>>) target(%dma_start3A_1373 : memref<5248x128xf32, #tpu.memory_space<vmem_shared>>) offsets(%arg26 : memref<48xi32, #tpu.memory_space<vmem>>) semaphore(%arg34 : memref<!tpu.dma_semaphore, #tpu.memory_space<semaphore_mem>>) {add = true}
      %add3A_1374 = arith.constant 1 : i32
      %add3A_1375 = arith.addi %scan3A_51, %add3A_1374 : i32
      %lt3A_1376 = arith.constant 209 : i32
      %lt3A_1377 = arith.cmpi slt, %add3A_1375, %lt3A_1376 : i32
      %convert_element_type3A_1378 = arith.extui %lt3A_1377 : i1 to i32
      %cond3A_1379 = arith.constant 0 : i32
      %cond3A_1380 = arith.cmpi ne, %convert_element_type3A_1378, %cond3A_1379 : i32
      scf.if %cond3A_1380 {
        %add3A_1381 = arith.constant 2 : i32
        %add3A_1382 = arith.addi %add3A_55, %add3A_1381 : i32
        %mul3A_1383 = arith.constant 48 : i32
        %mul3A_1384 = arith.muli %add3A_1382, %mul3A_1383 : i32
        %add3A_1385 = arith.addi %mul3A_4, %mul3A_1384 : i32
        %dma_start3A_1386 = tpu.memref_slice %arg6[%add3A_1385] : memref<321024xi32, #tpu.memory_space<hbm>> -> memref<48xi32, #tpu.memory_space<hbm>>
        %dma_start3A_1387 = tpu.memref_slice %arg6[%add3A_1385] : memref<321024xi32, #tpu.memory_space<hbm>> -> memref<48xi32, #tpu.memory_space<hbm>>
        tpu.enqueue_dma source(%dma_start3A_1387 : memref<48xi32, #tpu.memory_space<hbm>>) target(%arg24 : memref<48xi32, #tpu.memory_space<vmem>>) target_semaphore(%arg36 : memref<!tpu.dma_semaphore, #tpu.memory_space<semaphore_mem>>)
        %mul3A_1388 = arith.constant 48 : i32
        %mul3A_1389 = arith.muli %add3A_1382, %mul3A_1388 : i32
        %add3A_1390 = arith.addi %mul3A_4, %mul3A_1389 : i32
        %dma_start3A_1391 = tpu.memref_slice %arg7[%add3A_1390] : memref<321024xi32, #tpu.memory_space<hbm>> -> memref<48xi32, #tpu.memory_space<hbm>>
        %dma_start3A_1392 = tpu.memref_slice %arg7[%add3A_1390] : memref<321024xi32, #tpu.memory_space<hbm>> -> memref<48xi32, #tpu.memory_space<hbm>>
        tpu.enqueue_dma source(%dma_start3A_1392 : memref<48xi32, #tpu.memory_space<hbm>>) target(%arg25 : memref<48xi32, #tpu.memory_space<vmem>>) target_semaphore(%arg37 : memref<!tpu.dma_semaphore, #tpu.memory_space<semaphore_mem>>)
      } else {
      }
    }
    %scan3A_43 = arith.constant 209 : i32
    %dma_wait3A_44 = arith.constant 0 : i32
    %dma_wait3A_45 = arith.constant 0 : i32
    %dma_wait3A_46 = tpu.memref_slice %arg39[%dma_wait3A_44, %dma_wait3A_45] : memref<5248x128xf32, #tpu.memory_space<vmem_shared>> -> memref<5248x128xf32, #tpu.memory_space<vmem_shared>>
    tpu.wait_indirect_dma semaphore(%arg20 : memref<!tpu.dma_semaphore, #tpu.memory_space<semaphore_mem>>) src(%arg16 : memref<48x128xf32, #tpu.memory_space<vmem>>) dst(%dma_wait3A_46 : memref<5248x128xf32, #tpu.memory_space<vmem_shared>>)
    %dma_wait3A_47 = arith.constant 0 : i32
    %dma_wait3A_48 = arith.constant 0 : i32
    %dma_wait3A_49 = tpu.memref_slice %arg39[%dma_wait3A_47, %dma_wait3A_48] : memref<5248x128xf32, #tpu.memory_space<vmem_shared>> -> memref<5248x128xf32, #tpu.memory_space<vmem_shared>>
    tpu.wait_indirect_dma semaphore(%arg34 : memref<!tpu.dma_semaphore, #tpu.memory_space<semaphore_mem>>) src(%arg30 : memref<48x128xf32, #tpu.memory_space<vmem>>) dst(%dma_wait3A_49 : memref<5248x128xf32, #tpu.memory_space<vmem_shared>>)
    %barrier3A_50 = arith.constant 0 : index
    tpu.barrier barrier_id(%barrier3A_50)
    "tpu.region"() ({
      %run_scoped3A = tpu.sem_alloc : memref<!tpu.dma_semaphore, #tpu.memory_space<semaphore_mem>>
      %dma_start3A_51 = arith.constant 0 : i32
      %dma_start3A_52 = tpu.memref_slice %arg9[%arg0, %mul3A_2, %dma_start3A_51] : memref<2x5248x128xf32, #tpu.memory_space<hbm>> -> memref<1x328x128xf32, #tpu.memory_space<hbm>>
      %dma_start3A_53 = tpu.memref_squeeze %dma_start3A_52 : memref<1x328x128xf32, #tpu.memory_space<hbm>> -> memref<328x128xf32, #tpu.memory_space<hbm>>
      %dma_start3A_54 = arith.constant 0 : i32
      %dma_start3A_55 = tpu.memref_slice %arg39[%mul3A_2, %dma_start3A_54] : memref<5248x128xf32, #tpu.memory_space<vmem_shared>> -> memref<328x128xf32, #tpu.memory_space<vmem_shared>>
      tpu.enqueue_dma source(%dma_start3A_55 : memref<328x128xf32, #tpu.memory_space<vmem_shared>>) target(%dma_start3A_53 : memref<328x128xf32, #tpu.memory_space<hbm>>) target_semaphore(%run_scoped3A : memref<!tpu.dma_semaphore, #tpu.memory_space<semaphore_mem>>)
      %dma_wait3A_56 = arith.constant 0 : i32
      %dma_wait3A_57 = tpu.memref_slice %arg9[%arg0, %mul3A_2, %dma_wait3A_56] : memref<2x5248x128xf32, #tpu.memory_space<hbm>> -> memref<1x328x128xf32, #tpu.memory_space<hbm>>
      %dma_wait3A_58 = tpu.memref_squeeze %dma_wait3A_57 : memref<1x328x128xf32, #tpu.memory_space<hbm>> -> memref<328x128xf32, #tpu.memory_space<hbm>>
      %dma_wait3A_59 = arith.constant 0 : i32
      %dma_wait3A_60 = tpu.memref_slice %arg39[%mul3A_2, %dma_wait3A_59] : memref<5248x128xf32, #tpu.memory_space<vmem_shared>> -> memref<328x128xf32, #tpu.memory_space<vmem_shared>>
      tpu.wait_dma2 semaphore(%run_scoped3A : memref<!tpu.dma_semaphore, #tpu.memory_space<semaphore_mem>>) src(%dma_wait3A_60 : memref<328x128xf32, #tpu.memory_space<vmem_shared>>) dst(%dma_wait3A_58 : memref<328x128xf32, #tpu.memory_space<hbm>>)
      tpu.yield
    }) : () -> ()
    return
  }
}

module attributes {stable_mosaic.version = 14 : i64} {
  func.func @_bmat_body(%arg0: i32, %arg1: memref<2560x128xf32, #tpu.memory_space<vmem>>, %arg2: memref<128x144xf32, #tpu.memory_space<vmem>>, %arg3: memref<1x144xf32, #tpu.memory_space<vmem>>, %arg4: memref<2560x144xf32, #tpu.memory_space<vmem>>) attributes {dimension_semantics = [#tpu.dimension_semantics<arbitrary>], iteration_bounds = array<i64: 125>, scalar_prefetch = 0 : i64, scratch_operands = 0 : i64, tpu.core_type = #tpu.core_type<tc>, window_params = [{transform_indices = @transform_0, window_bounds = array<i64: 2560, 128>}, {pipeline_mode = #tpu.pipeline_mode<synchronous>, transform_indices = @transform_1, window_bounds = array<i64: 128, 144>}, {pipeline_mode = #tpu.pipeline_mode<synchronous>, transform_indices = @transform_2, window_bounds = array<i64: 1, 144>}, {transform_indices = @transform_3, window_bounds = array<i64: 2560, 144>}]} {
    %get3A = arith.constant 0 : index
    %get3A_0 = arith.constant 0 : index
    %get3A_1 = vector.load %arg1[%get3A, %get3A_0] : memref<2560x128xf32, #tpu.memory_space<vmem>>, vector<2560x128xf32>
    %get3A_2 = arith.constant 0 : index
    %get3A_3 = arith.constant 0 : index
    %get3A_4 = vector.load %arg2[%get3A_2, %get3A_3] : memref<128x144xf32, #tpu.memory_space<vmem>>, vector<128x144xf32>
    %dot_general3A = arith.constant dense<0.000000e+00> : vector<2560x144xf32>
    %dot_general3A_5 = tpu.matmul %get3A_1, %get3A_4, %dot_general3A {dimension_numbers = #tpu.dot_dimension_numbers<[1], [0], [0], [1], [0, 0, 1, 1], [], []>, transpose_lhs_hint = false} : vector<2560x128xf32>, vector<128x144xf32>, vector<2560x144xf32> -> vector<2560x144xf32>
    %get3A_6 = arith.constant 0 : index
    %get3A_7 = arith.constant 0 : index
    %get3A_8 = vector.load %arg3[%get3A_6, %get3A_7] : memref<1x144xf32, #tpu.memory_space<vmem>>, vector<1x144xf32>
    %add3A = vector.broadcast %get3A_8 : vector<1x144xf32> to vector<2560x144xf32>
    %add3A_9 = arith.addf %dot_general3A_5, %add3A : vector<2560x144xf32>
    %swap3A = arith.constant 0 : index
    %swap3A_10 = arith.constant 0 : index
    %swap3A_11 = vector.load %arg4[%swap3A, %swap3A_10] : memref<2560x144xf32, #tpu.memory_space<vmem>>, vector<2560x144xf32>
    tpu.vector_store %arg4[%swap3A, %swap3A_10], %add3A_9 {strides = array<i32>} : memref<2560x144xf32, #tpu.memory_space<vmem>>, vector<2560x144xf32>,
    return
  }
  func.func @transform_0(%arg0: i32) -> (i32, i32) {
    %c0_i32 = arith.constant 0 : i32
    %c0_i32_0 = arith.constant 0 : i32
    return %arg0, %c0_i32 : i32, i32
  }
  func.func @transform_1(%arg0: i32) -> (i32, i32) {
    %c0_i32 = arith.constant 0 : i32
    %c0_i32_0 = arith.constant 0 : i32
    %c0_i32_1 = arith.constant 0 : i32
    return %c0_i32, %c0_i32_0 : i32, i32
  }
  func.func @transform_2(%arg0: i32) -> (i32, i32) {
    %c0_i32 = arith.constant 0 : i32
    %c0_i32_0 = arith.constant 0 : i32
    %c0_i32_1 = arith.constant 0 : i32
    return %c0_i32, %c0_i32_0 : i32, i32
  }
  func.func @transform_3(%arg0: i32) -> (i32, i32) {
    %c0_i32 = arith.constant 0 : i32
    %c0_i32_0 = arith.constant 0 : i32
    return %arg0, %c0_i32 : i32, i32
  }
}

module attributes {stable_mosaic.version = 14 : i64} {
  func.func @_tables_body(%arg0: i32, %arg1: memref<2000x128xf32, #tpu.memory_space<vmem>>, %arg2: memref<128x128xf32, #tpu.memory_space<vmem>>, %arg3: memref<128x128xf32, #tpu.memory_space<vmem>>, %arg4: memref<2000x128xf32, #tpu.memory_space<vmem>>, %arg5: memref<2000x128xf32, #tpu.memory_space<vmem>>) attributes {dimension_semantics = [#tpu.dimension_semantics<arbitrary>], iteration_bounds = array<i64: 5>, scalar_prefetch = 0 : i64, scratch_operands = 0 : i64, tpu.core_type = #tpu.core_type<tc>, window_params = [{transform_indices = @transform_0, window_bounds = array<i64: 2000, 128>}, {pipeline_mode = #tpu.pipeline_mode<synchronous>, transform_indices = @transform_1, window_bounds = array<i64: 128, 128>}, {pipeline_mode = #tpu.pipeline_mode<synchronous>, transform_indices = @transform_2, window_bounds = array<i64: 128, 128>}, {transform_indices = @transform_3, window_bounds = array<i64: 2000, 128>}, {transform_indices = @transform_4, window_bounds = array<i64: 2000, 128>}]} {
    %get3A = arith.constant 0 : index
    %get3A_0 = arith.constant 0 : index
    %get3A_1 = vector.load %arg1[%get3A, %get3A_0] : memref<2000x128xf32, #tpu.memory_space<vmem>>, vector<2000x128xf32>
    %get3A_2 = arith.constant 0 : index
    %get3A_3 = arith.constant 0 : index
    %get3A_4 = vector.load %arg2[%get3A_2, %get3A_3] : memref<128x128xf32, #tpu.memory_space<vmem>>, vector<128x128xf32>
    %dot_general3A = arith.constant dense<0.000000e+00> : vector<2000x128xf32>
    %dot_general3A_5 = tpu.matmul %get3A_1, %get3A_4, %dot_general3A {dimension_numbers = #tpu.dot_dimension_numbers<[1], [0], [0], [1], [0, 0, 1, 1], [], []>, transpose_lhs_hint = false} : vector<2000x128xf32>, vector<128x128xf32>, vector<2000x128xf32> -> vector<2000x128xf32>
    %swap3A = arith.constant 0 : index
    %swap3A_6 = arith.constant 0 : index
    %swap3A_7 = vector.load %arg4[%swap3A, %swap3A_6] : memref<2000x128xf32, #tpu.memory_space<vmem>>, vector<2000x128xf32>
    tpu.vector_store %arg4[%swap3A, %swap3A_6], %dot_general3A_5 {strides = array<i32>} : memref<2000x128xf32, #tpu.memory_space<vmem>>, vector<2000x128xf32>,
    %get3A_8 = arith.constant 0 : index
    %get3A_9 = arith.constant 0 : index
    %get3A_10 = vector.load %arg3[%get3A_8, %get3A_9] : memref<128x128xf32, #tpu.memory_space<vmem>>, vector<128x128xf32>
    %dot_general3A_11 = arith.constant dense<0.000000e+00> : vector<2000x128xf32>
    %dot_general3A_12 = tpu.matmul %get3A_1, %get3A_10, %dot_general3A_11 {dimension_numbers = #tpu.dot_dimension_numbers<[1], [0], [0], [1], [0, 0, 1, 1], [], []>, transpose_lhs_hint = false} : vector<2000x128xf32>, vector<128x128xf32>, vector<2000x128xf32> -> vector<2000x128xf32>
    %swap3A_13 = arith.constant 0 : index
    %swap3A_14 = arith.constant 0 : index
    %swap3A_15 = vector.load %arg5[%swap3A_13, %swap3A_14] : memref<2000x128xf32, #tpu.memory_space<vmem>>, vector<2000x128xf32>
    tpu.vector_store %arg5[%swap3A_13, %swap3A_14], %dot_general3A_12 {strides = array<i32>} : memref<2000x128xf32, #tpu.memory_space<vmem>>, vector<2000x128xf32>,
    return
  }
  func.func @transform_0(%arg0: i32) -> (i32, i32) {
    %c0_i32 = arith.constant 0 : i32
    %c0_i32_0 = arith.constant 0 : i32
    return %arg0, %c0_i32 : i32, i32
  }
  func.func @transform_1(%arg0: i32) -> (i32, i32) {
    %c0_i32 = arith.constant 0 : i32
    %c0_i32_0 = arith.constant 0 : i32
    %c0_i32_1 = arith.constant 0 : i32
    return %c0_i32, %c0_i32_0 : i32, i32
  }
  func.func @transform_2(%arg0: i32) -> (i32, i32) {
    %c0_i32 = arith.constant 0 : i32
    %c0_i32_0 = arith.constant 0 : i32
    %c0_i32_1 = arith.constant 0 : i32
    return %c0_i32, %c0_i32_0 : i32, i32
  }
  func.func @transform_3(%arg0: i32) -> (i32, i32) {
    %c0_i32 = arith.constant 0 : i32
    %c0_i32_0 = arith.constant 0 : i32
    return %arg0, %c0_i32 : i32, i32
  }
  func.func @transform_4(%arg0: i32) -> (i32, i32) {
    %c0_i32 = arith.constant 0 : i32
    %c0_i32_0 = arith.constant 0 : i32
    return %arg0, %c0_i32 : i32, i32
  }
}

module attributes {stable_mosaic.version = 14 : i64} {
  func.func @_final_body(%arg0: i32, %arg1: memref<2000x128xf32, #tpu.memory_space<vmem>>, %arg2: memref<2000x128xf32, #tpu.memory_space<vmem>>, %arg3: memref<128x128xf32, #tpu.memory_space<vmem>>, %arg4: memref<1x128xf32, #tpu.memory_space<vmem>>, %arg5: memref<128x128xf32, #tpu.memory_space<vmem>>, %arg6: memref<1x128xf32, #tpu.memory_space<vmem>>, %arg7: memref<128x128xf32, #tpu.memory_space<vmem>>, %arg8: memref<1x128xf32, #tpu.memory_space<vmem>>, %arg9: memref<128x128xf32, #tpu.memory_space<vmem>>, %arg10: memref<1x128xf32, #tpu.memory_space<vmem>>, %arg11: memref<2000x128xf32, #tpu.memory_space<vmem>>) attributes {dimension_semantics = [#tpu.dimension_semantics<arbitrary>], iteration_bounds = array<i64: 5>, scalar_prefetch = 0 : i64, scratch_operands = 0 : i64, tpu.core_type = #tpu.core_type<tc>, window_params = [{transform_indices = @transform_0, window_bounds = array<i64: 2000, 128>}, {transform_indices = @transform_1, window_bounds = array<i64: 2000, 128>}, {pipeline_mode = #tpu.pipeline_mode<synchronous>, transform_indices = @transform_2, window_bounds = array<i64: 128, 128>}, {pipeline_mode = #tpu.pipeline_mode<synchronous>, transform_indices = @transform_3, window_bounds = array<i64: 1, 128>}, {pipeline_mode = #tpu.pipeline_mode<synchronous>, transform_indices = @transform_4, window_bounds = array<i64: 128, 128>}, {pipeline_mode = #tpu.pipeline_mode<synchronous>, transform_indices = @transform_5, window_bounds = array<i64: 1, 128>}, {pipeline_mode = #tpu.pipeline_mode<synchronous>, transform_indices = @transform_6, window_bounds = array<i64: 128, 128>}, {pipeline_mode = #tpu.pipeline_mode<synchronous>, transform_indices = @transform_7, window_bounds = array<i64: 1, 128>}, {pipeline_mode = #tpu.pipeline_mode<synchronous>, transform_indices = @transform_8, window_bounds = array<i64: 128, 128>}, {pipeline_mode = #tpu.pipeline_mode<synchronous>, transform_indices = @transform_9, window_bounds = array<i64: 1, 128>}, {transform_indices = @transform_10, window_bounds = array<i64: 2000, 128>}]} {
    %get3A = arith.constant 0 : index
    %get3A_0 = arith.constant 0 : index
    %get3A_1 = vector.load %arg1[%get3A, %get3A_0] : memref<2000x128xf32, #tpu.memory_space<vmem>>, vector<2000x128xf32>
    %get3A_2 = arith.constant 0 : index
    %get3A_3 = arith.constant 0 : index
    %get3A_4 = vector.load %arg2[%get3A_2, %get3A_3] : memref<2000x128xf32, #tpu.memory_space<vmem>>, vector<2000x128xf32>
    %add3A = arith.addf %get3A_1, %get3A_4 : vector<2000x128xf32>
    %get3A_5 = arith.constant 0 : index
    %get3A_6 = arith.constant 0 : index
    %get3A_7 = vector.load %arg3[%get3A_5, %get3A_6] : memref<128x128xf32, #tpu.memory_space<vmem>>, vector<128x128xf32>
    %dot_general3A = arith.constant dense<0.000000e+00> : vector<2000x128xf32>
    %dot_general3A_8 = tpu.matmul %add3A, %get3A_7, %dot_general3A {dimension_numbers = #tpu.dot_dimension_numbers<[1], [0], [0], [1], [0, 0, 1, 1], [], []>, transpose_lhs_hint = false} : vector<2000x128xf32>, vector<128x128xf32>, vector<2000x128xf32> -> vector<2000x128xf32>
    %get3A_9 = arith.constant 0 : index
    %get3A_10 = arith.constant 0 : index
    %get3A_11 = vector.load %arg4[%get3A_9, %get3A_10] : memref<1x128xf32, #tpu.memory_space<vmem>>, vector<1x128xf32>
    %add3A_12 = vector.broadcast %get3A_11 : vector<1x128xf32> to vector<2000x128xf32>
    %add3A_13 = arith.addf %dot_general3A_8, %add3A_12 : vector<2000x128xf32>
    %get3A_14 = arith.constant 0 : index
    %get3A_15 = arith.constant 0 : index
    %get3A_16 = vector.load %arg5[%get3A_14, %get3A_15] : memref<128x128xf32, #tpu.memory_space<vmem>>, vector<128x128xf32>
    %dot_general3A_17 = arith.constant dense<0.000000e+00> : vector<2000x128xf32>
    %dot_general3A_18 = tpu.matmul %add3A_13, %get3A_16, %dot_general3A_17 {dimension_numbers = #tpu.dot_dimension_numbers<[1], [0], [0], [1], [0, 0, 1, 1], [], []>, transpose_lhs_hint = false} : vector<2000x128xf32>, vector<128x128xf32>, vector<2000x128xf32> -> vector<2000x128xf32>
    %get3A_19 = arith.constant 0 : index
    %get3A_20 = arith.constant 0 : index
    %get3A_21 = vector.load %arg6[%get3A_19, %get3A_20] : memref<1x128xf32, #tpu.memory_space<vmem>>, vector<1x128xf32>
    %add3A_22 = vector.broadcast %get3A_21 : vector<1x128xf32> to vector<2000x128xf32>
    %add3A_23 = arith.addf %dot_general3A_18, %add3A_22 : vector<2000x128xf32>
    %add3A_24 = arith.addf %add3A, %add3A_23 : vector<2000x128xf32>
    %get3A_25 = arith.constant 0 : index
    %get3A_26 = arith.constant 0 : index
    %get3A_27 = vector.load %arg7[%get3A_25, %get3A_26] : memref<128x128xf32, #tpu.memory_space<vmem>>, vector<128x128xf32>
    %dot_general3A_28 = arith.constant dense<0.000000e+00> : vector<2000x128xf32>
    %dot_general3A_29 = tpu.matmul %add3A_24, %get3A_27, %dot_general3A_28 {dimension_numbers = #tpu.dot_dimension_numbers<[1], [0], [0], [1], [0, 0, 1, 1], [], []>, transpose_lhs_hint = false} : vector<2000x128xf32>, vector<128x128xf32>, vector<2000x128xf32> -> vector<2000x128xf32>
    %get3A_30 = arith.constant 0 : index
    %get3A_31 = arith.constant 0 : index
    %get3A_32 = vector.load %arg8[%get3A_30, %get3A_31] : memref<1x128xf32, #tpu.memory_space<vmem>>, vector<1x128xf32>
    %add3A_33 = vector.broadcast %get3A_32 : vector<1x128xf32> to vector<2000x128xf32>
    %add3A_34 = arith.addf %dot_general3A_29, %add3A_33 : vector<2000x128xf32>
    %get3A_35 = arith.constant 0 : index
    %get3A_36 = arith.constant 0 : index
    %get3A_37 = vector.load %arg9[%get3A_35, %get3A_36] : memref<128x128xf32, #tpu.memory_space<vmem>>, vector<128x128xf32>
    %dot_general3A_38 = arith.constant dense<0.000000e+00> : vector<2000x128xf32>
    %dot_general3A_39 = tpu.matmul %add3A_34, %get3A_37, %dot_general3A_38 {dimension_numbers = #tpu.dot_dimension_numbers<[1], [0], [0], [1], [0, 0, 1, 1], [], []>, transpose_lhs_hint = false} : vector<2000x128xf32>, vector<128x128xf32>, vector<2000x128xf32> -> vector<2000x128xf32>
    %get3A_40 = arith.constant 0 : index
    %get3A_41 = arith.constant 0 : index
    %get3A_42 = vector.load %arg10[%get3A_40, %get3A_41] : memref<1x128xf32, #tpu.memory_space<vmem>>, vector<1x128xf32>
    %add3A_43 = vector.broadcast %get3A_42 : vector<1x128xf32> to vector<2000x128xf32>
    %add3A_44 = arith.addf %dot_general3A_39, %add3A_43 : vector<2000x128xf32>
    %add3A_45 = arith.addf %add3A_24, %add3A_44 : vector<2000x128xf32>
    %swap3A = arith.constant 0 : index
    %swap3A_46 = arith.constant 0 : index
    %swap3A_47 = vector.load %arg11[%swap3A, %swap3A_46] : memref<2000x128xf32, #tpu.memory_space<vmem>>, vector<2000x128xf32>
    tpu.vector_store %arg11[%swap3A, %swap3A_46], %add3A_45 {strides = array<i32>} : memref<2000x128xf32, #tpu.memory_space<vmem>>, vector<2000x128xf32>,
    return
  }
  func.func @transform_0(%arg0: i32) -> (i32, i32) {
    %c0_i32 = arith.constant 0 : i32
    %c0_i32_0 = arith.constant 0 : i32
    return %arg0, %c0_i32 : i32, i32
  }
  func.func @transform_1(%arg0: i32) -> (i32, i32) {
    %c0_i32 = arith.constant 0 : i32
    %c0_i32_0 = arith.constant 0 : i32
    return %arg0, %c0_i32 : i32, i32
  }
  func.func @transform_2(%arg0: i32) -> (i32, i32) {
    %c0_i32 = arith.constant 0 : i32
    %c0_i32_0 = arith.constant 0 : i32
    %c0_i32_1 = arith.constant 0 : i32
    return %c0_i32, %c0_i32_0 : i32, i32
  }
  func.func @transform_3(%arg0: i32) -> (i32, i32) {
    %c0_i32 = arith.constant 0 : i32
    %c0_i32_0 = arith.constant 0 : i32
    %c0_i32_1 = arith.constant 0 : i32
    return %c0_i32, %c0_i32_0 : i32, i32
  }
  func.func @transform_4(%arg0: i32) -> (i32, i32) {
    %c0_i32 = arith.constant 0 : i32
    %c0_i32_0 = arith.constant 0 : i32
    %c0_i32_1 = arith.constant 0 : i32
    return %c0_i32, %c0_i32_0 : i32, i32
  }
  func.func @transform_5(%arg0: i32) -> (i32, i32) {
    %c0_i32 = arith.constant 0 : i32
    %c0_i32_0 = arith.constant 0 : i32
    %c0_i32_1 = arith.constant 0 : i32
    return %c0_i32, %c0_i32_0 : i32, i32
  }
  func.func @transform_6(%arg0: i32) -> (i32, i32) {
    %c0_i32 = arith.constant 0 : i32
    %c0_i32_0 = arith.constant 0 : i32
    %c0_i32_1 = arith.constant 0 : i32
    return %c0_i32, %c0_i32_0 : i32, i32
  }
  func.func @transform_7(%arg0: i32) -> (i32, i32) {
    %c0_i32 = arith.constant 0 : i32
    %c0_i32_0 = arith.constant 0 : i32
    %c0_i32_1 = arith.constant 0 : i32
    return %c0_i32, %c0_i32_0 : i32, i32
  }
  func.func @transform_8(%arg0: i32) -> (i32, i32) {
    %c0_i32 = arith.constant 0 : i32
    %c0_i32_0 = arith.constant 0 : i32
    %c0_i32_1 = arith.constant 0 : i32
    return %c0_i32, %c0_i32_0 : i32, i32
  }
  func.func @transform_9(%arg0: i32) -> (i32, i32) {
    %c0_i32 = arith.constant 0 : i32
    %c0_i32_0 = arith.constant 0 : i32
    %c0_i32_1 = arith.constant 0 : i32
    return %c0_i32, %c0_i32_0 : i32, i32
  }
  func.func @transform_10(%arg0: i32) -> (i32, i32) {
    %c0_i32 = arith.constant 0 : i32
    %c0_i32_0 = arith.constant 0 : i32
    return %arg0, %c0_i32 : i32, i32
  }
}

</mosaic_0001>

<sc_bundles>
// kernel: kernel.6.cloned.1.call-start
scs
__scs_entry_jumppad:
0x0: {  	(pc) =	sbr.rel $0x88, $3  }
0x1: {  	(tag) =	ssettag $0x0;
	lr =	simm.s32 $0x1  }
0x2: {  	[smem:$0x3F8B] =	sst lr;
	_ =	strace $0xD0000000  }
0x3: {  	_ = 	snop  }
0x4: {  	_ = 	snop  }
0x5: {  	_ = 	snop  }
0x6: {  	_ = 	snop  }
0x7: {  	_ = 	snop  }
__scs_overlays_trampoline_lowered:
0x8: {  	[smem:$0x3F9A] =	sst s0  }
0x9: {  	[smem:$0x3F9B] =	sst s1  }
0xa: {  	[smem:$0x3F9C] =	sst s2  }
0xb: {  	[smem:$0x3F9D] =	sst s3  }
0xc: {  	[smem:$0x3F9E] =	sst s4  }
0xd: {  	[smem:$0x3F9F] =	sst s5  }
0xe: {  	[smem:$0x3FA0] =	sst s6  }
0xf: {  	[smem:$0x3FA1] =	sst s7  }
0x10: {  	[smem:$0x3FA2] =	sst s8  }
0x11: {  	[smem:$0x3FA3] =	sst s9;
	s0 =	simm.s32 @!p0 $0x0  }
0x12: {  	s1 =	sld [smem:$0x3F89];
	s0 =	simm.s32 @p0 $0x1  }
0x13: {  	[smem:$0x3FA4] =	sst s0;
	s0 =	simm.s32 @!p1 $0x0  }
0x14: {  	s2 =	sld [smem:$0x3F88];
	s0 =	simm.s32 @p1 $0x1  }
0x15: {  	[smem:$0x3FA5] =	sst s0;
	s0 =	simm.s32 @!p2 $0x0  }
0x16: {  	s3 =	sld [smem:$0x3FDB];
	s0 =	simm.s32 @p2 $0x1  }
0x17: {  	s4 =	simm.s32 $0x1BF5;
	[smem:$0x3FA7] =	sst s0  }
0x18: {  	s0 =	sld [smem:$0x3F8A];
	_ =	swait.ge [sflag:s4], $0x0  }
0x19: {  	s7 =	sld [smem:$0x3F8B]  }
0x1a: {  	s8 =	sadd.s32 $0xFFFFE003, lr  }
0x1b: {  	s9 =	sadd.s32 $0xFFFFFEF7, lr;
	s5 =	simm.s32 $0xFFFFFFFF;
	p2 =	slt.u32 s8, $0xFFFFF086  }
0x1c: {  	p1 =	slt.u32 s9, $0xF7A;
	s5 =	simm.s32 @!p2 $0x0  }
0x1d: {  	s5 =	simm.s32 @p1 $0x1;
	p0 =	seq.s32 s7, s2  }
0x1e: {  	s7 =	smul.u32 @!p0 $0xF7A, s2;
	p2 =	seq.s32 @!p0 s5, $0x0  }
0x1f: {  	s9 =	smul.u32 $0xF7A, s1;
	s8 =	simm.s32 @!p0 $0x1BF5;
	p2 =	por !p2, p0  }
0x20: {  	[sflag:s8] =	ssyncset.s32 @!p0 $0xFFFFF086;
	s6 =	sadd.s32 @!p0 s3, s7;
	s7 =	simm.s32 @!p0 $0x108  }
0x21: {  	s3 =	sadd.s32 s3, s9;
	s6 =	sadd.s32 @!p0 $0x88, s6;
	s7 =	simm.s32 @p2 $0x1082  }
0x22: {  	[simem:s7], [sflag:s8] =	dma.local @!p0 [hbm:s6], $0xF7A  }
0x23: {  	s9 =	sor.u32 $0xD0000000, s2;
	s6 =	simm.s32 $0x108;
	_ =	swait.ge @!p0 [sflag:s8], $0x0  }
0x24: {  	s3 =	sadd.s32 $0x88, s3;
	s6 =	simm.s32 @!p1 $0x1082;
	[sflag:s4] =	ssyncset.s32 $0xFFFFF086  }
0x25: {  	[simem:s6], [sflag:s4] =	dma.local [hbm:s3], $0xF7A  }
0x26: {  	[smem:$0x3F8B] =	sst s1;
	(tag) =	ssettag s2;
	_ =	strace s9  }
0x27: {  	s1 =	sld [smem:$0x3F9B]  }
0x28: {  	s2 =	sld [smem:$0x3F9C]  }
0x29: {  	s4 =	sld [smem:$0x3F9E]  }
0x2a: {  	p0 =	seq.s32 s5, $0x0;
	s5 =	sld [smem:$0x3F9F]  }
0x2b: {  	s6 =	sld [smem:$0x3FA0]  }
0x2c: {  	s7 =	sld [smem:$0x3FA1]  }
0x2d: {  	s3 =	simm.s32 $0x108;
	s8 =	sld [smem:$0x3FA2]  }
0x2e: {  	s3 =	simm.s32 @!p0 $0x1082;
	s9 =	sld [smem:$0x3FA3]  }
0x2f: {  	lr =	sadd.s32 s0, s3;
	s0 =	sld [smem:$0x3F9A]  }
0x30: {  	s3 =	sld [smem:$0x3F9D]  }
0x31: {  	[smem:$0x3FA6] =	sst s10  }
0x32: {  	s10 =	sld [smem:$0x3FA4];
	_ =	sdelay $0x3  }
0x33: {  	p0 =	seq.s32 s10, $0x1;
	s10 =	sld [smem:$0x3FA6];
	_ =	sdelay $0x3  }
0x34: {  	[smem:$0x3FA6] =	sst s10  }
0x35: {  	s10 =	sld [smem:$0x3FA5];
	_ =	sdelay $0x3  }
0x36: {  	p1 =	seq.s32 s10, $0x1;
	s10 =	sld [smem:$0x3FA6];
	_ =	sdelay $0x3  }
0x37: {  	[smem:$0x3FA6] =	sst s10  }
0x38: {  	s10 =	sld [smem:$0x3FA7]  }
0x39: {  	_ = 	snop;
	(pc) =	sbr.ind lr, $3  }
0x3a: {  	_ = 	snop  }
0x3b: {  	_ = 	snop  }
0x3c: {  	p2 =	seq.s32 s10, $0x1;
	s10 =	sld [smem:$0x3FA6]  }
0x3d: {  	_ =	shalt  }
0x3e: {  	_ =	shalt  }
0x3f: {  	_ =	shalt  }
0x40: {  	_ =	shalt  }
0x41: {  	_ =	shalt  }
0x42: {  	_ =	shalt  }
0x43: {  	_ =	shalt  }
0x44: {  	_ =	shalt  }
0x45: {  	_ =	shalt  }
0x46: {  	_ =	shalt  }
0x47: {  	_ =	shalt  }
0x48: {  	_ =	shalt  }
0x49: {  	_ =	shalt  }
0x4a: {  	_ =	shalt  }
0x4b: {  	_ =	shalt  }
0x4c: {  	_ =	shalt  }
0x4d: {  	_ =	shalt  }
0x4e: {  	_ =	shalt  }
0x4f: {  	_ =	shalt  }
0x50: {  	_ =	shalt  }
0x51: {  	_ =	shalt  }
0x52: {  	_ =	shalt  }
0x53: {  	_ =	shalt  }
0x54: {  	_ =	shalt  }
0x55: {  	_ =	shalt  }
0x56: {  	_ =	shalt  }
0x57: {  	_ =	shalt  }
0x58: {  	_ =	shalt  }
0x59: {  	_ =	shalt  }
0x5a: {  	_ =	shalt  }
0x5b: {  	_ =	shalt  }
0x5c: {  	_ =	shalt  }
0x5d: {  	_ =	shalt  }
0x5e: {  	_ =	shalt  }
0x5f: {  	_ =	shalt  }
0x60: {  	_ =	shalt  }
0x61: {  	_ =	shalt  }
0x62: {  	_ =	shalt  }
0x63: {  	_ =	shalt  }
0x64: {  	_ =	shalt  }
0x65: {  	_ =	shalt  }
0x66: {  	_ =	shalt  }
0x67: {  	_ =	shalt  }
0x68: {  	_ =	shalt  }
0x69: {  	_ =	shalt  }
0x6a: {  	_ =	shalt  }
0x6b: {  	_ =	shalt  }
0x6c: {  	_ =	shalt  }
0x6d: {  	_ =	shalt  }
0x6e: {  	_ =	shalt  }
0x6f: {  	_ =	shalt  }
0x70: {  	_ =	shalt  }
0x71: {  	_ =	shalt  }
0x72: {  	_ =	shalt  }
0x73: {  	_ =	shalt  }
0x74: {  	_ =	shalt  }
0x75: {  	_ =	shalt  }
0x76: {  	_ =	shalt  }
0x77: {  	_ =	shalt  }
0x78: {  	_ =	shalt  }
0x79: {  	_ =	shalt  }
0x7a: {  	_ =	shalt  }
0x7b: {  	_ =	shalt  }
0x7c: {  	_ =	shalt  }
0x7d: {  	_ =	shalt  }
0x7e: {  	_ =	shalt  }
0x7f: {  	_ =	shalt  }
0x80: {  	_ =	shalt  }
0x81: {  	_ =	shalt  }
0x82: {  	_ =	shalt  }
0x83: {  	_ =	shalt  }
0x84: {  	_ =	shalt  }
0x85: {  	_ =	shalt  }
0x86: {  	_ =	shalt  }
0x87: {  	_ =	shalt  }
.Lfunc_end0:
.L_simem_size_0:
called_computation_lowered:
.L_overlay_start_0:
0x88: {  	s2 =	sld [smem:$0x3FD9]  }
0x89: {  	s3 =	sld [smem:$0x3FFE];
	_ =	sdelay $0x1  }
0x8a: {  	s1 =	srdreg.scid  }
0x8b: {  	s0 =	sand.u32 $0x1, s1  }
0x8c: {  	s17 =	sshll.u32 s0, $0xA;
	s2 =	sadd.s32 s3, s2  }
0x8d: {  	s2 =	sadd.s32 s2, s17  }
0x8e: {  	[smem:$0x3FB2] =	sst s2  }
0x8f: {  	_ = 	snop  }
0x90: {  	s2 =	sld [smem:$0x3FD0];
	(tm) =	ssettm $0x1  }
0x91: {  	s18 =	sld [smem:$0x3FFB];
	_ =	sdelay $0x3  }
0x92: {  	_ =	strace s18  }
0x93: {  	s3 =	sld [smem:$0x3FFC];
	_ =	sdelay $0x3  }
0x94: {  	_ =	strace s3  }
0x95: {  	s3 =	sld [smem:$0x3FFD];
	_ =	sdelay $0x3  }
0x96: {  	_ =	strace s3  }
0x97: {  	_ =	strace $0x8FFFFFFF  }
0x98: {  	s19 =	sld [smem:$0x3FDB];
	_ =	sdelay $0x1  }
0x99: {  	s4 =	simm.s32 $_scs_section_size  }
0x9a: {  	s5 =	simm.s32 $_size__tile_overlayer_lowered;
	s6 =	simm.s32 $_tile_overlayer_lowered  }
0x9b: {  	s22 =	simm.s32 $0x1BFF;
	s21 =	sshll.u32 s6, $0x1;
	s3 =	sadd.s32 s4, s19  }
0x9c: {  	s7 =	simm.s32 $0x0;
	s20 =	sshll.u32 s5, $0x1;
	s5 =	sadd.s32 s21, s3  }
0x9d: {  	[timem:s7], [sflag:s22] =	dma.local [hbm:s5], s20  }
0x9e: {  	_ =	swait.ge [sflag:s22], s20  }
0x9f: {  	s4 =	ssub.s32 $0x0, s20;
	[sflag:s22] =	ssyncset.done $0x0  }
0xa0: {  	[sflag:s22] =	ssyncadd.s32 s4;
	_ =	sdelay $0x1  }
0xa1: {  	s23 =	simm.s32 $0x1B8B  }
0xa2: {  	_ =	swait.ge [sflag:s23], $0x1  }
0xa3: {  	[sflag:s23] =	ssyncset.done $0x0  }
0xa4: {  	s25 =	simm.s32 $0x1B8E;
	s24 =	sld [smem:$0x3FFE];
	[sflag:s23] =	ssyncadd.s32 $0xFFFFFFFF  }
0xa5: {  	s26 =	simm.s32 $execute0_lowered;
	[smem:$0x3FD2] =	sst s25  }
0xa6: {  	s5 =	sshll.u32 s26, $0x1;
	_ =	strace $0x80000046;
	[dreg:$0x1] =	wrdreg $0xFFFFFFFF  }
0xa7: {  	s28 =	simm.s32 $_size_execute0_lowered;
	s3 =	sadd.s32 s3, s5;
	[dreg:$0x0] =	wrdreg $0x0  }
0xa8: {  	s5 =	sshll.u32 s28, $0x1;
	[dreg:$0x2] =	wrdreg s3  }
0xa9: {  	[dreg:$0x3] =	wrdreg s5  }
0xaa: {  	[dreg:$0x4] =	wrdreg $0xC0  }
0xab: {  	_ =	task [dreg:s7], $0x5FFFF  }
0xac: {  	[dreg:$0x1] =	wrdreg $0xFFFFFFFF  }
0xad: {  	[dreg:$0x0] =	wrdreg $0x60  }
0xae: {  	[dreg:$0x2] =	wrdreg s2  }
0xaf: {  	[dreg:$0x3] =	wrdreg s24  }
0xb0: {  	[dreg:$0x4] =	wrdreg $0x14A800  }
0xb1: {  	[dreg:$0x5] =	wrdreg $0x9  }
0xb2: {  	_ =	task.clear_ibuf [dreg:s7], $0x6FFFF;
	_ =	strace $0x90000046  }
0xb3: {  	s29 =	simm.s32 $0x9;
	_ =	strace $0x80000048  }
0xb4: {  	_ =	swait.ge [sflag:s29], $0x1  }
0xb5: {  	[sflag:s29] =	ssyncadd.s32 $0xFFFFFFFF  }
0xb6: {  	_ =	strace $0x90000048  }
0xb7: {  	_ =	sfence  }
0xb8: {  	s30 =	sld [smem:$0x0];
	_ =	sdelay $0x2  }
0xb9: {  	s31 =	sshll.u32 s1, $0xD;
	s1 =	sshrl.u32 s1, $0x2  }
0xba: {  	s3 =	sand.u32 $0x4000, s31;
	s1 =	sadd.s32 s1, s30  }
0xbb: {  	s0 =	sor.u32 s3, s0;
	s1 =	sshll.u32 s1, $0x11  }
0xbc: {  	s0 =	sor.u32 s1, s0  }
0xbd: {  	s0 =	sadd.s32 $0x8F2B, s0  }
0xbe: {  	[sflag:s0] =	ssyncadd.remote.s32 $0x1  }
0xbf: {  	_ =	sfence.sel $0xFFFF  }
0xc0: {  	[dreg:$0x0] =	wrdreg $0xFFFFFFFF;
	(pc) =	sbr.abs _section_cstart, $3  }
0xc1: {  	[dreg:$0x1] =	wrdreg $0xFFFFFFFF  }
0xc2: {  	_ =	task.clear_ibuf [dreg:s7], $0x2FFFF;
	_ =	strace $0x9FFFFFFF  }
0xc3: {  	(tm) =	ssettm $0x7FFFFFFF  }
tec
execute0_lowered:
.L_overlay_start_1:
0x0: {  	(tag) =	ssettag $0x1  }
0x1: {  	s22 =	rddreg [dreg:$0x0]  }
0x2: {  	s0 =	rddreg [dreg:$0x1];
	v0 =	vimm.s32 $0xF80;
	vm7 =	vcmask $0x300  }
0x3: {  	s10 =	rddreg [dreg:$0x2];
	s1 =	simm.s32 $0x0;
	vm5 =	vcmask $0x704;
	vm4 =	vcmask $0xB08;
	vm2 =	vcmask $0xF0C  }
0x4: {  	s12 =	srdreg.scid;
	s11 =	stileid.u32;
	vm1 =	vcmask $0x1310;
	vm0 =	vcmask $0x1714;
	vm3 =	vcmask $0x1B18;
	s30 =	simm.s32 $0x30  }
0x5: {  	vm6 =	vcmask $0x1F1C;
	v2 =	vimm.s32 $0x1F80;
	v3 =	vimm.s32 $0x2F80;
	s29 =	simm.s32 $0x9;
	[smem:$0x7FF] =	sst s1;
	s4 =	sadd.s32 $0x16000, s0  }
0x6: {  	vm9 =	vcmask $0x2320;
	vm10 =	vcmask $0x2724;
	vm11 =	vcmask $0x2B28;
	s1 =	sand.u32 $0x1, s12;
	s2 =	sadd.s32 $0x15A00, s0;
	s3 =	smul.u32 $0xA400, s11  }
0x7: {  	vm12 =	vcmask $0x2F2C;
	vm13 =	vcmask $0x3330;
	vm14 =	vcmask $0x3734;
	s7 =	sadd.s32 $0x3D200, s0;
	s8 =	sadd.s32 $0x1E00, s0;
	s15 =	smul.u32 $0x29000, s11  }
0x8: {  	vm15 =	vcmask $0x3B38;
	v0 =	vsel vm7, $0x400, v0;
	s9 =	sadd.s32 $0xBC00, s0;
	s5 =	sadd.s32 $0xA01200, s0;
	s12 =	smul.u32 $0x4E60, s11  }
0x9: {  	s18 =	smul.u32 $0x9CC00, s11;
	v2 =	vsel vm7, $0x1400, v2;
	v3 =	vsel vm7, $0x2400, v3;
	_ =	strace $0x80000047;
	v0 =	vsel vm5, $0x480, v0;
	[dreg:$0x4] =	wrdreg s2  }
0xa: {  	s31 =	sshll.u32 s11, $0x6;
	s13 =	smul.u32 $0xA4000, s1;
	[dreg:$0x5] =	wrdreg s5;
	v2 =	vsel vm5, $0x1480, v2;
	v3 =	vsel vm5, $0x2480, v3;
	v0 =	vsel vm4, $0x500, v0  }
0xb: {  	s14 =	smul.u32 $0x1400, s1;
	s19 =	sadd.s32 $0x30, s12;
	v2 =	vsel vm4, $0x1500, v2;
	v3 =	vsel vm4, $0x2500, v3;
	[dreg:$0x6] =	wrdreg s12;
	v0 =	vsel vm2, $0x580, v0  }
0xc: {  	s1 =	ssub.s32 $0x2, s1;
	s23 =	sadd.s32 s7, s18;
	[dreg:$0x7] =	wrdreg s19;
	v2 =	vsel vm2, $0x1580, v2;
	v3 =	vsel vm2, $0x2580, v3;
	v0 =	vsel vm1, $0x600, v0  }
0xd: {  	s6 =	sshrl.u32 s1, $0x1;
	s25 =	sadd.s32 $0x60, s12;
	[dreg:$0xb] =	wrdreg s23;
	v2 =	vsel vm1, $0x1600, v2;
	v3 =	vsel vm1, $0x2600, v3;
	v1 =	vsel vm0, $0x680, v0  }
0xe: {  	s17 =	sshrl.u32 s12, $0x3;
	s26 =	sadd.s32 $0x90, s12;
	[dreg:$0xe] =	wrdreg s25;
	v0 =	vmov s14;
	v2 =	vsel vm0, $0x1680, v2;
	v3 =	vsel vm0, $0x2680, v3  }
0xf: {  	s2 =	sadd.s32 s3, s13;
	s20 =	sadd.s32 s8, s17;
	[dreg:$0xf] =	wrdreg s26;
	v1 =	vsel vm3, $0x700, v1;
	v2 =	vsel vm3, $0x1700, v2;
	v3 =	vsel vm3, $0x2700, v3  }
0x10: {  	s21 =	sshrl.u32 s19, $0x3;
	s3 =	sadd.s32 s9, s17;
	[dreg:$0x9] =	wrdreg s20;
	v1 =	vsel vm6, $0x780, v1;
	v2 =	vsel vm6, $0x1780, v2;
	v3 =	vsel vm6, $0x2780, v3  }
0x11: {  	s1 =	ssub.s32 s1, s6;
	[dreg:$0xa] =	wrdreg s3;
	s24 =	sadd.s32 s8, s21;
	v1 =	vsel vm9, $0xC00, v1;
	v2 =	vsel vm9, $0x1C00, v2;
	v3 =	vsel vm9, $0x2C00, v3  }
0x12: {  	s16 =	sshrl.u32 s15, $0x2;
	s28 =	smax.u32 s1, $0x1;
	[dreg:$0xc] =	wrdreg s24;
	v1 =	vsel vm10, $0xC80, v1;
	v2 =	vsel vm10, $0x1C80, v2;
	v3 =	vsel vm10, $0x2C80, v3  }
0x13: {  	s2 =	sshrl.u32 s2, $0x3;
	s3 =	sor.u32 $0x1C0D, s31;
	[dreg:$0x11] =	wrdreg s28;
	v1 =	vsel vm11, $0xD00, v1;
	v2 =	vsel vm11, $0x1D00, v2;
	v3 =	vsel vm11, $0x2D00, v3  }
0x14: {  	s0 =	sadd.s32 s2, s0;
	s2 =	sadd.s32 s16, s10;
	[dreg:$0x12] =	wrdreg s3;
	v1 =	vsel vm12, $0xD80, v1;
	v2 =	vsel vm12, $0x1D80, v2;
	v3 =	vsel vm12, $0x2D80, v3  }
0x15: {  	s23 =	simm.s32 $0x12300;
	[dreg:$0x8] =	wrdreg s2;
	s2 =	sadd.s32 s9, s21;
	v1 =	vsel vm13, $0xE00, v1;
	v2 =	vsel vm13, $0x1E00, v2;
	v3 =	vsel vm13, $0x2E00, v3  }
0x16: {  	s1 =	simm.s32 $0x0;
	s0 =	sadd.s32 $0xA02800, s0;
	[dreg:$0xd] =	wrdreg s2;
	v1 =	vsel vm14, $0xE80, v1;
	v2 =	vsel vm14, $0x1E80, v2;
	v3 =	vsel vm14, $0x2E80, v3  }
0x17: {  	s14 =	simm.s32 $0xC300;
	[dreg:$0x10] =	wrdreg s0;
	s2 =	simm.s32 $0xD;
	v1 =	vsel vm15, $0xF00, v1;
	v2 =	vsel vm15, $0x1F00, v2;
	v3 =	vsel vm15, $0x2F00, v3  }
.LBB2_1:
0x18: {  	[dreg:$0x13] =	wrdreg s1  }
0x19: {  	s0 =	simm.s32 $0x0;
	s10 =	rddreg [dreg:$0x4]  }
0x1a: {  	[tilespmem:s23], [sflag:$0xD] =	stream.linear.gather [hbm4b:s10+s0], $0x2780, $0x38;
	[tilespmem:$0x1EE80] =	vst v63  }
0x1b: {  	_ =	swait.ge [sflag:s2], $0x2780  }
0x1c: {  	s11 =	rddreg [dreg:$0x8]  }
0x1d: {  	[sflag:s2] =	ssyncset.done $0x0;
	s12 =	rddreg [dreg:$0x5];
	s5 =	sshrl.u32 s11, $0x3  }
0x1e: {  	[sflag:s2] =	ssyncadd.s32 $0xFFFFD880;
	[dreg:$0x14] =	wrdreg s5  }
0x1f: {  	[spmem:s5], [sflag:s3] =	dma.local [hbm:s12], $0x1480  }
0x20: {  	_ =	swait.ge [sflag:s2], $0x1480  }
0x21: {  	[sflag:s2] =	ssyncset.done $0x0  }
0x22: {  	[sflag:s2] =	ssyncadd.s32 $0xFFFFEB80  }
0x23: {  	[bflag:$0x0] =	sbarrier.arrive $0xFFFF  }
0x24: {  	s13 =	rddreg [dreg:$0x9]  }
0x25: {  	[tilespmem:s0], [sflag:$0x5] =	stream.linear.gather [hbm4b:s13+s0], $0x30, $0x38;
	[tilespmem:$0x1EE80] =	vst v63  }
0x26: {  	s16 =	simm.s32 $0x80;
	s17 =	simm.s32 $0x5;
	s15 =	rddreg [dreg:$0xa]  }
0x27: {  	[tilespmem:s16], [sflag:$0x6] =	stream.linear.gather [hbm4b:s15+s0], $0x30, $0x38;
	[tilespmem:$0x1EE80] =	vst v63  }
0x28: {  	_ =	swait.ge [sflag:s17], $0x30  }
0x29: {  	[sflag:s17] =	ssyncset.done $0x0  }
0x2a: {  	s18 =	simm.s32 $0x6;
	[sflag:s17] =	ssyncadd.s32 $0xFFFFFFD0  }
0x2b: {  	_ =	swait.ge [sflag:s18], $0x30  }
0x2c: {  	[sflag:s18] =	ssyncset.done $0x0  }
0x2d: {  	s19 =	simm.s32 $0x180;
	[sflag:s18] =	ssyncadd.s32 $0xFFFFFFD0  }
0x2e: {  	[tilespmem:s19], [sflag:$0x1] =	stream.indirect.gather [hbm4b:s22+s30], $0x80, s0, s30, $0xb8;
	[tilespmem:$0x1EE80] =	vst v63  }
0x2f: {  	s20 =	simm.s32 $0x1980  }
0x30: {  	[tilespmem:s20], [sflag:$0x2] =	stream.indirect.gather [hbm4b:s4+s30], $0x80, s16, s30, $0xb8;
	[tilespmem:$0x1EE80] =	vst v63  }
0x31: {  	s24 =	simm.s32 $0x3180;
	s21 =	rddreg [dreg:$0xb]  }
0x32: {  	[tilespmem:s24], [sflag:$0x3] =	stream.linear.gather [hbm4b:s21+s0], $0x3000, $0x38;
	[tilespmem:$0x1EE80] =	vst v63  }
0x33: {  	s26 =	simm.s32 $0x9180;
	s25 =	rddreg [dreg:$0xc]  }
0x34: {  	[tilespmem:s26], [sflag:$0xB] =	stream.linear.gather [hbm4b:s25+s0], $0x30, $0x38;
	[tilespmem:$0x1EE80] =	vst v63  }
0x35: {  	s31 =	simm.s32 $0x9200;
	s13 =	simm.s32 $0x0;
	s28 =	rddreg [dreg:$0xd]  }
0x36: {  	[tilespmem:s31], [sflag:$0xC] =	stream.linear.gather [hbm4b:s28+s0], $0x30, $0x38;
	[tilespmem:$0x1EE80] =	vst v63  }
.LBB2_2:
0x37: {  	s0 =	simm.s32 $0xB  }
0x38: {  	_ =	swait.ge [sflag:s0], $0x30  }
0x39: {  	[sflag:s0] =	ssyncset.done $0x0  }
0x3a: {  	s1 =	simm.s32 $0xC;
	[sflag:s0] =	ssyncadd.s32 $0xFFFFFFD0  }
0x3b: {  	_ =	swait.ge [sflag:s1], $0x30  }
0x3c: {  	p0 =	seq.s32 s13, $0x0;
	[sflag:s1] =	ssyncset.done $0x0  }
0x3d: {  	s0 =	simm.s32 @!p0 $0xA;
	[sflag:s1] =	ssyncadd.s32 $0xFFFFFFD0  }
0x3e: {  	s26 =	smul.u32 $0x60, s13;
	_ =	swait.ge @!p0 [sflag:s0], $0x1800  }
0x3f: {  	s2 =	simm.s32 $0x9180;
	[sflag:s0] =	ssyncset.done @!p0 $0x0;
	s6 =	rddreg [dreg:$0x7]  }
0x40: {  	s1 =	simm.s32 $0x9300;
	[sflag:s0] =	ssyncadd.s32 @!p0 $0xFFFFE800;
	s18 =	sadd.s32 s26, s6  }
0x41: {  	[tilespmem:s1], [sflag:$0x7] =	stream.indirect.gather [hbm4b:s22+s30], $0x80, s2, s30, $0xb8;
	[tilespmem:$0x1EE80] =	vst v63  }
0x42: {  	p1 =	slt.s32 s18, $0x4E1D0;
	s0 =	smov.u32 s18  }
0x43: {  	s3 =	simm.s32 $0x9200;
	s5 =	simm.s32 $0xAB00;
	s0 =	simm.s32 @!p1 $0x4E1D0  }
0x44: {  	[tilespmem:s5], [sflag:$0x8] =	stream.indirect.gather [hbm4b:s4+s30], $0x80, s3, s30, $0xb8;
	[tilespmem:$0x1EE80] =	vst v63  }
0x45: {  	s0 =	sshll.u32 s0, $0x5  }
0x46: {  	s10 =	simm.s32 $0x0;
	s11 =	simm.s32 $0x1;
	s0 =	sadd.s32 s7, s0  }
0x47: {  	[tilespmem:s14], [sflag:$0x9] =	stream.linear.gather [hbm4b:s0+s10], $0x3000, $0x38;
	[tilespmem:$0x1EE80] =	vst v63  }
0x48: {  	_ =	swait.ge [sflag:s11], $0x1800  }
0x49: {  	[sflag:s11] =	ssyncset.done $0x0  }
0x4a: {  	s12 =	simm.s32 $0x2;
	[sflag:s11] =	ssyncadd.s32 $0xFFFFE800  }
0x4b: {  	_ =	swait.ge [sflag:s12], $0x1800  }
0x4c: {  	[sflag:s12] =	ssyncset.done $0x0  }
0x4d: {  	s15 =	simm.s32 $0x3;
	[sflag:s12] =	ssyncadd.s32 $0xFFFFE800  }
0x4e: {  	_ =	swait.ge [sflag:s15], $0x3000  }
0x4f: {  	[sflag:s15] =	ssyncset.done $0x0  }
0x50: {  	s0 =	simm.s32 @!p0 $0x4;
	[sflag:s15] =	ssyncadd.s32 $0xFFFFD000  }
0x51: {  	_ =	swait.ge @!p0 [sflag:s0], $0x1800  }
0x52: {  	[sflag:s0] =	ssyncset.done @!p0 $0x0  }
0x53: {  	[sflag:s0] =	ssyncadd.s32 @!p0 $0xFFFFE800  }
0x54: {  	v4 =	vld [tilespmem:$0x0]  }
0x55: {  	v5 =	vld [tilespmem:$0x10]  }
0x56: {  	v6 =	vld [tilespmem:$0x20]  }
0x57: {  	v7 =	vld [tilespmem:$0x0]  }
0x58: {  	s16 =	rddreg [dreg:$0x6];
	v8 =	vld [tilespmem:$0x80]  }
0x59: {  	s0 =	sadd.s32 s16, s26;
	v4 =	vsub.s32 v4, v0  }
0x5a: {  	p4 =	slt.u32 s0, $0x4E200;
	s17 =	sor.u32 $0x10, s0;
	v5 =	vsub.s32 v5, v0;
	v4 =	vmin.u32 v4, $0x1400  }
0x5b: {  	s0 =	sadd.s32 $0x20, s0;
	p5 =	slt.u32 s17, $0x4E200;
	v6 =	vsub.s32 v6, v0;
	v5 =	vmin.u32 v5, $0x1400;
	v4 =	vpsel !p4, $0x1400, v4  }
0x5c: {  	p6 =	slt.u32 s0, $0x4E200;
	[tilespmem:$0x100] =	vst v4;
	v4 =	vpsel !p5, $0x1400, v5;
	v5 =	vmin.u32 v6, $0x1400  }
0x5d: {  	[tilespmem:$0x110] =	vst v4;
	v4 =	vpsel !p6, $0x1400, v5  }
0x5e: {  	[tilespmem:$0x120] =	vst v4  }
0x5f: {  	v4 =	vld.idx.msk [tilespmem:v7+s23+$0x0], $0xffff  }
0x60: {  	v5 =	vld.idx.msk [tilespmem:v8+s23+$0x0], $0xffff;
	_ =	sdelay $0x1  }
0x61: {  	s19 =	simm.s32 $0x3180  }
0x62: {  	v6 =	vld.idx.msk [tilespmem:v1+s19+$0x0], $0xffff;
	_ =	sdelay $0x1  }
0x63: {  	v4 =	vand.u32 $0xFFFF0000, v4;
	v5 =	vshll.u32 v5, $0x10  }
0x64: {  	v4 =	vadd.f32 v5, v4;
	_ =	sdelay $0x1  }
0x65: {  	v4 =	vadd.f32 v4, v6;
	_ =	sdelay $0x1  }
0x66: {  	v4 =	vadd.f32 $0.0e+00, v4;
	_ =	sdelay $0x1  }
0x67: {  	v5 =	vbroadcast v4, $0x0  }
0x68: {  	v6 =	vbroadcast v4, $0x1  }
0x69: {  	[tilespmem:$0x7980] =	vst v5;
	v5 =	vbroadcast v4, $0x2  }
0x6a: {  	[tilespmem:$0x7A00] =	vst v6;
	v6 =	vbroadcast v4, $0x3  }
0x6b: {  	[tilespmem:$0x7A80] =	vst v5;
	v5 =	vbroadcast v4, $0x4  }
0x6c: {  	[tilespmem:$0x7B00] =	vst v6;
	v6 =	vbroadcast v4, $0x5  }
0x6d: {  	[tilespmem:$0x7B80] =	vst v5;
	v5 =	vbroadcast v4, $0x6  }
0x6e: {  	[tilespmem:$0x7C00] =	vst v6;
	v6 =	vbroadcast v4, $0x7  }
0x6f: {  	[tilespmem:$0x7C80] =	vst v5;
	v5 =	vbroadcast v4, $0x8  }
0x70: {  	[tilespmem:$0x7D00] =	vst v6;
	v6 =	vbroadcast v4, $0x9  }
0x71: {  	v7 =	vld [tilespmem:$0x10];
	[tilespmem:$0x7D80] =	vst v5;
	v5 =	vbroadcast v4, $0xA  }
0x72: {  	v8 =	vld [tilespmem:$0x90];
	[tilespmem:$0x7E00] =	vst v6;
	v6 =	vbroadcast v4, $0xB  }
0x73: {  	[tilespmem:$0x7E80] =	vst v5;
	v5 =	vbroadcast v4, $0xC  }
0x74: {  	[tilespmem:$0x7F00] =	vst v6;
	v6 =	vbroadcast v4, $0xD  }
0x75: {  	[tilespmem:$0x7F80] =	vst v5;
	v5 =	vbroadcast v4, $0xE  }
0x76: {  	[tilespmem:$0x8000] =	vst v6;
	v4 =	vbroadcast v4, $0xF  }
0x77: {  	[tilespmem:$0x8080] =	vst v5  }
0x78: {  	[tilespmem:$0x8100] =	vst v4  }
0x79: {  	v4 =	vld.idx.msk [tilespmem:v7+s23+$0x0], $0xffff  }
0x7a: {  	v5 =	vld.idx.msk [tilespmem:v8+s23+$0x0], $0xffff;
	_ =	sdelay $0x2  }
0x7b: {  	v6 =	vld.idx.msk [tilespmem:v2+s19+$0x0], $0xffff;
	_ =	sdelay $0x1  }
0x7c: {  	v4 =	vand.u32 $0xFFFF0000, v4;
	v5 =	vshll.u32 v5, $0x10  }
0x7d: {  	v4 =	vadd.f32 v5, v4;
	_ =	sdelay $0x1  }
0x7e: {  	v4 =	vadd.f32 v4, v6;
	_ =	sdelay $0x1  }
0x7f: {  	v4 =	vadd.f32 $0.0e+00, v4;
	_ =	sdelay $0x1  }
0x80: {  	v5 =	vbroadcast v4, $0x0  }
0x81: {  	v6 =	vbroadcast v4, $0x1  }
0x82: {  	[tilespmem:$0x8180] =	vst v5;
	v5 =	vbroadcast v4, $0x2  }
0x83: {  	[tilespmem:$0x8200] =	vst v6;
	v6 =	vbroadcast v4, $0x3  }
0x84: {  	[tilespmem:$0x8280] =	vst v5;
	v5 =	vbroadcast v4, $0x4  }
0x85: {  	[tilespmem:$0x8300] =	vst v6;
	v6 =	vbroadcast v4, $0x5  }
0x86: {  	[tilespmem:$0x8380] =	vst v5;
	v5 =	vbroadcast v4, $0x6  }
0x87: {  	[tilespmem:$0x8400] =	vst v6;
	v6 =	vbroadcast v4, $0x7  }
0x88: {  	[tilespmem:$0x8480] =	vst v5;
	v5 =	vbroadcast v4, $0x8  }
0x89: {  	[tilespmem:$0x8500] =	vst v6;
	v6 =	vbroadcast v4, $0x9  }
0x8a: {  	v7 =	vld [tilespmem:$0x20];
	[tilespmem:$0x8580] =	vst v5;
	v5 =	vbroadcast v4, $0xA  }
0x8b: {  	v8 =	vld [tilespmem:$0xA0];
	[tilespmem:$0x8600] =	vst v6;
	v6 =	vbroadcast v4, $0xB  }
0x8c: {  	[tilespmem:$0x8680] =	vst v5;
	v5 =	vbroadcast v4, $0xC  }
0x8d: {  	[tilespmem:$0x8700] =	vst v6;
	v6 =	vbroadcast v4, $0xD  }
0x8e: {  	[tilespmem:$0x8780] =	vst v5;
	v5 =	vbroadcast v4, $0xE  }
0x8f: {  	[tilespmem:$0x8800] =	vst v6;
	v4 =	vbroadcast v4, $0xF  }
0x90: {  	[tilespmem:$0x8880] =	vst v5  }
0x91: {  	[tilespmem:$0x8900] =	vst v4  }
0x92: {  	v4 =	vld.idx.msk [tilespmem:v7+s23+$0x0], $0xffff  }
0x93: {  	v5 =	vld.idx.msk [tilespmem:v8+s23+$0x0], $0xffff;
	_ =	sdelay $0x2  }
0x94: {  	v6 =	vld.idx.msk [tilespmem:v3+s19+$0x0], $0xffff;
	_ =	sdelay $0x1  }
0x95: {  	v4 =	vand.u32 $0xFFFF0000, v4;
	v5 =	vshll.u32 v5, $0x10  }
0x96: {  	v4 =	vadd.f32 v5, v4;
	_ =	sdelay $0x1  }
0x97: {  	v4 =	vadd.f32 v4, v6;
	_ =	sdelay $0x1  }
0x98: {  	v4 =	vadd.f32 $0.0e+00, v4;
	_ =	sdelay $0x1  }
0x99: {  	v5 =	vbroadcast v4, $0x0  }
0x9a: {  	v6 =	vbroadcast v4, $0x1  }
0x9b: {  	[tilespmem:$0x8980] =	vst v5;
	v5 =	vbroadcast v4, $0x2  }
0x9c: {  	[tilespmem:$0x8A00] =	vst v6;
	v6 =	vbroadcast v4, $0x3  }
0x9d: {  	[tilespmem:$0x8A80] =	vst v5;
	v5 =	vbroadcast v4, $0x4  }
0x9e: {  	[tilespmem:$0x8B00] =	vst v6;
	v6 =	vbroadcast v4, $0x5  }
0x9f: {  	[tilespmem:$0x8B80] =	vst v5;
	v5 =	vbroadcast v4, $0x6  }
0xa0: {  	[tilespmem:$0x8C00] =	vst v6;
	v6 =	vbroadcast v4, $0x7  }
0xa1: {  	[tilespmem:$0x8C80] =	vst v5;
	v5 =	vbroadcast v4, $0x8  }
0xa2: {  	[tilespmem:$0x8D00] =	vst v6;
	v6 =	vbroadcast v4, $0x9  }
0xa3: {  	[tilespmem:$0x8D80] =	vst v5;
	v5 =	vbroadcast v4, $0xA  }
0xa4: {  	[tilespmem:$0x8E00] =	vst v6;
	v6 =	vbroadcast v4, $0xB  }
0xa5: {  	[tilespmem:$0x8E80] =	vst v5;
	v5 =	vbroadcast v4, $0xC  }
0xa6: {  	[tilespmem:$0x8F00] =	vst v6;
	v6 =	vbroadcast v4, $0xD  }
0xa7: {  	[tilespmem:$0x8F80] =	vst v5;
	v5 =	vbroadcast v4, $0xE  }
0xa8: {  	[tilespmem:$0x9000] =	vst v6;
	v4 =	vbroadcast v4, $0xF  }
0xa9: {  	[tilespmem:$0x9080] =	vst v5  }
0xaa: {  	s20 =	simm.s32 $0x0;
	s12 =	simm.s32 $0x280;
	[tilespmem:$0x9100] =	vst v4  }
0xab: {  	s21 =	sand.u32 $0x3800, s20;
	s2 =	simm.s32 $0x180;
	s11 =	simm.s32 $0x1A80;
	v4 =	vld [tilespmem:s12+$0x80]  }
0xac: {  	s28 =	smov.u32 s22;
	s22 =	sand.u32 $0x380, s2;
	s3 =	sadd.s32 $0x3180, s21;
	v5 =	vld [tilespmem:s11+$0x80]  }
0xad: {  	s1 =	sadd.s32 s22, s3  }
0xae: {  	v6 =	vld [tilespmem:s1+$0x0]  }
0xaf: {  	s24 =	simm.s32 $0x7A80  }
0xb0: {  	v10 =	vld [tilespmem:s24+$0x80]  }
0xb1: {  	v4 =	vadd.f32 v5, v4;
	_ =	sdelay $0x1  }
0xb2: {  	v4 =	vadd.f32 v6, v4;
	_ =	sdelay $0x1  }
0xb3: {  	v4 =	vmul.f32 v4, v10  }
0xb4: {  	s21 =	simm.s32 $0x6280  }
0xb5: {  	[tilespmem:s21+$0x80] =	vst v4  }
0xb6: {  	v4 =	vld [tilespmem:s12+$0x90]  }
0xb7: {  	v5 =	vld [tilespmem:s11+$0x90];
	_ =	sdelay $0x1  }
0xb8: {  	v6 =	vld [tilespmem:s1+$0x10];
	_ =	sdelay $0x2  }
0xb9: {  	s0 =	sand.u32 $0x200, s20;
	v7 =	vld [tilespmem:s12+$0xFFFFFF00];
	v4 =	vadd.f32 v5, v4  }
0xba: {  	s6 =	simm.s32 $0x80;
	s0 =	sor.u32 s0, s3;
	v8 =	vld [tilespmem:s12+$0xFFFFFF80]  }
0xbb: {  	s6 =	sand.u32 $0x280, s6;
	v9 =	vld [tilespmem:s0+$0x0];
	v4 =	vadd.f32 v6, v4  }
0xbc: {  	s19 =	sadd.s32 s6, s3;
	v5 =	vld [tilespmem:s11+$0xFFFFFF00]  }
0xbd: {  	v12 =	vld [tilespmem:s19+$0x0];
	v4 =	vmul.f32 v4, v10  }
0xbe: {  	v6 =	vld [tilespmem:s11+$0xFFFFFF80]  }
0xbf: {  	v11 =	vld [tilespmem:s24+$0xFFFFFF00];
	[tilespmem:s21+$0x90] =	vst v4  }
0xc0: {  	v13 =	vld [tilespmem:s12+$0xA0]  }
0xc1: {  	v5 =	vadd.f32 v5, v7;
	v7 =	vld [tilespmem:s11+$0xA0]  }
0xc2: {  	v4 =	vld [tilespmem:s24+$0xFFFFFF80]  }
0xc3: {  	s25 =	simm.s32 $0x100;
	v6 =	vadd.f32 v6, v8;
	v5 =	vadd.f32 v9, v5;
	v8 =	vld [tilespmem:s1+$0x20]  }
0xc4: {  	s6 =	sand.u32 $0x300, s25;
	v14 =	vld [tilespmem:s11+$0x0]  }
0xc5: {  	s20 =	sadd.s32 s6, s3;
	v9 =	vld [tilespmem:s12+$0x0];
	v6 =	vadd.f32 v12, v6;
	v12 =	vmul.f32 v5, v11  }
0xc6: {  	v15 =	vld [tilespmem:s20+$0x0];
	v7 =	vadd.f32 v7, v13  }
0xc7: {  	v5 =	vld [tilespmem:s24+$0x0];
	v6 =	vmul.f32 v6, v4;
	[tilespmem:s21+$0xFFFFFF00] =	vst v12  }
0xc8: {  	v12 =	vld [tilespmem:s12+$0xFFFFFF10];
	v7 =	vadd.f32 v8, v7  }
0xc9: {  	[tilespmem:s21+$0xFFFFFF80] =	vst v6;
	v6 =	vld [tilespmem:s11+$0xFFFFFF10]  }
0xca: {  	v13 =	vld [tilespmem:s0+$0x10];
	v8 =	vadd.f32 v14, v9;
	v7 =	vmul.f32 v7, v10  }
0xcb: {  	v9 =	vld [tilespmem:s12+$0xFFFFFF90]  }
0xcc: {  	v14 =	vld [tilespmem:s11+$0xFFFFFF90];
	v8 =	vadd.f32 v15, v8;
	[tilespmem:s21+$0xA0] =	vst v7  }
0xcd: {  	v7 =	vld [tilespmem:s12+$0xB0]  }
0xce: {  	v8 =	vmul.f32 v8, v5;
	v6 =	vadd.f32 v6, v12;
	v12 =	vld [tilespmem:s11+$0xB0]  }
0xcf: {  	v15 =	vld [tilespmem:s19+$0x10]  }
0xd0: {  	[tilespmem:s21+$0x0] =	vst v8;
	v6 =	vadd.f32 v13, v6;
	v8 =	vld [tilespmem:s1+$0x30]  }
0xd1: {  	v13 =	vld [tilespmem:s12+$0x10]  }
0xd2: {  	v9 =	vadd.f32 v14, v9;
	v14 =	vld [tilespmem:s11+$0x10];
	v6 =	vmul.f32 v6, v11  }
0xd3: {  	v7 =	vadd.f32 v12, v7  }
0xd4: {  	v9 =	vadd.f32 v15, v9;
	v12 =	vld [tilespmem:s20+$0x10];
	[tilespmem:s21+$0xFFFFFF10] =	vst v6  }
0xd5: {  	v6 =	vld [tilespmem:s12+$0xFFFFFF20];
	v7 =	vadd.f32 v8, v7  }
0xd6: {  	v8 =	vmul.f32 v9, v4;
	v9 =	vld [tilespmem:s11+$0xFFFFFF20]  }
0xd7: {  	v13 =	vadd.f32 v14, v13;
	v7 =	vmul.f32 v7, v10  }
0xd8: {  	[tilespmem:s21+$0xFFFFFF90] =	vst v8;
	v8 =	vld [tilespmem:s0+$0x20]  }
0xd9: {  	v12 =	vadd.f32 v12, v13;
	v13 =	vld [tilespmem:s12+$0xFFFFFFA0];
	[tilespmem:s21+$0xB0] =	vst v7  }
0xda: {  	v7 =	vld [tilespmem:s12+$0xC0]  }
0xdb: {  	v6 =	vadd.f32 v9, v6;
	v9 =	vld [tilespmem:s11+$0xC0]  }
0xdc: {  	v14 =	vld [tilespmem:s11+$0xFFFFFFA0];
	v12 =	vmul.f32 v12, v5  }
0xdd: {  	v6 =	vadd.f32 v8, v6;
	v8 =	vld [tilespmem:s1+$0x40]  }
0xde: {  	v15 =	vld [tilespmem:s19+$0x20];
	[tilespmem:s21+$0x10] =	vst v12  }
0xdf: {  	v12 =	vld [tilespmem:s12+$0x20];
	v6 =	vmul.f32 v6, v11  }
0xe0: {  	v16 =	vld [tilespmem:s11+$0x20];
	v7 =	vadd.f32 v9, v7  }
0xe1: {  	v9 =	vld [tilespmem:s20+$0x20];
	[tilespmem:s21+$0xFFFFFF20] =	vst v6  }
0xe2: {  	v6 =	vadd.f32 v14, v13;
	v13 =	vld [tilespmem:s12+$0xFFFFFF30];
	v7 =	vadd.f32 v8, v7  }
0xe3: {  	v8 =	vld [tilespmem:s11+$0xFFFFFF30]  }
0xe4: {  	v6 =	vadd.f32 v15, v6;
	v7 =	vmul.f32 v7, v10  }
0xe5: {  	v14 =	vld [tilespmem:s0+$0x30];
	v12 =	vadd.f32 v16, v12  }
0xe6: {  	v6 =	vmul.f32 v6, v4;
	[tilespmem:s21+$0xC0] =	vst v7  }
0xe7: {  	v7 =	vadd.f32 v9, v12;
	v9 =	vld [tilespmem:s12+$0xD0]  }
0xe8: {  	[tilespmem:s21+$0xFFFFFFA0] =	vst v6;
	v6 =	vadd.f32 v8, v13;
	v8 =	vld [tilespmem:s11+$0xD0]  }
0xe9: {  	v13 =	vld [tilespmem:s1+$0x50];
	v7 =	vmul.f32 v7, v5  }
0xea: {  	v12 =	vld [tilespmem:s12+$0xFFFFFFB0];
	v6 =	vadd.f32 v14, v6  }
0xeb: {  	[tilespmem:s21+$0x20] =	vst v7;
	v7 =	vld [tilespmem:s11+$0xFFFFFFB0]  }
0xec: {  	v15 =	vld [tilespmem:s19+$0x30];
	v6 =	vmul.f32 v6, v11  }
0xed: {  	v14 =	vld [tilespmem:s12+$0x30];
	v8 =	vadd.f32 v8, v9  }
0xee: {  	v9 =	vld [tilespmem:s11+$0x30];
	[tilespmem:s21+$0xFFFFFF30] =	vst v6  }
0xef: {  	v6 =	vadd.f32 v13, v8;
	v8 =	vld [tilespmem:s12+$0xFFFFFF40]  }
0xf0: {  	v7 =	vadd.f32 v7, v12;
	v12 =	vld [tilespmem:s11+$0xFFFFFF40]  }
0xf1: {  	v13 =	vld [tilespmem:s20+$0x30];
	v6 =	vmul.f32 v6, v10  }
0xf2: {  	v7 =	vadd.f32 v15, v7;
	v15 =	vld [tilespmem:s0+$0x40]  }
0xf3: {  	[tilespmem:s21+$0xD0] =	vst v6  }
0xf4: {  	v6 =	vadd.f32 v9, v14;
	v7 =	vmul.f32 v7, v4;
	v9 =	vld [tilespmem:s12+$0xE0]  }
0xf5: {  	v14 =	vld [tilespmem:s11+$0xE0];
	v8 =	vadd.f32 v12, v8  }
0xf6: {  	v6 =	vadd.f32 v13, v6;
	[tilespmem:s21+$0xFFFFFFB0] =	vst v7;
	v7 =	vld [tilespmem:s1+$0x60]  }
0xf7: {  	v12 =	vld [tilespmem:s12+$0xFFFFFFC0];
	v8 =	vadd.f32 v15, v8  }
0xf8: {  	s25 =	simm.s32 $0x480;
	v6 =	vmul.f32 v6, v5;
	v13 =	vld [tilespmem:s11+$0xFFFFFFC0]  }
0xf9: {  	v22 =	vld [tilespmem:s25+$0xFFFFFF00];
	v8 =	vmul.f32 v8, v11  }
0xfa: {  	[tilespmem:s21+$0x30] =	vst v6;
	v6 =	vadd.f32 v14, v9;
	v9 =	vld [tilespmem:s19+$0x40]  }
0xfb: {  	v23 =	vld [tilespmem:s25+$0xFFFFFF80];
	[tilespmem:s21+$0xFFFFFF40] =	vst v8  }
0xfc: {  	v6 =	vadd.f32 v7, v6;
	v7 =	vld [tilespmem:s12+$0xFFFFFF50]  }
0xfd: {  	s2 =	simm.s32 $0x1C80;
	v8 =	vadd.f32 v13, v12;
	v12 =	vld [tilespmem:s11+$0xFFFFFF50]  }
0xfe: {  	v45 =	vld [tilespmem:s2+$0xFFFFFF80]  }
0xff: {  	v8 =	vadd.f32 v9, v8;
	v9 =	vld [tilespmem:s0+$0x50]  }
0x100: {  	v24 =	vld [tilespmem:s25+$0x0];
	v6 =	vmul.f32 v6, v10  }
0x101: {  	v25 =	vld [tilespmem:s2+$0x0]  }
0x102: {  	v15 =	vld [tilespmem:s12+$0x40];
	[tilespmem:s21+$0xE0] =	vst v6;
	v6 =	vmul.f32 v8, v4;
	v7 =	vadd.f32 v12, v7  }
0x103: {  	s5 =	simm.s32 $0x400;
	v8 =	vld [tilespmem:s2+$0x80]  }
0x104: {  	s6 =	simm.s32 $0x380;
	v12 =	vld [tilespmem:s1+$0x70];
	s1 =	sand.u32 $0x3800, s5;
	[tilespmem:s21+$0xFFFFFFC0] =	vst v6;
	v6 =	vadd.f32 v9, v7  }
0x105: {  	s15 =	sand.u32 $0x380, s6;
	s10 =	sadd.s32 $0x3180, s1;
	v7 =	vld [tilespmem:s25+$0x80]  }
0x106: {  	v16 =	vld [tilespmem:s11+$0x40];
	s16 =	sadd.s32 s15, s10;
	v9 =	vmul.f32 v6, v11  }
0x107: {  	s1 =	simm.s32 $0x7C80;
	v19 =	vld [tilespmem:s16+$0x0]  }
0x108: {  	v6 =	vld [tilespmem:s1+$0x80];
	[tilespmem:s21+$0xFFFFFF50] =	vst v9  }
0x109: {  	v9 =	vld [tilespmem:s12+$0xFFFFFF60]  }
0x10a: {  	v20 =	vld [tilespmem:s11+$0xFFFFFF60];
	v7 =	vadd.f32 v8, v7  }
0x10b: {  	v17 =	vld [tilespmem:s20+$0x40]  }
0x10c: {  	v8 =	vld [tilespmem:s0+$0x60];
	v7 =	vadd.f32 v19, v7  }
0x10d: {  	v13 =	vld [tilespmem:s12+$0xF0]  }
0x10e: {  	v18 =	vld [tilespmem:s12+$0xFFFFFFD0];
	v7 =	vmul.f32 v7, v6  }
0x10f: {  	s24 =	simm.s32 $0x6480;
	v21 =	vld [tilespmem:s11+$0xFFFFFFD0];
	v9 =	vadd.f32 v20, v9  }
0x110: {  	v49 =	vld [tilespmem:s19+$0x50];
	[tilespmem:s24+$0x80] =	vst v7  }
0x111: {  	v7 =	vadd.f32 v8, v9;
	v8 =	vld [tilespmem:s25+$0x90]  }
0x112: {  	v9 =	vld [tilespmem:s2+$0x90]  }
0x113: {  	s17 =	simm.s32 $0x280;
	v14 =	vld [tilespmem:s11+$0xF0]  }
0x114: {  	s3 =	sand.u32 $0x280, s17;
	v18 =	vadd.f32 v21, v18;
	v26 =	vld [tilespmem:s16+$0x10];
	v7 =	vmul.f32 v7, v11  }
0x115: {  	s31 =	sadd.s32 s3, s10;
	v19 =	vld [tilespmem:s2+$0xFFFFFF00]  }
0x116: {  	s15 =	simm.s32 $0x200;
	v18 =	vadd.f32 v49, v18;
	[tilespmem:s21+$0xFFFFFF60] =	vst v7;
	v7 =	vadd.f32 v16, v15;
	v16 =	vld [tilespmem:s31+$0x0]  }
0x117: {  	s22 =	simm.s32 $0x300;
	s15 =	sand.u32 $0x200, s15;
	v15 =	vld [tilespmem:s0+$0x70];
	v8 =	vadd.f32 v9, v8  }
0x118: {  	s3 =	sand.u32 $0x300, s22;
	v18 =	vmul.f32 v18, v4;
	s0 =	sor.u32 s15, s10;
	v9 =	vld [tilespmem:s1+$0xFFFFFF80];
	v7 =	vadd.f32 v17, v7  }
0x119: {  	s3 =	sadd.s32 s3, s10;
	v20 =	vadd.f32 v45, v23;
	v17 =	vld [tilespmem:s0+$0x0];
	v26 =	vadd.f32 v26, v8  }
0x11a: {  	v46 =	vld [tilespmem:s3+$0x0];
	[tilespmem:s21+$0xFFFFFFD0] =	vst v18;
	v7 =	vmul.f32 v7, v5  }
0x11b: {  	v61 =	vld [tilespmem:s12+$0xFFFFFFE0];
	v16 =	vadd.f32 v16, v20;
	v47 =	vmul.f32 v26, v6  }
0x11c: {  	v19 =	vadd.f32 v19, v22;
	v8 =	vld [tilespmem:s1+$0x0];
	[tilespmem:s21+$0x40] =	vst v7  }
0x11d: {  	v50 =	vadd.f32 v25, v24;
	v7 =	vld [tilespmem:s1+$0xFFFFFF00];
	v16 =	vmul.f32 v16, v9;
	[tilespmem:s24+$0x90] =	vst v47  }
0x11e: {  	v17 =	vadd.f32 v17, v19;
	v19 =	vld [tilespmem:s25+$0xA0]  }
0x11f: {  	v20 =	vadd.f32 v46, v50;
	[tilespmem:s24+$0xFFFFFF80] =	vst v16;
	v16 =	vld [tilespmem:s2+$0xA0]  }
0x120: {  	v37 =	vld [tilespmem:s11+$0xFFFFFFE0]  }
0x121: {  	v52 =	vld [tilespmem:s16+$0x20];
	v20 =	vmul.f32 v20, v8  }
0x122: {  	v51 =	vld [tilespmem:s25+$0xFFFFFF90];
	v17 =	vmul.f32 v17, v7  }
0x123: {  	v53 =	vld [tilespmem:s2+$0xFFFFFF90];
	[tilespmem:s24+$0x0] =	vst v20  }
0x124: {  	v55 =	vld [tilespmem:s2+$0x10];
	[tilespmem:s24+$0xFFFFFF00] =	vst v17;
	v16 =	vadd.f32 v16, v19  }
0x125: {  	v17 =	vld [tilespmem:s25+$0xFFFFFF10]  }
0x126: {  	v54 =	vld [tilespmem:s2+$0xFFFFFF10];
	v16 =	vadd.f32 v52, v16  }
0x127: {  	v19 =	vld [tilespmem:s25+$0x10]  }
0x128: {  	v27 =	vld [tilespmem:s0+$0x10];
	v16 =	vmul.f32 v16, v6  }
0x129: {  	v57 =	vld [tilespmem:s3+$0x10]  }
0x12a: {  	v56 =	vld [tilespmem:s31+$0x10];
	[tilespmem:s24+$0xA0] =	vst v16  }
0x12b: {  	v17 =	vadd.f32 v54, v17;
	v58 =	vld [tilespmem:s25+$0xB0]  }
0x12c: {  	v19 =	vadd.f32 v55, v19;
	v59 =	vld [tilespmem:s2+$0xB0]  }
0x12d: {  	v49 =	vld [tilespmem:s12+$0xFFFFFF70];
	v16 =	vadd.f32 v53, v51;
	v17 =	vadd.f32 v27, v17  }
0x12e: {  	v18 =	vld [tilespmem:s16+$0x30];
	v19 =	vadd.f32 v57, v19  }
0x12f: {  	v48 =	vld [tilespmem:s12+$0x50];
	v16 =	vadd.f32 v56, v16;
	v17 =	vmul.f32 v17, v7  }
0x130: {  	v28 =	vld [tilespmem:s11+$0x50];
	v19 =	vmul.f32 v19, v8  }
0x131: {  	v60 =	vld [tilespmem:s20+$0x50];
	v16 =	vmul.f32 v16, v9;
	[tilespmem:s24+$0xFFFFFF10] =	vst v17;
	v62 =	vadd.f32 v59, v58  }
0x132: {  	[tilespmem:s24+$0x10] =	vst v19;
	v17 =	vld [tilespmem:s25+$0xFFFFFF20]  }
0x133: {  	[tilespmem:s24+$0xFFFFFF90] =	vst v16;
	v16 =	vld [tilespmem:s2+$0xFFFFFF20];
	v18 =	vadd.f32 v18, v62  }
0x134: {  	v30 =	vld [tilespmem:s25+$0x20]  }
0x135: {  	v32 =	vld [tilespmem:s0+$0x20];
	v18 =	vmul.f32 v18, v6  }
0x136: {  	v63 =	vld [tilespmem:s25+$0xFFFFFFA0]  }
0x137: {  	v22 =	vadd.f32 v28, v48;
	v19 =	vld [tilespmem:s2+$0xFFFFFFA0];
	[tilespmem:s24+$0xB0] =	vst v18  }
0x138: {  	v34 =	vld [tilespmem:s25+$0xC0]  }
0x139: {  	v16 =	vadd.f32 v16, v17;
	v18 =	vadd.f32 v60, v22;
	v17 =	vld [tilespmem:s2+$0xC0]  }
0x13a: {  	v33 =	vld [tilespmem:s31+$0x20]  }
0x13b: {  	v36 =	vld [tilespmem:s16+$0x40];
	v18 =	vmul.f32 v18, v5  }
0x13c: {  	v31 =	vld [tilespmem:s2+$0x20];
	v16 =	vadd.f32 v32, v16  }
0x13d: {  	v35 =	vld [tilespmem:s3+$0x20];
	v19 =	vadd.f32 v19, v63;
	[tilespmem:s21+$0x50] =	vst v18  }
0x13e: {  	v16 =	vmul.f32 v16, v7;
	v38 =	vld [tilespmem:s12+$0x60];
	v17 =	vadd.f32 v17, v34  }
0x13f: {  	v19 =	vadd.f32 v33, v19;
	v39 =	vld [tilespmem:s11+$0x60]  }
0x140: {  	[tilespmem:s24+$0xFFFFFF20] =	vst v16;
	v16 =	vld [tilespmem:s19+$0x60];
	v17 =	vadd.f32 v36, v17  }
0x141: {  	v19 =	vmul.f32 v19, v9;
	v48 =	vld [tilespmem:s20+$0x60]  }
0x142: {  	v40 =	vld [tilespmem:s25+$0xFFFFFF30];
	v17 =	vmul.f32 v17, v6  }
0x143: {  	[tilespmem:s24+$0xFFFFFFA0] =	vst v19;
	v19 =	vld [tilespmem:s2+$0xFFFFFF30]  }
0x144: {  	v18 =	vadd.f32 v31, v30;
	v44 =	vld [tilespmem:s0+$0x30];
	[tilespmem:s24+$0xC0] =	vst v17  }
0x145: {  	v17 =	vld [tilespmem:s25+$0xD0]  }
0x146: {  	v18 =	vadd.f32 v35, v18;
	v43 =	vld [tilespmem:s2+$0xD0]  }
0x147: {  	v41 =	vld [tilespmem:s25+$0xFFFFFFB0]  }
0x148: {  	v21 =	vadd.f32 v37, v61;
	v18 =	vmul.f32 v18, v8;
	v45 =	vld [tilespmem:s16+$0x50]  }
0x149: {  	v46 =	vld [tilespmem:s31+$0x30]  }
0x14a: {  	[tilespmem:s24+$0x20] =	vst v18;
	v18 =	vld [tilespmem:s2+$0xFFFFFFB0];
	v16 =	vadd.f32 v16, v21;
	v20 =	vadd.f32 v39, v38  }
0x14b: {  	v42 =	vld [tilespmem:s25+$0x30];
	v17 =	vadd.f32 v43, v17  }
0x14c: {  	v29 =	vld [tilespmem:s2+$0x30];
	v16 =	vmul.f32 v16, v4;
	v20 =	vadd.f32 v48, v20  }
0x14d: {  	v19 =	vadd.f32 v19, v40;
	v47 =	vld [tilespmem:s3+$0x30];
	v17 =	vadd.f32 v45, v17  }
0x14e: {  	[tilespmem:s21+$0xFFFFFFE0] =	vst v16;
	v16 =	vld [tilespmem:s11+$0xFFFFFF70];
	v20 =	vmul.f32 v20, v5  }
0x14f: {  	v19 =	vadd.f32 v44, v19;
	v18 =	vadd.f32 v18, v41;
	v50 =	vld [tilespmem:s12+$0xFFFFFFF0];
	v17 =	vmul.f32 v17, v6  }
0x150: {  	v51 =	vld [tilespmem:s11+$0xFFFFFFF0];
	[tilespmem:s21+$0x60] =	vst v20  }
0x151: {  	v19 =	vmul.f32 v19, v7;
	v18 =	vadd.f32 v46, v18;
	v60 =	vld [tilespmem:s12+$0x70];
	[tilespmem:s24+$0xD0] =	vst v17  }
0x152: {  	v17 =	vld [tilespmem:s25+$0xE0]  }
0x153: {  	[tilespmem:s24+$0xFFFFFF30] =	vst v19;
	v19 =	vadd.f32 v29, v42;
	v18 =	vmul.f32 v18, v9;
	v53 =	vld [tilespmem:s2+$0xE0]  }
0x154: {  	v52 =	vld [tilespmem:s25+$0xFFFFFF40]  }
0x155: {  	v19 =	vadd.f32 v47, v19;
	[tilespmem:s24+$0xFFFFFFB0] =	vst v18;
	v18 =	vld [tilespmem:s16+$0x60]  }
0x156: {  	v54 =	vld [tilespmem:s2+$0xFFFFFF40]  }
0x157: {  	v58 =	vld [tilespmem:s0+$0x40];
	v19 =	vmul.f32 v19, v8  }
0x158: {  	v55 =	vld [tilespmem:s25+$0xFFFFFFC0];
	v17 =	vadd.f32 v53, v17  }
0x159: {  	[tilespmem:s24+$0x30] =	vst v19;
	v19 =	vld [tilespmem:s2+$0xFFFFFFC0]  }
0x15a: {  	v56 =	vld [tilespmem:s25+$0x40];
	v17 =	vadd.f32 v18, v17  }
0x15b: {  	v57 =	vld [tilespmem:s2+$0x40]  }
0x15c: {  	v13 =	vadd.f32 v14, v13;
	v18 =	vld [tilespmem:s31+$0x40];
	v17 =	vmul.f32 v17, v6  }
0x15d: {  	v21 =	vadd.f32 v54, v52;
	v59 =	vld [tilespmem:s3+$0x40]  }
0x15e: {  	v12 =	vadd.f32 v12, v13;
	v13 =	vadd.f32 v16, v49;
	[tilespmem:s24+$0xE0] =	vst v17;
	v17 =	vld [tilespmem:s11+$0x70]  }
0x15f: {  	v14 =	vadd.f32 v19, v55;
	v19 =	vadd.f32 v58, v21;
	v61 =	vld [tilespmem:s25+$0xF0]  }
0x160: {  	v12 =	vmul.f32 v12, v10;
	v13 =	vadd.f32 v15, v13;
	v16 =	vadd.f32 v57, v56;
	v62 =	vld [tilespmem:s2+$0xF0]  }
0x161: {  	v14 =	vadd.f32 v18, v14;
	v18 =	vmul.f32 v19, v7;
	v19 =	vld [tilespmem:s19+$0x70]  }
0x162: {  	[tilespmem:s21+$0xF0] =	vst v12;
	v11 =	vmul.f32 v13, v11;
	v15 =	vadd.f32 v59, v16;
	v63 =	vld [tilespmem:s16+$0x70]  }
0x163: {  	v10 =	vld [tilespmem:s20+$0x70];
	v16 =	vmul.f32 v14, v9;
	[tilespmem:s24+$0xFFFFFF40] =	vst v18  }
0x164: {  	v12 =	vadd.f32 v51, v50;
	[tilespmem:s21+$0xFFFFFF70] =	vst v11;
	v13 =	vmul.f32 v15, v8;
	v14 =	vld [tilespmem:s25+$0xFFFFFF50]  }
0x165: {  	[tilespmem:s24+$0xFFFFFFC0] =	vst v16;
	v16 =	vld [tilespmem:s2+$0xFFFFFF50];
	v18 =	vadd.f32 v62, v61  }
0x166: {  	s6 =	simm.s32 $0x680;
	s12 =	simm.s32 $0x4;
	[tilespmem:s24+$0x40] =	vst v13;
	v11 =	vadd.f32 v17, v60;
	v15 =	vld [tilespmem:s25+$0xFFFFFFD0];
	v13 =	vadd.f32 v19, v12  }
0x167: {  	s20 =	simm.s32 $0x400;
	s11 =	simm.s32 $0x1C80;
	s19 =	simm.s32 $0x800;
	v17 =	vld [tilespmem:s2+$0xFFFFFFD0];
	v12 =	vadd.f32 v63, v18  }
.LBB2_3:
0x168: {  	s10 =	sand.u32 $0x3800, s19;
	s15 =	sadd.s32 $0x180, s20;
	v18 =	vld [tilespmem:s6+$0x80];
	s2 =	sadd.s32 $0x200, s2;
	v13 =	vmul.f32 v13, v4;
	v10 =	vadd.f32 v10, v11;
	v4 =	vmov v9  }
0x169: {  	s5 =	sadd.s32 $0x3180, s10;
	s10 =	sadd.s32 $0x80, s20;
	v9 =	vld [tilespmem:s2+$0x80];
	s15 =	sand.u32 $0x380, s15;
	v6 =	vmul.f32 v12, v6  }
0x16a: {  	s17 =	sadd.s32 $0x100, s20;
	v11 =	vld [tilespmem:s6+$0xFFFFFF00];
	s16 =	sand.u32 $0x280, s10;
	s10 =	sadd.s32 s15, s5;
	v12 =	vadd.f32 v16, v14;
	[tilespmem:s21+$0xFFFFFFF0] =	vst v13;
	v10 =	vmul.f32 v10, v5;
	v5 =	vmov v8  }
0x16b: {  	s22 =	sand.u32 $0x300, s17;
	s15 =	sand.u32 $0x200, s20;
	s16 =	sadd.s32 s16, s5;
	v8 =	vld [tilespmem:s10+$0x0];
	[tilespmem:s24+$0xF0] =	vst v6  }
0x16c: {  	s1 =	sadd.s32 $0x200, s1;
	s17 =	sor.u32 s15, s5;
	s15 =	sadd.s32 s22, s5;
	v13 =	vld [tilespmem:s2+$0xFFFFFF00];
	v14 =	vadd.f32 v17, v15;
	[tilespmem:s21+$0x70] =	vst v10  }
0x16d: {  	s21 =	smov.u32 s24;
	v6 =	vld [tilespmem:s1+$0x80]  }
0x16e: {  	v10 =	vld [tilespmem:s6+$0xFFFFFF80];
	v9 =	vadd.f32 v9, v18  }
0x16f: {  	s12 =	sadd.s32 $0x4, s12;
	v15 =	vld [tilespmem:s2+$0xFFFFFF80]  }
0x170: {  	p0 =	slt.u32 s12, $0x2C;
	v16 =	vld [tilespmem:s6+$0x0];
	v8 =	vadd.f32 v8, v9  }
0x171: {  	v9 =	vadd.f32 v13, v11;
	v11 =	vld [tilespmem:s2+$0x0]  }
0x172: {  	v13 =	vld [tilespmem:s17+$0x0];
	v8 =	vmul.f32 v8, v6  }
0x173: {  	s24 =	sadd.s32 $0x200, s24;
	v17 =	vld [tilespmem:s16+$0x0]  }
0x174: {  	v10 =	vadd.f32 v15, v10;
	v15 =	vld [tilespmem:s15+$0x0];
	[tilespmem:s24+$0x80] =	vst v8  }
0x175: {  	v18 =	vld [tilespmem:s6+$0x90]  }
0x176: {  	v11 =	vadd.f32 v11, v16;
	v16 =	vld [tilespmem:s2+$0x90]  }
0x177: {  	v13 =	vadd.f32 v13, v9;
	v9 =	vld [tilespmem:s1+$0xFFFFFF80]  }
0x178: {  	v17 =	vadd.f32 v17, v10;
	v19 =	vld [tilespmem:s10+$0x10]  }
0x179: {  	v8 =	vld [tilespmem:s1+$0x0];
	v11 =	vadd.f32 v15, v11  }
0x17a: {  	v10 =	vld [tilespmem:s1+$0xFFFFFF00]  }
0x17b: {  	v15 =	vadd.f32 v16, v18;
	v16 =	vld [tilespmem:s25+$0x50]  }
0x17c: {  	v17 =	vmul.f32 v17, v9;
	v18 =	vld [tilespmem:s11+$0x50]  }
0x17d: {  	v15 =	vadd.f32 v19, v15;
	v19 =	vld [tilespmem:s0+$0x50]  }
0x17e: {  	[tilespmem:s24+$0xFFFFFF80] =	vst v17;
	v11 =	vmul.f32 v11, v8;
	v17 =	vld [tilespmem:s31+$0x50]  }
0x17f: {  	v13 =	vmul.f32 v13, v10;
	v20 =	vld [tilespmem:s6+$0xFFFFFF90];
	v15 =	vmul.f32 v15, v6  }
0x180: {  	v21 =	vld [tilespmem:s2+$0xFFFFFF90];
	[tilespmem:s24+$0x0] =	vst v11  }
0x181: {  	v11 =	vld [tilespmem:s6+$0x10];
	[tilespmem:s24+$0x90] =	vst v15;
	v15 =	vadd.f32 v18, v16  }
0x182: {  	[tilespmem:s24+$0xFFFFFF00] =	vst v13;
	v13 =	vld [tilespmem:s6+$0xA0];
	v12 =	vadd.f32 v19, v12  }
0x183: {  	v16 =	vld [tilespmem:s2+$0xA0];
	v14 =	vadd.f32 v17, v14  }
0x184: {  	v17 =	vld [tilespmem:s6+$0xFFFFFF10];
	v12 =	vmul.f32 v12, v7  }
0x185: {  	v18 =	vadd.f32 v21, v20;
	v19 =	vld [tilespmem:s10+$0x20];
	v14 =	vmul.f32 v14, v4  }
0x186: {  	v20 =	vld [tilespmem:s2+$0xFFFFFF10];
	[tilespmem:s21+$0xFFFFFF50] =	vst v12  }
0x187: {  	v12 =	vld [tilespmem:s2+$0x10];
	[tilespmem:s21+$0xFFFFFFD0] =	vst v14  }
0x188: {  	v14 =	vld [tilespmem:s17+$0x10];
	v13 =	vadd.f32 v16, v13  }
0x189: {  	v16 =	vld [tilespmem:s16+$0x10]  }
0x18a: {  	v21 =	vld [tilespmem:s15+$0x10];
	v13 =	vadd.f32 v19, v13  }
0x18b: {  	v17 =	vadd.f32 v20, v17;
	v19 =	vld [tilespmem:s3+$0x50]  }
0x18c: {  	v11 =	vadd.f32 v12, v11;
	v12 =	vmul.f32 v13, v6;
	v13 =	vld [tilespmem:s25+$0xFFFFFF60]  }
0x18d: {  	v14 =	vadd.f32 v14, v17;
	v17 =	vld [tilespmem:s11+$0xFFFFFF60]  }
0x18e: {  	v16 =	vadd.f32 v16, v18;
	[tilespmem:s24+$0xA0] =	vst v12;
	v12 =	vld [tilespmem:s25+$0xFFFFFFE0]  }
0x18f: {  	v14 =	vmul.f32 v14, v10;
	v11 =	vadd.f32 v21, v11;
	v18 =	vld [tilespmem:s6+$0xB0]  }
0x190: {  	v16 =	vmul.f32 v16, v9;
	v20 =	vld [tilespmem:s2+$0xB0];
	v15 =	vadd.f32 v19, v15  }
0x191: {  	[tilespmem:s24+$0xFFFFFF10] =	vst v14;
	v11 =	vmul.f32 v11, v8;
	v14 =	vld [tilespmem:s11+$0xFFFFFFE0]  }
0x192: {  	[tilespmem:s24+$0xFFFFFF90] =	vst v16;
	v16 =	vld [tilespmem:s10+$0x30];
	v13 =	vadd.f32 v17, v13;
	v15 =	vmul.f32 v15, v5  }
0x193: {  	v17 =	vld [tilespmem:s6+$0xFFFFFF20];
	[tilespmem:s24+$0x10] =	vst v11  }
0x194: {  	v11 =	vld [tilespmem:s2+$0xFFFFFF20];
	[tilespmem:s21+$0x50] =	vst v15  }
0x195: {  	v15 =	vld [tilespmem:s6+$0xFFFFFFA0];
	v18 =	vadd.f32 v20, v18  }
0x196: {  	v19 =	vld [tilespmem:s2+$0xFFFFFFA0];
	v12 =	vadd.f32 v14, v12  }
0x197: {  	v14 =	vld [tilespmem:s6+$0x20];
	v16 =	vadd.f32 v16, v18  }
0x198: {  	v18 =	vld [tilespmem:s2+$0x20]  }
0x199: {  	v11 =	vadd.f32 v11, v17;
	v17 =	vld [tilespmem:s17+$0x20];
	v16 =	vmul.f32 v16, v6  }
0x19a: {  	v20 =	vld [tilespmem:s16+$0x20]  }
0x19b: {  	v15 =	vadd.f32 v19, v15;
	v19 =	vld [tilespmem:s15+$0x20];
	[tilespmem:s24+$0xB0] =	vst v16  }
0x19c: {  	v16 =	vld [tilespmem:s6+$0xC0]  }
0x19d: {  	v14 =	vadd.f32 v18, v14;
	v18 =	vld [tilespmem:s2+$0xC0]  }
0x19e: {  	v11 =	vadd.f32 v17, v11;
	v17 =	vld [tilespmem:s25+$0x60]  }
0x19f: {  	v15 =	vadd.f32 v20, v15;
	v20 =	vld [tilespmem:s10+$0x40]  }
0x1a0: {  	v11 =	vmul.f32 v11, v10;
	v14 =	vadd.f32 v19, v14;
	v19 =	vld [tilespmem:s11+$0x60]  }
0x1a1: {  	v15 =	vmul.f32 v15, v9;
	v21 =	vld [tilespmem:s0+$0x60]  }
0x1a2: {  	[tilespmem:s24+$0xFFFFFF20] =	vst v11;
	v11 =	vmul.f32 v14, v8;
	v14 =	vadd.f32 v18, v16;
	v16 =	vld [tilespmem:s31+$0x60]  }
0x1a3: {  	v18 =	vld [tilespmem:s6+$0xFFFFFF30];
	[tilespmem:s24+$0xFFFFFFA0] =	vst v15  }
0x1a4: {  	v15 =	vld [tilespmem:s2+$0xFFFFFF30];
	[tilespmem:s24+$0x20] =	vst v11;
	v11 =	vadd.f32 v20, v14  }
0x1a5: {  	v14 =	vld [tilespmem:s6+$0xFFFFFFB0];
	v17 =	vadd.f32 v19, v17  }
0x1a6: {  	v19 =	vld [tilespmem:s2+$0xFFFFFFB0];
	v11 =	vmul.f32 v11, v6;
	v13 =	vadd.f32 v21, v13  }
0x1a7: {  	v20 =	vld [tilespmem:s6+$0x30];
	v12 =	vadd.f32 v16, v12  }
0x1a8: {  	v16 =	vld [tilespmem:s2+$0x30];
	[tilespmem:s24+$0xC0] =	vst v11;
	v11 =	vmul.f32 v13, v7  }
0x1a9: {  	v13 =	vadd.f32 v15, v18;
	v15 =	vld [tilespmem:s6+$0xD0];
	v12 =	vmul.f32 v12, v4  }
0x1aa: {  	v18 =	vld [tilespmem:s2+$0xD0];
	[tilespmem:s21+$0xFFFFFF60] =	vst v11  }
0x1ab: {  	v11 =	vld [tilespmem:s17+$0x30];
	v14 =	vadd.f32 v19, v14;
	[tilespmem:s21+$0xFFFFFFE0] =	vst v12  }
0x1ac: {  	v12 =	vld [tilespmem:s10+$0x50]  }
0x1ad: {  	v19 =	vld [tilespmem:s16+$0x30];
	v16 =	vadd.f32 v16, v20  }
0x1ae: {  	v20 =	vld [tilespmem:s15+$0x30]  }
0x1af: {  	v15 =	vadd.f32 v18, v15;
	v18 =	vld [tilespmem:s3+$0x60]  }
0x1b0: {  	v11 =	vadd.f32 v11, v13;
	v13 =	vld [tilespmem:s25+$0xFFFFFF70]  }
0x1b1: {  	v12 =	vadd.f32 v12, v15;
	v15 =	vld [tilespmem:s11+$0xFFFFFF70]  }
0x1b2: {  	v11 =	vmul.f32 v11, v10;
	v14 =	vadd.f32 v19, v14;
	v19 =	vld [tilespmem:s25+$0xFFFFFFF0]  }
0x1b3: {  	v16 =	vadd.f32 v20, v16;
	v12 =	vmul.f32 v12, v6;
	v20 =	vld [tilespmem:s11+$0xFFFFFFF0]  }
0x1b4: {  	[tilespmem:s24+$0xFFFFFF30] =	vst v11;
	v11 =	vmul.f32 v14, v9;
	v14 =	vld [tilespmem:s0+$0x70];
	v17 =	vadd.f32 v18, v17;
	s0 =	smov.u32 s17  }
0x1b5: {  	v18 =	vld [tilespmem:s6+$0xFFFFFF40];
	v16 =	vmul.f32 v16, v8;
	[tilespmem:s24+$0xD0] =	vst v12  }
0x1b6: {  	[tilespmem:s24+$0xFFFFFFB0] =	vst v11;
	v11 =	vld [tilespmem:s6+$0xE0];
	v12 =	vadd.f32 v15, v13;
	v13 =	vmul.f32 v17, v5  }
0x1b7: {  	[tilespmem:s24+$0x30] =	vst v16;
	v15 =	vld [tilespmem:s2+$0xE0]  }
0x1b8: {  	v16 =	vld [tilespmem:s2+$0xFFFFFF40];
	v17 =	vadd.f32 v20, v19;
	[tilespmem:s21+$0x60] =	vst v13  }
0x1b9: {  	v13 =	vld [tilespmem:s10+$0x60];
	v12 =	vadd.f32 v14, v12  }
0x1ba: {  	v14 =	vld [tilespmem:s6+$0xFFFFFFC0]  }
0x1bb: {  	v19 =	vld [tilespmem:s2+$0xFFFFFFC0];
	v12 =	vmul.f32 v12, v7;
	v7 =	vmov v10  }
0x1bc: {  	v10 =	vld [tilespmem:s6+$0x40];
	v11 =	vadd.f32 v15, v11  }
0x1bd: {  	v15 =	vadd.f32 v16, v18;
	v16 =	vld [tilespmem:s2+$0x40];
	[tilespmem:s21+$0xFFFFFF70] =	vst v12  }
0x1be: {  	v12 =	vld [tilespmem:s0+$0x40];
	v11 =	vadd.f32 v13, v11  }
0x1bf: {  	v13 =	vld [tilespmem:s16+$0x40]  }
0x1c0: {  	v14 =	vadd.f32 v19, v14;
	v18 =	vld [tilespmem:s15+$0x40];
	v11 =	vmul.f32 v11, v6  }
0x1c1: {  	v19 =	vld [tilespmem:s25+$0x70];
	s25 =	smov.u32 s6  }
0x1c2: {  	v10 =	vadd.f32 v16, v10;
	[tilespmem:s24+$0xE0] =	vst v11;
	v11 =	vld [tilespmem:s11+$0x70];
	s11 =	smov.u32 s2  }
0x1c3: {  	v12 =	vadd.f32 v12, v15;
	v15 =	vld [tilespmem:s6+$0xF0]  }
0x1c4: {  	v13 =	vadd.f32 v13, v14;
	v20 =	vld [tilespmem:s2+$0xF0]  }
0x1c5: {  	v12 =	vmul.f32 v12, v7;
	v10 =	vadd.f32 v18, v10;
	v18 =	vld [tilespmem:s31+$0x70];
	s31 =	smov.u32 s16  }
0x1c6: {  	v13 =	vmul.f32 v13, v9;
	v21 =	vld [tilespmem:s10+$0x70]  }
.Ltmp0:
0x1c7: {  	[tilespmem:s24+$0xFFFFFF40] =	vst v12;
	v12 =	vmul.f32 v10, v8;
	v11 =	vadd.f32 v11, v19;
	v10 =	vld [tilespmem:s3+$0x70];
	s3 =	smov.u32 s15;
	(pc) =	sbr.rel @p0 .LBB2_3-.Ltmp0, $4  }
0x1c8: {  	v14 =	vld [tilespmem:s6+$0xFFFFFF50];
	[tilespmem:s24+$0xFFFFFFC0] =	vst v13  }
0x1c9: {  	v16 =	vld [tilespmem:s2+$0xFFFFFF50];
	[tilespmem:s24+$0x40] =	vst v12;
	v12 =	vadd.f32 v20, v15  }
0x1ca: {  	v15 =	vld [tilespmem:s6+$0xFFFFFFD0];
	v13 =	vadd.f32 v18, v17  }
0x1cb: {  	s19 =	sadd.s32 $0x400, s19;
	s20 =	sadd.s32 $0x200, s20;
	s6 =	sadd.s32 $0x200, s6;
	v17 =	vld [tilespmem:s2+$0xFFFFFFD0];
	v12 =	vadd.f32 v21, v12  }
0x1cc: {  	v18 =	vld [tilespmem:s0+$0x50]  }
0x1cd: {  	v19 =	vld [tilespmem:s25+$0x50]  }
0x1ce: {  	v20 =	vld [tilespmem:s31+$0x50]  }
0x1cf: {  	v14 =	vadd.f32 v16, v14;
	v16 =	vld [tilespmem:s11+$0x50];
	_ =	sdelay $0x1  }
0x1d0: {  	v15 =	vadd.f32 v17, v15;
	v17 =	vld [tilespmem:s3+$0x50];
	v14 =	vadd.f32 v18, v14;
	_ =	sdelay $0x1  }
0x1d1: {  	v15 =	vadd.f32 v20, v15;
	v14 =	vmul.f32 v14, v7  }
0x1d2: {  	v16 =	vadd.f32 v16, v19  }
0x1d3: {  	v15 =	vmul.f32 v15, v9;
	[tilespmem:s24+$0xFFFFFF50] =	vst v14  }
0x1d4: {  	v16 =	vadd.f32 v17, v16;
	v14 =	vld [tilespmem:s25+$0xFFFFFF60]  }
0x1d5: {  	[tilespmem:s24+$0xFFFFFFD0] =	vst v15;
	v15 =	vld [tilespmem:s11+$0xFFFFFF60]  }
0x1d6: {  	v17 =	vld [tilespmem:s25+$0xFFFFFFE0];
	v16 =	vmul.f32 v16, v8  }
0x1d7: {  	v18 =	vld [tilespmem:s11+$0xFFFFFFE0]  }
0x1d8: {  	[tilespmem:s24+$0x50] =	vst v16;
	v16 =	vld [tilespmem:s0+$0x60]  }
0x1d9: {  	v40 =	vld [tilespmem:s31+$0x60]  }
0x1da: {  	v19 =	vld [tilespmem:s25+$0x60]  }
0x1db: {  	v14 =	vadd.f32 v15, v14;
	v15 =	vld [tilespmem:s11+$0x60];
	_ =	sdelay $0x1  }
0x1dc: {  	v17 =	vadd.f32 v18, v17;
	v14 =	vadd.f32 v16, v14;
	v16 =	vld [tilespmem:s3+$0x60];
	_ =	sdelay $0x1  }
0x1dd: {  	v17 =	vadd.f32 v40, v17;
	v14 =	vmul.f32 v14, v7  }
0x1de: {  	v15 =	vadd.f32 v15, v19  }
0x1df: {  	v17 =	vmul.f32 v17, v9;
	[tilespmem:s24+$0xFFFFFF60] =	vst v14  }
0x1e0: {  	v14 =	vld [tilespmem:s25+$0xFFFFFF70];
	v15 =	vadd.f32 v16, v15  }
0x1e1: {  	[tilespmem:s24+$0xFFFFFFE0] =	vst v17;
	v16 =	vld [tilespmem:s11+$0xFFFFFF70]  }
0x1e2: {  	v17 =	vld [tilespmem:s25+$0xFFFFFFF0];
	v15 =	vmul.f32 v15, v8  }
0x1e3: {  	v18 =	vld [tilespmem:s11+$0xFFFFFFF0]  }
0x1e4: {  	v19 =	vld [tilespmem:s0+$0x70];
	[tilespmem:s24+$0x60] =	vst v15  }
0x1e5: {  	v15 =	vld [tilespmem:s25+$0x70]  }
0x1e6: {  	v41 =	vld [tilespmem:s11+$0x70]  }
0x1e7: {  	v21 =	vld [tilespmem:s31+$0x70]  }
0x1e8: {  	v22 =	vld [tilespmem:s3+$0x70]  }
0x1e9: {  	v14 =	vadd.f32 v16, v14  }
0x1ea: {  	v4 =	vmul.f32 v13, v4;
	v10 =	vadd.f32 v10, v11;
	v11 =	vadd.f32 v18, v17  }
0x1eb: {  	v6 =	vmul.f32 v12, v6;
	v12 =	vadd.f32 v19, v14;
	v13 =	vadd.f32 v41, v15  }
0x1ec: {  	[tilespmem:s21+$0xFFFFFFF0] =	vst v4;
	v4 =	vmul.f32 v10, v5;
	v5 =	vadd.f32 v21, v11  }
0x1ed: {  	[tilespmem:s24+$0xF0] =	vst v6;
	v6 =	vmul.f32 v12, v7;
	v7 =	vadd.f32 v22, v13  }
0x1ee: {  	[tilespmem:s21+$0x70] =	vst v4;
	v4 =	vmul.f32 v5, v9  }
0x1ef: {  	[tilespmem:s24+$0xFFFFFF70] =	vst v6;
	v5 =	vmul.f32 v7, v8  }
0x1f0: {  	[tilespmem:s24+$0xFFFFFFF0] =	vst v4  }
0x1f1: {  	s12 =	rddreg [dreg:$0x2];
	s1 =	simm.s32 $0x100;
	s2 =	simm.s32 $0x6180;
	[tilespmem:s24+$0x70] =	vst v5  }
0x1f2: {  	[spmem:s12] =	stream.indirect.scatter.add.f32 [tilespmem:s2], [sflag:$0x4], $0x80, s1, s30, $0xb8;
	[tilespmem:$0x1EE80] =	vst v63  }
0x1f3: {  	p0 =	seq.s32 s13, $0xD0;
	s0 =	rddreg [dreg:$0xe]  }
0x1f4: {  	s0 =	sadd.s32 @!p0 s26, s0  }
0x1f5: {  	s1 =	sshrl.u32 @!p0 s0, $0x3  }
0x1f6: {  	s3 =	simm.s32 @!p0 $0x0;
	s2 =	sadd.s32 @!p0 s8, s1  }
0x1f7: {  	[tilespmem:s3], [sflag:$0x5] =	stream.linear.gather @!p0 [hbm4b:s2+s3], $0x30, $0x38;
	[tilespmem:$0x1EE80] =	vst v63  }
0x1f8: {  	s15 =	simm.s32 $0x7;
	s1 =	sadd.s32 @!p0 s9, s1;
	s2 =	simm.s32 @!p0 $0x80  }
0x1f9: {  	[tilespmem:s2], [sflag:$0x6] =	stream.linear.gather @!p0 [hbm4b:s1+s3], $0x30, $0x38;
	[tilespmem:$0x1EE80] =	vst v63  }
0x1fa: {  	_ =	swait.ge [sflag:s15], $0x1800  }
0x1fb: {  	[sflag:s15] =	ssyncset.done $0x0  }
0x1fc: {  	s16 =	simm.s32 $0x8;
	[sflag:s15] =	ssyncadd.s32 $0xFFFFE800  }
0x1fd: {  	_ =	swait.ge [sflag:s16], $0x1800  }
0x1fe: {  	[sflag:s16] =	ssyncset.done $0x0  }
0x1ff: {  	[sflag:s16] =	ssyncadd.s32 $0xFFFFE800  }
0x200: {  	_ =	swait.ge [sflag:s29], $0x3000  }
0x201: {  	[sflag:s29] =	ssyncset.done $0x0  }
0x202: {  	[sflag:s29] =	ssyncadd.s32 $0xFFFFD000  }
0x203: {  	v4 =	vld [tilespmem:$0x9180]  }
0x204: {  	v5 =	vld [tilespmem:$0x9190]  }
0x205: {  	v6 =	vld [tilespmem:$0x91A0];
	_ =	sdelay $0x2  }
0x206: {  	v4 =	vsub.s32 v4, v0  }
0x207: {  	p1 =	slt.u32 s18, $0x4E200;
	s17 =	sadd.s32 $0x10, s18;
	v5 =	vsub.s32 v5, v0;
	v4 =	vmin.u32 v4, $0x1400  }
0x208: {  	s18 =	sadd.s32 $0x20, s18;
	p5 =	slt.u32 s17, $0x4E200;
	v6 =	vsub.s32 v6, v0;
	v5 =	vmin.u32 v5, $0x1400;
	v4 =	vpsel !p1, $0x1400, v4  }
0x209: {  	p6 =	slt.u32 s18, $0x4E200;
	[tilespmem:$0x9280] =	vst v4;
	v4 =	vpsel !p5, $0x1400, v5;
	v5 =	vmin.u32 v6, $0x1400  }
0x20a: {  	[tilespmem:$0x9290] =	vst v4;
	v4 =	vpsel !p6, $0x1400, v5  }
0x20b: {  	s1 =	simm.s32 @!p0 $0x5;
	[tilespmem:$0x92A0] =	vst v4  }
0x20c: {  	_ =	swait.ge @!p0 [sflag:s1], $0x30  }
0x20d: {  	[sflag:s1] =	ssyncset.done @!p0 $0x0  }
0x20e: {  	[sflag:s1] =	ssyncadd.s32 @!p0 $0xFFFFFFD0;
	s1 =	simm.s32 @!p0 $0x6  }
0x20f: {  	p1 =	slt.s32 @!p0 s0, $0x4E1D0;
	_ =	swait.ge @!p0 [sflag:s1], $0x30  }
0x210: {  	s5 =	simm.s32 @!p0 $0x180;
	p1 =	por !p1, p0;
	[sflag:s1] =	ssyncset.done @!p0 $0x0  }
0x211: {  	s0 =	simm.s32 @p1 $0x4E1D0;
	[sflag:s1] =	ssyncadd.s32 @!p0 $0xFFFFFFD0;
	s1 =	simm.s32 @!p0 $0x30  }
0x212: {  	[tilespmem:s5], [sflag:$0x1] =	stream.indirect.gather @!p0 [hbm4b:s28+s1], $0x80, s3, s1, $0xb8;
	[tilespmem:$0x1EE80] =	vst v63  }
0x213: {  	s0 =	sshll.u32 @!p0 s0, $0x5;
	s5 =	simm.s32 @!p0 $0x1980  }
0x214: {  	[tilespmem:s5], [sflag:$0x2] =	stream.indirect.gather @!p0 [hbm4b:s4+s1], $0x80, s2, s1, $0xb8;
	[tilespmem:$0x1EE80] =	vst v63  }
0x215: {  	s0 =	sadd.s32 @!p0 s7, s0;
	s1 =	simm.s32 @!p0 $0x3180  }
0x216: {  	[tilespmem:s1], [sflag:$0x3] =	stream.linear.gather @!p0 [hbm4b:s0+s3], $0x3000, $0x38;
	[tilespmem:$0x1EE80] =	vst v63  }
0x217: {  	v4 =	vld [tilespmem:$0x9180]  }
0x218: {  	v5 =	vld [tilespmem:$0x9200];
	_ =	sdelay $0x6  }
0x219: {  	v4 =	vld.idx.msk [tilespmem:v4+s23+$0x0], $0xffff  }
0x21a: {  	v5 =	vld.idx.msk [tilespmem:v5+s23+$0x0], $0xffff;
	_ =	sdelay $0x2  }
0x21b: {  	v6 =	vld.idx.msk [tilespmem:v1+s14+$0x0], $0xffff;
	_ =	sdelay $0x1  }
0x21c: {  	v4 =	vand.u32 $0xFFFF0000, v4;
	v5 =	vshll.u32 v5, $0x10  }
0x21d: {  	v4 =	vadd.f32 v5, v4;
	_ =	sdelay $0x1  }
0x21e: {  	v4 =	vadd.f32 v4, v6;
	_ =	sdelay $0x1  }
0x21f: {  	v4 =	vadd.f32 $0.0e+00, v4;
	_ =	sdelay $0x1  }
0x220: {  	v5 =	vbroadcast v4, $0x0  }
0x221: {  	v6 =	vbroadcast v4, $0x1  }
0x222: {  	[tilespmem:$0x10B00] =	vst v5;
	v5 =	vbroadcast v4, $0x2  }
0x223: {  	[tilespmem:$0x10B80] =	vst v6;
	v6 =	vbroadcast v4, $0x3  }
0x224: {  	[tilespmem:$0x10C00] =	vst v5;
	v5 =	vbroadcast v4, $0x4  }
0x225: {  	[tilespmem:$0x10C80] =	vst v6;
	v6 =	vbroadcast v4, $0x5  }
0x226: {  	[tilespmem:$0x10D00] =	vst v5;
	v5 =	vbroadcast v4, $0x6  }
0x227: {  	[tilespmem:$0x10D80] =	vst v6;
	v6 =	vbroadcast v4, $0x7  }
0x228: {  	[tilespmem:$0x10E00] =	vst v5;
	v5 =	vbroadcast v4, $0x8  }
0x229: {  	[tilespmem:$0x10E80] =	vst v6;
	v6 =	vbroadcast v4, $0x9  }
0x22a: {  	v7 =	vld [tilespmem:$0x9190];
	[tilespmem:$0x10F00] =	vst v5;
	v5 =	vbroadcast v4, $0xA  }
0x22b: {  	v8 =	vld [tilespmem:$0x9210];
	[tilespmem:$0x10F80] =	vst v6;
	v6 =	vbroadcast v4, $0xB  }
0x22c: {  	[tilespmem:$0x11000] =	vst v5;
	v5 =	vbroadcast v4, $0xC  }
0x22d: {  	[tilespmem:$0x11080] =	vst v6;
	v6 =	vbroadcast v4, $0xD  }
0x22e: {  	[tilespmem:$0x11100] =	vst v5;
	v5 =	vbroadcast v4, $0xE  }
0x22f: {  	[tilespmem:$0x11180] =	vst v6;
	v4 =	vbroadcast v4, $0xF  }
0x230: {  	[tilespmem:$0x11200] =	vst v5  }
0x231: {  	[tilespmem:$0x11280] =	vst v4  }
0x232: {  	v4 =	vld.idx.msk [tilespmem:v7+s23+$0x0], $0xffff  }
0x233: {  	v5 =	vld.idx.msk [tilespmem:v8+s23+$0x0], $0xffff;
	_ =	sdelay $0x2  }
0x234: {  	v6 =	vld.idx.msk [tilespmem:v2+s14+$0x0], $0xffff;
	_ =	sdelay $0x1  }
0x235: {  	v4 =	vand.u32 $0xFFFF0000, v4;
	v5 =	vshll.u32 v5, $0x10  }
0x236: {  	v4 =	vadd.f32 v5, v4;
	_ =	sdelay $0x1  }
0x237: {  	v4 =	vadd.f32 v4, v6;
	_ =	sdelay $0x1  }
0x238: {  	v4 =	vadd.f32 $0.0e+00, v4;
	_ =	sdelay $0x1  }
0x239: {  	v5 =	vbroadcast v4, $0x0  }
0x23a: {  	v6 =	vbroadcast v4, $0x1  }
0x23b: {  	[tilespmem:$0x11300] =	vst v5;
	v5 =	vbroadcast v4, $0x2  }
0x23c: {  	[tilespmem:$0x11380] =	vst v6;
	v6 =	vbroadcast v4, $0x3  }
0x23d: {  	[tilespmem:$0x11400] =	vst v5;
	v5 =	vbroadcast v4, $0x4  }
0x23e: {  	[tilespmem:$0x11480] =	vst v6;
	v6 =	vbroadcast v4, $0x5  }
0x23f: {  	[tilespmem:$0x11500] =	vst v5;
	v5 =	vbroadcast v4, $0x6  }
0x240: {  	[tilespmem:$0x11580] =	vst v6;
	v6 =	vbroadcast v4, $0x7  }
0x241: {  	[tilespmem:$0x11600] =	vst v5;
	v5 =	vbroadcast v4, $0x8  }
0x242: {  	[tilespmem:$0x11680] =	vst v6;
	v6 =	vbroadcast v4, $0x9  }
0x243: {  	v7 =	vld [tilespmem:$0x91A0];
	[tilespmem:$0x11700] =	vst v5;
	v5 =	vbroadcast v4, $0xA  }
0x244: {  	v8 =	vld [tilespmem:$0x9220];
	[tilespmem:$0x11780] =	vst v6;
	v6 =	vbroadcast v4, $0xB  }
0x245: {  	[tilespmem:$0x11800] =	vst v5;
	v5 =	vbroadcast v4, $0xC  }
0x246: {  	[tilespmem:$0x11880] =	vst v6;
	v6 =	vbroadcast v4, $0xD  }
0x247: {  	[tilespmem:$0x11900] =	vst v5;
	v5 =	vbroadcast v4, $0xE  }
0x248: {  	[tilespmem:$0x11980] =	vst v6;
	v4 =	vbroadcast v4, $0xF  }
0x249: {  	[tilespmem:$0x11A00] =	vst v5  }
0x24a: {  	[tilespmem:$0x11A80] =	vst v4  }
0x24b: {  	v4 =	vld.idx.msk [tilespmem:v7+s23+$0x0], $0xffff  }
0x24c: {  	v5 =	vld.idx.msk [tilespmem:v8+s23+$0x0], $0xffff;
	_ =	sdelay $0x2  }
0x24d: {  	v6 =	vld.idx.msk [tilespmem:v3+s14+$0x0], $0xffff;
	_ =	sdelay $0x1  }
0x24e: {  	v4 =	vand.u32 $0xFFFF0000, v4;
	v5 =	vshll.u32 v5, $0x10  }
0x24f: {  	v4 =	vadd.f32 v5, v4;
	_ =	sdelay $0x1  }
0x250: {  	v4 =	vadd.f32 v4, v6;
	_ =	sdelay $0x1  }
0x251: {  	v4 =	vadd.f32 $0.0e+00, v4;
	_ =	sdelay $0x1  }
0x252: {  	v5 =	vbroadcast v4, $0x0  }
0x253: {  	v6 =	vbroadcast v4, $0x1  }
0x254: {  	[tilespmem:$0x11B00] =	vst v5;
	v5 =	vbroadcast v4, $0x2  }
0x255: {  	[tilespmem:$0x11B80] =	vst v6;
	v6 =	vbroadcast v4, $0x3  }
0x256: {  	[tilespmem:$0x11C00] =	vst v5;
	v5 =	vbroadcast v4, $0x4  }
0x257: {  	[tilespmem:$0x11C80] =	vst v6;
	v6 =	vbroadcast v4, $0x5  }
0x258: {  	[tilespmem:$0x11D00] =	vst v5;
	v5 =	vbroadcast v4, $0x6  }
0x259: {  	[tilespmem:$0x11D80] =	vst v6;
	v6 =	vbroadcast v4, $0x7  }
0x25a: {  	[tilespmem:$0x11E00] =	vst v5;
	v5 =	vbroadcast v4, $0x8  }
0x25b: {  	[tilespmem:$0x11E80] =	vst v6;
	v6 =	vbroadcast v4, $0x9  }
0x25c: {  	[tilespmem:$0x11F00] =	vst v5;
	v5 =	vbroadcast v4, $0xA  }
0x25d: {  	[tilespmem:$0x11F80] =	vst v6;
	v6 =	vbroadcast v4, $0xB  }
0x25e: {  	[tilespmem:$0x12000] =	vst v5;
	v5 =	vbroadcast v4, $0xC  }
0x25f: {  	[tilespmem:$0x12080] =	vst v6;
	v6 =	vbroadcast v4, $0xD  }
0x260: {  	[tilespmem:$0x12100] =	vst v5;
	v5 =	vbroadcast v4, $0xE  }
0x261: {  	[tilespmem:$0x12180] =	vst v6;
	v4 =	vbroadcast v4, $0xF  }
0x262: {  	[tilespmem:$0x12200] =	vst v5  }
0x263: {  	s19 =	simm.s32 $0x0;
	s11 =	simm.s32 $0x9400;
	[tilespmem:$0x12280] =	vst v4  }
0x264: {  	s20 =	sand.u32 $0x3800, s19;
	s21 =	simm.s32 $0x180;
	s1 =	simm.s32 $0xAC00;
	v4 =	vld [tilespmem:s11+$0x80]  }
0x265: {  	s25 =	sand.u32 $0x380, s21;
	s24 =	sor.u32 $0xC300, s20;
	v5 =	vld [tilespmem:s1+$0x80]  }
0x266: {  	s2 =	sadd.s32 s25, s24  }
0x267: {  	v6 =	vld [tilespmem:s2+$0x0]  }
0x268: {  	s22 =	smov.u32 s28;
	s28 =	simm.s32 $0x10C00  }
0x269: {  	v10 =	vld [tilespmem:s28+$0x80]  }
0x26a: {  	v4 =	vadd.f32 v5, v4;
	_ =	sdelay $0x1  }
0x26b: {  	v4 =	vadd.f32 v6, v4;
	_ =	sdelay $0x1  }
0x26c: {  	v4 =	vmul.f32 v4, v10  }
0x26d: {  	s18 =	simm.s32 $0xF400  }
0x26e: {  	[tilespmem:s18+$0x80] =	vst v4  }
0x26f: {  	v4 =	vld [tilespmem:s11+$0x90]  }
0x270: {  	v5 =	vld [tilespmem:s1+$0x90];
	_ =	sdelay $0x1  }
0x271: {  	v6 =	vld [tilespmem:s2+$0x10];
	_ =	sdelay $0x2  }
0x272: {  	s0 =	sand.u32 $0x200, s19;
	v7 =	vld [tilespmem:s11+$0xFFFFFF00];
	v4 =	vadd.f32 v5, v4  }
0x273: {  	s6 =	simm.s32 $0x80;
	s0 =	sadd.s32 s0, s24;
	v8 =	vld [tilespmem:s11+$0xFFFFFF80]  }
0x274: {  	s6 =	sand.u32 $0x280, s6;
	v9 =	vld [tilespmem:s0+$0x0];
	v4 =	vadd.f32 v6, v4  }
0x275: {  	s12 =	sadd.s32 s6, s24;
	v5 =	vld [tilespmem:s1+$0xFFFFFF00]  }
0x276: {  	v12 =	vld [tilespmem:s12+$0x0];
	v4 =	vmul.f32 v4, v10  }
0x277: {  	v6 =	vld [tilespmem:s1+$0xFFFFFF80]  }
0x278: {  	v11 =	vld [tilespmem:s28+$0xFFFFFF00];
	[tilespmem:s18+$0x90] =	vst v4  }
0x279: {  	v13 =	vld [tilespmem:s11+$0xA0]  }
0x27a: {  	v5 =	vadd.f32 v5, v7;
	v7 =	vld [tilespmem:s1+$0xA0]  }
0x27b: {  	v4 =	vld [tilespmem:s28+$0xFFFFFF80]  }
0x27c: {  	s10 =	simm.s32 $0x100;
	v6 =	vadd.f32 v6, v8;
	v5 =	vadd.f32 v9, v5;
	v8 =	vld [tilespmem:s2+$0x20]  }
0x27d: {  	s6 =	sand.u32 $0x300, s10;
	v14 =	vld [tilespmem:s1+$0x0]  }
0x27e: {  	s19 =	sadd.s32 s6, s24;
	v9 =	vld [tilespmem:s11+$0x0];
	v6 =	vadd.f32 v12, v6;
	v12 =	vmul.f32 v5, v11  }
0x27f: {  	v15 =	vld [tilespmem:s19+$0x0];
	v7 =	vadd.f32 v7, v13  }
0x280: {  	v5 =	vld [tilespmem:s28+$0x0];
	v6 =	vmul.f32 v6, v4;
	[tilespmem:s18+$0xFFFFFF00] =	vst v12  }
0x281: {  	v12 =	vld [tilespmem:s11+$0xFFFFFF10];
	v7 =	vadd.f32 v8, v7  }
0x282: {  	[tilespmem:s18+$0xFFFFFF80] =	vst v6;
	v6 =	vld [tilespmem:s1+$0xFFFFFF10]  }
0x283: {  	v13 =	vld [tilespmem:s0+$0x10];
	v8 =	vadd.f32 v14, v9;
	v7 =	vmul.f32 v7, v10  }
0x284: {  	v9 =	vld [tilespmem:s11+$0xFFFFFF90]  }
0x285: {  	v14 =	vld [tilespmem:s1+$0xFFFFFF90];
	v8 =	vadd.f32 v15, v8;
	[tilespmem:s18+$0xA0] =	vst v7  }
0x286: {  	v7 =	vld [tilespmem:s11+$0xB0]  }
0x287: {  	v8 =	vmul.f32 v8, v5;
	v6 =	vadd.f32 v6, v12;
	v12 =	vld [tilespmem:s1+$0xB0]  }
0x288: {  	v15 =	vld [tilespmem:s12+$0x10]  }
0x289: {  	[tilespmem:s18+$0x0] =	vst v8;
	v6 =	vadd.f32 v13, v6;
	v8 =	vld [tilespmem:s2+$0x30]  }
0x28a: {  	v13 =	vld [tilespmem:s11+$0x10]  }
0x28b: {  	v9 =	vadd.f32 v14, v9;
	v14 =	vld [tilespmem:s1+$0x10];
	v6 =	vmul.f32 v6, v11  }
0x28c: {  	v7 =	vadd.f32 v12, v7  }
0x28d: {  	v9 =	vadd.f32 v15, v9;
	v12 =	vld [tilespmem:s19+$0x10];
	[tilespmem:s18+$0xFFFFFF10] =	vst v6  }
0x28e: {  	v6 =	vld [tilespmem:s11+$0xFFFFFF20];
	v7 =	vadd.f32 v8, v7  }
0x28f: {  	v8 =	vmul.f32 v9, v4;
	v9 =	vld [tilespmem:s1+$0xFFFFFF20]  }
0x290: {  	v13 =	vadd.f32 v14, v13;
	v7 =	vmul.f32 v7, v10  }
0x291: {  	[tilespmem:s18+$0xFFFFFF90] =	vst v8;
	v8 =	vld [tilespmem:s0+$0x20]  }
0x292: {  	v12 =	vadd.f32 v12, v13;
	v13 =	vld [tilespmem:s11+$0xFFFFFFA0];
	[tilespmem:s18+$0xB0] =	vst v7  }
0x293: {  	v7 =	vld [tilespmem:s11+$0xC0]  }
0x294: {  	v6 =	vadd.f32 v9, v6;
	v9 =	vld [tilespmem:s1+$0xC0]  }
0x295: {  	v14 =	vld [tilespmem:s1+$0xFFFFFFA0];
	v12 =	vmul.f32 v12, v5  }
0x296: {  	v6 =	vadd.f32 v8, v6;
	v8 =	vld [tilespmem:s2+$0x40]  }
0x297: {  	v15 =	vld [tilespmem:s12+$0x20];
	[tilespmem:s18+$0x10] =	vst v12  }
0x298: {  	v12 =	vld [tilespmem:s11+$0x20];
	v6 =	vmul.f32 v6, v11  }
0x299: {  	v16 =	vld [tilespmem:s1+$0x20];
	v7 =	vadd.f32 v9, v7  }
0x29a: {  	v9 =	vld [tilespmem:s19+$0x20];
	[tilespmem:s18+$0xFFFFFF20] =	vst v6  }
0x29b: {  	v6 =	vadd.f32 v14, v13;
	v13 =	vld [tilespmem:s11+$0xFFFFFF30];
	v7 =	vadd.f32 v8, v7  }
0x29c: {  	v8 =	vld [tilespmem:s1+$0xFFFFFF30]  }
0x29d: {  	v6 =	vadd.f32 v15, v6;
	v7 =	vmul.f32 v7, v10  }
0x29e: {  	v14 =	vld [tilespmem:s0+$0x30];
	v12 =	vadd.f32 v16, v12  }
0x29f: {  	v6 =	vmul.f32 v6, v4;
	[tilespmem:s18+$0xC0] =	vst v7  }
0x2a0: {  	v7 =	vadd.f32 v9, v12;
	v9 =	vld [tilespmem:s11+$0xD0]  }
0x2a1: {  	[tilespmem:s18+$0xFFFFFFA0] =	vst v6;
	v6 =	vadd.f32 v8, v13;
	v8 =	vld [tilespmem:s1+$0xD0]  }
0x2a2: {  	v13 =	vld [tilespmem:s2+$0x50];
	v7 =	vmul.f32 v7, v5  }
0x2a3: {  	v12 =	vld [tilespmem:s11+$0xFFFFFFB0];
	v6 =	vadd.f32 v14, v6  }
0x2a4: {  	[tilespmem:s18+$0x20] =	vst v7;
	v7 =	vld [tilespmem:s1+$0xFFFFFFB0]  }
0x2a5: {  	v15 =	vld [tilespmem:s12+$0x30];
	v6 =	vmul.f32 v6, v11  }
0x2a6: {  	v14 =	vld [tilespmem:s11+$0x30];
	v8 =	vadd.f32 v8, v9  }
0x2a7: {  	v9 =	vld [tilespmem:s1+$0x30];
	[tilespmem:s18+$0xFFFFFF30] =	vst v6  }
0x2a8: {  	v6 =	vadd.f32 v13, v8;
	v8 =	vld [tilespmem:s11+$0xFFFFFF40]  }
0x2a9: {  	v7 =	vadd.f32 v7, v12;
	v12 =	vld [tilespmem:s1+$0xFFFFFF40]  }
0x2aa: {  	v13 =	vld [tilespmem:s19+$0x30];
	v6 =	vmul.f32 v6, v10  }
0x2ab: {  	v7 =	vadd.f32 v15, v7;
	v15 =	vld [tilespmem:s0+$0x40]  }
0x2ac: {  	[tilespmem:s18+$0xD0] =	vst v6  }
0x2ad: {  	v6 =	vadd.f32 v9, v14;
	v7 =	vmul.f32 v7, v4;
	v9 =	vld [tilespmem:s11+$0xE0]  }
0x2ae: {  	v14 =	vld [tilespmem:s1+$0xE0];
	v8 =	vadd.f32 v12, v8  }
0x2af: {  	v6 =	vadd.f32 v13, v6;
	[tilespmem:s18+$0xFFFFFFB0] =	vst v7;
	v7 =	vld [tilespmem:s2+$0x60]  }
0x2b0: {  	v12 =	vld [tilespmem:s11+$0xFFFFFFC0];
	v8 =	vadd.f32 v15, v8  }
0x2b1: {  	s21 =	simm.s32 $0x9600;
	v6 =	vmul.f32 v6, v5;
	v13 =	vld [tilespmem:s1+$0xFFFFFFC0]  }
0x2b2: {  	v44 =	vld [tilespmem:s21+$0xFFFFFF00];
	v8 =	vmul.f32 v8, v11  }
0x2b3: {  	[tilespmem:s18+$0x30] =	vst v6;
	v6 =	vadd.f32 v14, v9;
	v9 =	vld [tilespmem:s12+$0x40]  }
0x2b4: {  	v23 =	vld [tilespmem:s21+$0xFFFFFF80];
	[tilespmem:s18+$0xFFFFFF40] =	vst v8  }
0x2b5: {  	v6 =	vadd.f32 v7, v6;
	v7 =	vld [tilespmem:s11+$0xFFFFFF50]  }
0x2b6: {  	s3 =	simm.s32 $0xAE00;
	v8 =	vadd.f32 v13, v12;
	v12 =	vld [tilespmem:s1+$0xFFFFFF50]  }
0x2b7: {  	v45 =	vld [tilespmem:s3+$0xFFFFFF80]  }
0x2b8: {  	v8 =	vadd.f32 v9, v8;
	v9 =	vld [tilespmem:s0+$0x50]  }
0x2b9: {  	v24 =	vld [tilespmem:s21+$0x0];
	v6 =	vmul.f32 v6, v10  }
0x2ba: {  	v25 =	vld [tilespmem:s3+$0x0]  }
0x2bb: {  	v15 =	vld [tilespmem:s11+$0x40];
	[tilespmem:s18+$0xE0] =	vst v6;
	v6 =	vmul.f32 v8, v4;
	v7 =	vadd.f32 v12, v7  }
0x2bc: {  	s15 =	simm.s32 $0x400;
	v8 =	vld [tilespmem:s3+$0x80]  }
0x2bd: {  	s16 =	simm.s32 $0x380;
	v12 =	vld [tilespmem:s2+$0x70];
	s2 =	sand.u32 $0x3800, s15;
	[tilespmem:s18+$0xFFFFFFC0] =	vst v6;
	v6 =	vadd.f32 v9, v7  }
0x2be: {  	s17 =	sand.u32 $0x380, s16;
	s10 =	sor.u32 $0xC300, s2;
	v7 =	vld [tilespmem:s21+$0x80]  }
0x2bf: {  	v16 =	vld [tilespmem:s1+$0x40];
	s20 =	sadd.s32 s17, s10;
	v9 =	vmul.f32 v6, v11  }
0x2c0: {  	s2 =	simm.s32 $0x10E00;
	v19 =	vld [tilespmem:s20+$0x0]  }
0x2c1: {  	v6 =	vld [tilespmem:s2+$0x80];
	[tilespmem:s18+$0xFFFFFF50] =	vst v9  }
0x2c2: {  	v9 =	vld [tilespmem:s11+$0xFFFFFF60]  }
0x2c3: {  	v42 =	vld [tilespmem:s1+$0xFFFFFF60];
	v7 =	vadd.f32 v8, v7  }
0x2c4: {  	v17 =	vld [tilespmem:s19+$0x40]  }
0x2c5: {  	v8 =	vld [tilespmem:s0+$0x60];
	v7 =	vadd.f32 v19, v7  }
0x2c6: {  	v13 =	vld [tilespmem:s11+$0xF0]  }
0x2c7: {  	v18 =	vld [tilespmem:s11+$0xFFFFFFD0];
	v7 =	vmul.f32 v7, v6  }
0x2c8: {  	s25 =	simm.s32 $0xF600;
	v43 =	vld [tilespmem:s1+$0xFFFFFFD0];
	v9 =	vadd.f32 v42, v9  }
0x2c9: {  	v49 =	vld [tilespmem:s12+$0x50];
	[tilespmem:s25+$0x80] =	vst v7  }
0x2ca: {  	v7 =	vadd.f32 v8, v9;
	v8 =	vld [tilespmem:s21+$0x90]  }
0x2cb: {  	v9 =	vld [tilespmem:s3+$0x90]  }
0x2cc: {  	s24 =	simm.s32 $0x280;
	v14 =	vld [tilespmem:s1+$0xF0]  }
0x2cd: {  	s5 =	sand.u32 $0x280, s24;
	v18 =	vadd.f32 v43, v18;
	v26 =	vld [tilespmem:s20+$0x10];
	v7 =	vmul.f32 v7, v11  }
0x2ce: {  	s24 =	sadd.s32 s5, s10;
	v19 =	vld [tilespmem:s3+$0xFFFFFF00]  }
0x2cf: {  	s15 =	simm.s32 $0x200;
	v18 =	vadd.f32 v49, v18;
	[tilespmem:s18+$0xFFFFFF60] =	vst v7;
	v7 =	vadd.f32 v16, v15;
	v16 =	vld [tilespmem:s24+$0x0]  }
0x2d0: {  	s28 =	simm.s32 $0x300;
	s15 =	sand.u32 $0x200, s15;
	v15 =	vld [tilespmem:s0+$0x70];
	v8 =	vadd.f32 v9, v8  }
0x2d1: {  	s31 =	sadd.s32 s15, s10;
	v18 =	vmul.f32 v18, v4;
	s0 =	sand.u32 $0x300, s28;
	v9 =	vld [tilespmem:s2+$0xFFFFFF80];
	v7 =	vadd.f32 v17, v7  }
0x2d2: {  	v20 =	vadd.f32 v45, v23;
	v17 =	vld [tilespmem:s31+$0x0];
	s0 =	sadd.s32 s0, s10;
	v26 =	vadd.f32 v26, v8  }
0x2d3: {  	[tilespmem:s18+$0xFFFFFFD0] =	vst v18;
	v46 =	vld [tilespmem:s0+$0x0];
	v7 =	vmul.f32 v7, v5  }
0x2d4: {  	v61 =	vld [tilespmem:s11+$0xFFFFFFE0];
	v16 =	vadd.f32 v16, v20;
	v47 =	vmul.f32 v26, v6  }
0x2d5: {  	v19 =	vadd.f32 v19, v44;
	v8 =	vld [tilespmem:s2+$0x0];
	[tilespmem:s18+$0x40] =	vst v7  }
0x2d6: {  	v50 =	vadd.f32 v25, v24;
	v7 =	vld [tilespmem:s2+$0xFFFFFF00];
	v16 =	vmul.f32 v16, v9;
	[tilespmem:s25+$0x90] =	vst v47  }
0x2d7: {  	v17 =	vadd.f32 v17, v19;
	v19 =	vld [tilespmem:s21+$0xA0]  }
0x2d8: {  	v20 =	vadd.f32 v46, v50;
	[tilespmem:s25+$0xFFFFFF80] =	vst v16;
	v16 =	vld [tilespmem:s3+$0xA0]  }
0x2d9: {  	v37 =	vld [tilespmem:s1+$0xFFFFFFE0]  }
0x2da: {  	v52 =	vld [tilespmem:s20+$0x20];
	v20 =	vmul.f32 v20, v8  }
0x2db: {  	v51 =	vld [tilespmem:s21+$0xFFFFFF90];
	v17 =	vmul.f32 v17, v7  }
0x2dc: {  	v53 =	vld [tilespmem:s3+$0xFFFFFF90];
	[tilespmem:s25+$0x0] =	vst v20  }
0x2dd: {  	[tilespmem:s25+$0xFFFFFF00] =	vst v17;
	v55 =	vld [tilespmem:s3+$0x10];
	v16 =	vadd.f32 v16, v19  }
0x2de: {  	v17 =	vld [tilespmem:s21+$0xFFFFFF10]  }
0x2df: {  	v54 =	vld [tilespmem:s3+$0xFFFFFF10];
	v16 =	vadd.f32 v52, v16  }
0x2e0: {  	v19 =	vld [tilespmem:s21+$0x10]  }
0x2e1: {  	v27 =	vld [tilespmem:s31+$0x10];
	v16 =	vmul.f32 v16, v6  }
0x2e2: {  	v57 =	vld [tilespmem:s0+$0x10]  }
0x2e3: {  	v56 =	vld [tilespmem:s24+$0x10];
	[tilespmem:s25+$0xA0] =	vst v16  }
0x2e4: {  	v17 =	vadd.f32 v54, v17;
	v58 =	vld [tilespmem:s21+$0xB0]  }
0x2e5: {  	v19 =	vadd.f32 v55, v19;
	v59 =	vld [tilespmem:s3+$0xB0]  }
0x2e6: {  	v49 =	vld [tilespmem:s11+$0xFFFFFF70];
	v16 =	vadd.f32 v53, v51;
	v17 =	vadd.f32 v27, v17  }
0x2e7: {  	v18 =	vld [tilespmem:s20+$0x30];
	v19 =	vadd.f32 v57, v19  }
0x2e8: {  	v48 =	vld [tilespmem:s11+$0x50];
	v16 =	vadd.f32 v56, v16;
	v17 =	vmul.f32 v17, v7  }
0x2e9: {  	v28 =	vld [tilespmem:s1+$0x50];
	v19 =	vmul.f32 v19, v8  }
0x2ea: {  	v60 =	vld [tilespmem:s19+$0x50];
	v16 =	vmul.f32 v16, v9;
	[tilespmem:s25+$0xFFFFFF10] =	vst v17;
	v62 =	vadd.f32 v59, v58  }
0x2eb: {  	[tilespmem:s25+$0x10] =	vst v19;
	v17 =	vld [tilespmem:s21+$0xFFFFFF20]  }
0x2ec: {  	[tilespmem:s25+$0xFFFFFF90] =	vst v16;
	v16 =	vld [tilespmem:s3+$0xFFFFFF20];
	v18 =	vadd.f32 v18, v62  }
0x2ed: {  	v30 =	vld [tilespmem:s21+$0x20]  }
0x2ee: {  	v32 =	vld [tilespmem:s31+$0x20];
	v18 =	vmul.f32 v18, v6  }
0x2ef: {  	v63 =	vld [tilespmem:s21+$0xFFFFFFA0]  }
0x2f0: {  	v22 =	vadd.f32 v28, v48;
	v19 =	vld [tilespmem:s3+$0xFFFFFFA0];
	[tilespmem:s25+$0xB0] =	vst v18  }
0x2f1: {  	v34 =	vld [tilespmem:s21+$0xC0]  }
0x2f2: {  	v16 =	vadd.f32 v16, v17;
	v18 =	vadd.f32 v60, v22;
	v17 =	vld [tilespmem:s3+$0xC0]  }
0x2f3: {  	v33 =	vld [tilespmem:s24+$0x20]  }
0x2f4: {  	v36 =	vld [tilespmem:s20+$0x40];
	v18 =	vmul.f32 v18, v5  }
0x2f5: {  	v31 =	vld [tilespmem:s3+$0x20];
	v16 =	vadd.f32 v32, v16  }
0x2f6: {  	v35 =	vld [tilespmem:s0+$0x20];
	v19 =	vadd.f32 v19, v63;
	[tilespmem:s18+$0x50] =	vst v18  }
0x2f7: {  	v16 =	vmul.f32 v16, v7;
	v38 =	vld [tilespmem:s11+$0x60];
	v17 =	vadd.f32 v17, v34  }
0x2f8: {  	v19 =	vadd.f32 v33, v19;
	v39 =	vld [tilespmem:s1+$0x60]  }
0x2f9: {  	[tilespmem:s25+$0xFFFFFF20] =	vst v16;
	v16 =	vld [tilespmem:s12+$0x60];
	v17 =	vadd.f32 v36, v17  }
0x2fa: {  	v19 =	vmul.f32 v19, v9;
	v48 =	vld [tilespmem:s19+$0x60]  }
0x2fb: {  	v40 =	vld [tilespmem:s21+$0xFFFFFF30];
	v17 =	vmul.f32 v17, v6  }
0x2fc: {  	[tilespmem:s25+$0xFFFFFFA0] =	vst v19;
	v19 =	vld [tilespmem:s3+$0xFFFFFF30]  }
0x2fd: {  	v18 =	vadd.f32 v31, v30;
	v44 =	vld [tilespmem:s31+$0x30];
	[tilespmem:s25+$0xC0] =	vst v17  }
0x2fe: {  	v17 =	vld [tilespmem:s21+$0xD0]  }
0x2ff: {  	v18 =	vadd.f32 v35, v18;
	v43 =	vld [tilespmem:s3+$0xD0]  }
0x300: {  	v41 =	vld [tilespmem:s21+$0xFFFFFFB0]  }
0x301: {  	v21 =	vadd.f32 v37, v61;
	v18 =	vmul.f32 v18, v8;
	v45 =	vld [tilespmem:s20+$0x50]  }
0x302: {  	v46 =	vld [tilespmem:s24+$0x30]  }
0x303: {  	[tilespmem:s25+$0x20] =	vst v18;
	v18 =	vld [tilespmem:s3+$0xFFFFFFB0];
	v16 =	vadd.f32 v16, v21;
	v20 =	vadd.f32 v39, v38  }
0x304: {  	v42 =	vld [tilespmem:s21+$0x30];
	v17 =	vadd.f32 v43, v17  }
0x305: {  	v29 =	vld [tilespmem:s3+$0x30];
	v16 =	vmul.f32 v16, v4;
	v20 =	vadd.f32 v48, v20  }
0x306: {  	v19 =	vadd.f32 v19, v40;
	v47 =	vld [tilespmem:s0+$0x30];
	v17 =	vadd.f32 v45, v17  }
0x307: {  	[tilespmem:s18+$0xFFFFFFE0] =	vst v16;
	v16 =	vld [tilespmem:s1+$0xFFFFFF70];
	v20 =	vmul.f32 v20, v5  }
0x308: {  	v19 =	vadd.f32 v44, v19;
	v18 =	vadd.f32 v18, v41;
	v50 =	vld [tilespmem:s11+$0xFFFFFFF0];
	v17 =	vmul.f32 v17, v6  }
0x309: {  	v51 =	vld [tilespmem:s1+$0xFFFFFFF0];
	[tilespmem:s18+$0x60] =	vst v20  }
0x30a: {  	v19 =	vmul.f32 v19, v7;
	v18 =	vadd.f32 v46, v18;
	v60 =	vld [tilespmem:s11+$0x70];
	[tilespmem:s25+$0xD0] =	vst v17  }
0x30b: {  	v17 =	vld [tilespmem:s21+$0xE0]  }
0x30c: {  	[tilespmem:s25+$0xFFFFFF30] =	vst v19;
	v19 =	vadd.f32 v29, v42;
	v18 =	vmul.f32 v18, v9;
	v53 =	vld [tilespmem:s3+$0xE0]  }
0x30d: {  	v52 =	vld [tilespmem:s21+$0xFFFFFF40]  }
0x30e: {  	v19 =	vadd.f32 v47, v19;
	[tilespmem:s25+$0xFFFFFFB0] =	vst v18;
	v18 =	vld [tilespmem:s20+$0x60]  }
0x30f: {  	v54 =	vld [tilespmem:s3+$0xFFFFFF40]  }
0x310: {  	v58 =	vld [tilespmem:s31+$0x40];
	v19 =	vmul.f32 v19, v8  }
0x311: {  	v55 =	vld [tilespmem:s21+$0xFFFFFFC0];
	v17 =	vadd.f32 v53, v17  }
0x312: {  	[tilespmem:s25+$0x30] =	vst v19;
	v19 =	vld [tilespmem:s3+$0xFFFFFFC0]  }
0x313: {  	v56 =	vld [tilespmem:s21+$0x40];
	v17 =	vadd.f32 v18, v17  }
0x314: {  	v57 =	vld [tilespmem:s3+$0x40]  }
0x315: {  	v13 =	vadd.f32 v14, v13;
	v18 =	vld [tilespmem:s24+$0x40];
	v17 =	vmul.f32 v17, v6  }
0x316: {  	v21 =	vadd.f32 v54, v52;
	v59 =	vld [tilespmem:s0+$0x40]  }
0x317: {  	v12 =	vadd.f32 v12, v13;
	v13 =	vadd.f32 v16, v49;
	[tilespmem:s25+$0xE0] =	vst v17;
	v17 =	vld [tilespmem:s1+$0x70]  }
0x318: {  	v14 =	vadd.f32 v19, v55;
	v19 =	vadd.f32 v58, v21;
	v61 =	vld [tilespmem:s21+$0xF0]  }
0x319: {  	v12 =	vmul.f32 v12, v10;
	v13 =	vadd.f32 v15, v13;
	v16 =	vadd.f32 v57, v56;
	v62 =	vld [tilespmem:s3+$0xF0]  }
0x31a: {  	v14 =	vadd.f32 v18, v14;
	v18 =	vmul.f32 v19, v7;
	v19 =	vld [tilespmem:s12+$0x70]  }
0x31b: {  	[tilespmem:s18+$0xF0] =	vst v12;
	v11 =	vmul.f32 v13, v11;
	v15 =	vadd.f32 v59, v16;
	v63 =	vld [tilespmem:s20+$0x70]  }
0x31c: {  	v10 =	vld [tilespmem:s19+$0x70];
	v16 =	vmul.f32 v14, v9;
	[tilespmem:s25+$0xFFFFFF40] =	vst v18  }
0x31d: {  	v12 =	vadd.f32 v51, v50;
	[tilespmem:s18+$0xFFFFFF70] =	vst v11;
	v13 =	vmul.f32 v15, v8;
	v14 =	vld [tilespmem:s21+$0xFFFFFF50]  }
0x31e: {  	[tilespmem:s25+$0xFFFFFFC0] =	vst v16;
	v16 =	vld [tilespmem:s3+$0xFFFFFF50];
	v18 =	vadd.f32 v62, v61  }
0x31f: {  	s13 =	sadd.s32 $0x1, s13;
	s6 =	simm.s32 $0x9800;
	s11 =	simm.s32 $0x4;
	[tilespmem:s25+$0x40] =	vst v13;
	v11 =	vadd.f32 v17, v60;
	v15 =	vld [tilespmem:s21+$0xFFFFFFD0];
	v13 =	vadd.f32 v19, v12  }
0x320: {  	s19 =	simm.s32 $0x400;
	s1 =	simm.s32 $0xAE00;
	s12 =	simm.s32 $0x800;
	v17 =	vld [tilespmem:s3+$0xFFFFFFD0];
	v12 =	vadd.f32 v63, v18  }
.LBB2_5:
0x321: {  	s5 =	sand.u32 $0x3800, s12;
	s10 =	sadd.s32 $0x180, s19;
	v18 =	vld [tilespmem:s6+$0x80];
	s3 =	sadd.s32 $0x200, s3;
	v13 =	vmul.f32 v13, v4;
	v10 =	vadd.f32 v10, v11;
	v4 =	vmov v9  }
0x322: {  	s15 =	sadd.s32 $0x80, s19;
	s5 =	sor.u32 $0xC300, s5;
	v9 =	vld [tilespmem:s3+$0x80];
	s10 =	sand.u32 $0x380, s10;
	v6 =	vmul.f32 v12, v6  }
0x323: {  	s17 =	sadd.s32 $0x100, s19;
	s15 =	sand.u32 $0x280, s15;
	v11 =	vld [tilespmem:s6+$0xFFFFFF00];
	s10 =	sadd.s32 s10, s5;
	v12 =	vadd.f32 v16, v14;
	[tilespmem:s18+$0xFFFFFFF0] =	vst v13;
	v10 =	vmul.f32 v10, v5;
	v5 =	vmov v8  }
0x324: {  	s20 =	sand.u32 $0x200, s19;
	s16 =	sadd.s32 s15, s5;
	s15 =	sand.u32 $0x300, s17;
	v8 =	vld [tilespmem:s10+$0x0];
	[tilespmem:s25+$0xF0] =	vst v6  }
0x325: {  	s2 =	sadd.s32 $0x200, s2;
	s17 =	sadd.s32 s20, s5;
	s15 =	sadd.s32 s15, s5;
	v13 =	vld [tilespmem:s3+$0xFFFFFF00];
	v14 =	vadd.f32 v17, v15;
	[tilespmem:s18+$0x70] =	vst v10  }
0x326: {  	s18 =	smov.u32 s25;
	v6 =	vld [tilespmem:s2+$0x80]  }
0x327: {  	v10 =	vld [tilespmem:s6+$0xFFFFFF80];
	v9 =	vadd.f32 v9, v18  }
0x328: {  	s11 =	sadd.s32 $0x4, s11;
	v15 =	vld [tilespmem:s3+$0xFFFFFF80]  }
0x329: {  	p1 =	slt.u32 s11, $0x2C;
	v16 =	vld [tilespmem:s6+$0x0];
	v8 =	vadd.f32 v8, v9  }
0x32a: {  	v9 =	vadd.f32 v13, v11;
	v11 =	vld [tilespmem:s3+$0x0]  }
0x32b: {  	v13 =	vld [tilespmem:s17+$0x0];
	v8 =	vmul.f32 v8, v6  }
0x32c: {  	s25 =	sadd.s32 $0x200, s25;
	v17 =	vld [tilespmem:s16+$0x0]  }
0x32d: {  	v10 =	vadd.f32 v15, v10;
	v15 =	vld [tilespmem:s15+$0x0];
	[tilespmem:s25+$0x80] =	vst v8  }
0x32e: {  	v18 =	vld [tilespmem:s6+$0x90]  }
0x32f: {  	v11 =	vadd.f32 v11, v16;
	v16 =	vld [tilespmem:s3+$0x90]  }
0x330: {  	v13 =	vadd.f32 v13, v9;
	v9 =	vld [tilespmem:s2+$0xFFFFFF80]  }
0x331: {  	v17 =	vadd.f32 v17, v10;
	v19 =	vld [tilespmem:s10+$0x10]  }
0x332: {  	v8 =	vld [tilespmem:s2+$0x0];
	v11 =	vadd.f32 v15, v11  }
0x333: {  	v10 =	vld [tilespmem:s2+$0xFFFFFF00]  }
0x334: {  	v15 =	vadd.f32 v16, v18;
	v16 =	vld [tilespmem:s21+$0x50]  }
0x335: {  	v17 =	vmul.f32 v17, v9;
	v18 =	vld [tilespmem:s1+$0x50]  }
0x336: {  	v15 =	vadd.f32 v19, v15;
	v19 =	vld [tilespmem:s31+$0x50]  }
0x337: {  	[tilespmem:s25+$0xFFFFFF80] =	vst v17;
	v11 =	vmul.f32 v11, v8;
	v17 =	vld [tilespmem:s24+$0x50]  }
0x338: {  	v13 =	vmul.f32 v13, v10;
	v20 =	vld [tilespmem:s6+$0xFFFFFF90];
	v15 =	vmul.f32 v15, v6  }
0x339: {  	v21 =	vld [tilespmem:s3+$0xFFFFFF90];
	[tilespmem:s25+$0x0] =	vst v11  }
0x33a: {  	v11 =	vld [tilespmem:s6+$0x10];
	[tilespmem:s25+$0x90] =	vst v15;
	v15 =	vadd.f32 v18, v16  }
0x33b: {  	[tilespmem:s25+$0xFFFFFF00] =	vst v13;
	v13 =	vld [tilespmem:s6+$0xA0];
	v12 =	vadd.f32 v19, v12  }
0x33c: {  	v16 =	vld [tilespmem:s3+$0xA0];
	v14 =	vadd.f32 v17, v14  }
0x33d: {  	v17 =	vld [tilespmem:s6+$0xFFFFFF10];
	v12 =	vmul.f32 v12, v7  }
0x33e: {  	v18 =	vadd.f32 v21, v20;
	v19 =	vld [tilespmem:s10+$0x20];
	v14 =	vmul.f32 v14, v4  }
0x33f: {  	v20 =	vld [tilespmem:s3+$0xFFFFFF10];
	[tilespmem:s18+$0xFFFFFF50] =	vst v12  }
0x340: {  	v12 =	vld [tilespmem:s3+$0x10];
	[tilespmem:s18+$0xFFFFFFD0] =	vst v14  }
0x341: {  	v14 =	vld [tilespmem:s17+$0x10];
	v13 =	vadd.f32 v16, v13  }
0x342: {  	v16 =	vld [tilespmem:s16+$0x10]  }
0x343: {  	v21 =	vld [tilespmem:s15+$0x10];
	v13 =	vadd.f32 v19, v13  }
0x344: {  	v17 =	vadd.f32 v20, v17;
	v19 =	vld [tilespmem:s0+$0x50]  }
0x345: {  	v11 =	vadd.f32 v12, v11;
	v12 =	vmul.f32 v13, v6;
	v13 =	vld [tilespmem:s21+$0xFFFFFF60]  }
0x346: {  	v14 =	vadd.f32 v14, v17;
	v17 =	vld [tilespmem:s1+$0xFFFFFF60]  }
0x347: {  	v16 =	vadd.f32 v16, v18;
	[tilespmem:s25+$0xA0] =	vst v12;
	v12 =	vld [tilespmem:s21+$0xFFFFFFE0]  }
0x348: {  	v14 =	vmul.f32 v14, v10;
	v11 =	vadd.f32 v21, v11;
	v18 =	vld [tilespmem:s6+$0xB0]  }
0x349: {  	v16 =	vmul.f32 v16, v9;
	v20 =	vld [tilespmem:s3+$0xB0];
	v15 =	vadd.f32 v19, v15  }
0x34a: {  	[tilespmem:s25+$0xFFFFFF10] =	vst v14;
	v11 =	vmul.f32 v11, v8;
	v14 =	vld [tilespmem:s1+$0xFFFFFFE0]  }
0x34b: {  	[tilespmem:s25+$0xFFFFFF90] =	vst v16;
	v16 =	vld [tilespmem:s10+$0x30];
	v13 =	vadd.f32 v17, v13;
	v15 =	vmul.f32 v15, v5  }
0x34c: {  	v17 =	vld [tilespmem:s6+$0xFFFFFF20];
	[tilespmem:s25+$0x10] =	vst v11  }
0x34d: {  	v11 =	vld [tilespmem:s3+$0xFFFFFF20];
	[tilespmem:s18+$0x50] =	vst v15  }
0x34e: {  	v15 =	vld [tilespmem:s6+$0xFFFFFFA0];
	v18 =	vadd.f32 v20, v18  }
0x34f: {  	v19 =	vld [tilespmem:s3+$0xFFFFFFA0];
	v12 =	vadd.f32 v14, v12  }
0x350: {  	v14 =	vld [tilespmem:s6+$0x20];
	v16 =	vadd.f32 v16, v18  }
0x351: {  	v18 =	vld [tilespmem:s3+$0x20]  }
0x352: {  	v11 =	vadd.f32 v11, v17;
	v17 =	vld [tilespmem:s17+$0x20];
	v16 =	vmul.f32 v16, v6  }
0x353: {  	v20 =	vld [tilespmem:s16+$0x20]  }
0x354: {  	v15 =	vadd.f32 v19, v15;
	v19 =	vld [tilespmem:s15+$0x20];
	[tilespmem:s25+$0xB0] =	vst v16  }
0x355: {  	v16 =	vld [tilespmem:s6+$0xC0]  }
0x356: {  	v14 =	vadd.f32 v18, v14;
	v18 =	vld [tilespmem:s3+$0xC0]  }
0x357: {  	v11 =	vadd.f32 v17, v11;
	v17 =	vld [tilespmem:s21+$0x60]  }
0x358: {  	v15 =	vadd.f32 v20, v15;
	v20 =	vld [tilespmem:s10+$0x40]  }
0x359: {  	v11 =	vmul.f32 v11, v10;
	v14 =	vadd.f32 v19, v14;
	v19 =	vld [tilespmem:s1+$0x60]  }
0x35a: {  	v15 =	vmul.f32 v15, v9;
	v21 =	vld [tilespmem:s31+$0x60]  }
0x35b: {  	[tilespmem:s25+$0xFFFFFF20] =	vst v11;
	v11 =	vmul.f32 v14, v8;
	v14 =	vadd.f32 v18, v16;
	v16 =	vld [tilespmem:s24+$0x60]  }
0x35c: {  	v18 =	vld [tilespmem:s6+$0xFFFFFF30];
	[tilespmem:s25+$0xFFFFFFA0] =	vst v15  }
0x35d: {  	v15 =	vld [tilespmem:s3+$0xFFFFFF30];
	[tilespmem:s25+$0x20] =	vst v11;
	v11 =	vadd.f32 v20, v14  }
0x35e: {  	v14 =	vld [tilespmem:s6+$0xFFFFFFB0];
	v17 =	vadd.f32 v19, v17  }
0x35f: {  	v19 =	vld [tilespmem:s3+$0xFFFFFFB0];
	v11 =	vmul.f32 v11, v6;
	v13 =	vadd.f32 v21, v13  }
0x360: {  	v20 =	vld [tilespmem:s6+$0x30];
	v12 =	vadd.f32 v16, v12  }
0x361: {  	v16 =	vld [tilespmem:s3+$0x30];
	[tilespmem:s25+$0xC0] =	vst v11;
	v11 =	vmul.f32 v13, v7  }
0x362: {  	v13 =	vadd.f32 v15, v18;
	v15 =	vld [tilespmem:s6+$0xD0];
	v12 =	vmul.f32 v12, v4  }
0x363: {  	v18 =	vld [tilespmem:s3+$0xD0];
	[tilespmem:s18+$0xFFFFFF60] =	vst v11  }
0x364: {  	v11 =	vld [tilespmem:s17+$0x30];
	v14 =	vadd.f32 v19, v14;
	[tilespmem:s18+$0xFFFFFFE0] =	vst v12  }
0x365: {  	v12 =	vld [tilespmem:s10+$0x50]  }
0x366: {  	v19 =	vld [tilespmem:s16+$0x30];
	v16 =	vadd.f32 v16, v20  }
0x367: {  	v20 =	vld [tilespmem:s15+$0x30]  }
0x368: {  	v15 =	vadd.f32 v18, v15;
	v18 =	vld [tilespmem:s0+$0x60]  }
0x369: {  	v11 =	vadd.f32 v11, v13;
	v13 =	vld [tilespmem:s21+$0xFFFFFF70]  }
0x36a: {  	v12 =	vadd.f32 v12, v15;
	v15 =	vld [tilespmem:s1+$0xFFFFFF70]  }
0x36b: {  	v11 =	vmul.f32 v11, v10;
	v14 =	vadd.f32 v19, v14;
	v19 =	vld [tilespmem:s21+$0xFFFFFFF0]  }
0x36c: {  	v16 =	vadd.f32 v20, v16;
	v12 =	vmul.f32 v12, v6;
	v20 =	vld [tilespmem:s1+$0xFFFFFFF0]  }
0x36d: {  	[tilespmem:s25+$0xFFFFFF30] =	vst v11;
	v11 =	vmul.f32 v14, v9;
	v14 =	vld [tilespmem:s31+$0x70];
	v17 =	vadd.f32 v18, v17;
	s31 =	smov.u32 s17  }
0x36e: {  	v18 =	vld [tilespmem:s6+$0xFFFFFF40];
	v16 =	vmul.f32 v16, v8;
	[tilespmem:s25+$0xD0] =	vst v12  }
0x36f: {  	[tilespmem:s25+$0xFFFFFFB0] =	vst v11;
	v11 =	vld [tilespmem:s6+$0xE0];
	v12 =	vadd.f32 v15, v13;
	v13 =	vmul.f32 v17, v5  }
0x370: {  	[tilespmem:s25+$0x30] =	vst v16;
	v15 =	vld [tilespmem:s3+$0xE0]  }
0x371: {  	v16 =	vld [tilespmem:s3+$0xFFFFFF40];
	v17 =	vadd.f32 v20, v19;
	[tilespmem:s18+$0x60] =	vst v13  }
0x372: {  	v13 =	vld [tilespmem:s10+$0x60];
	v12 =	vadd.f32 v14, v12  }
0x373: {  	v14 =	vld [tilespmem:s6+$0xFFFFFFC0]  }
0x374: {  	v19 =	vld [tilespmem:s3+$0xFFFFFFC0];
	v12 =	vmul.f32 v12, v7;
	v7 =	vmov v10  }
0x375: {  	v10 =	vld [tilespmem:s6+$0x40];
	v11 =	vadd.f32 v15, v11  }
0x376: {  	v15 =	vadd.f32 v16, v18;
	v16 =	vld [tilespmem:s3+$0x40];
	[tilespmem:s18+$0xFFFFFF70] =	vst v12  }
0x377: {  	v12 =	vld [tilespmem:s31+$0x40];
	v11 =	vadd.f32 v13, v11  }
0x378: {  	v13 =	vld [tilespmem:s16+$0x40]  }
0x379: {  	v14 =	vadd.f32 v19, v14;
	v18 =	vld [tilespmem:s15+$0x40];
	v11 =	vmul.f32 v11, v6  }
0x37a: {  	v19 =	vld [tilespmem:s21+$0x70];
	s21 =	smov.u32 s6  }
0x37b: {  	v10 =	vadd.f32 v16, v10;
	[tilespmem:s25+$0xE0] =	vst v11;
	v11 =	vld [tilespmem:s1+$0x70];
	s1 =	smov.u32 s3  }
0x37c: {  	v12 =	vadd.f32 v12, v15;
	v15 =	vld [tilespmem:s6+$0xF0]  }
0x37d: {  	v13 =	vadd.f32 v13, v14;
	v20 =	vld [tilespmem:s3+$0xF0]  }
0x37e: {  	v12 =	vmul.f32 v12, v7;
	v10 =	vadd.f32 v18, v10;
	v18 =	vld [tilespmem:s24+$0x70];
	s24 =	smov.u32 s16  }
0x37f: {  	v13 =	vmul.f32 v13, v9;
	v21 =	vld [tilespmem:s10+$0x70]  }
.Ltmp1:
0x380: {  	[tilespmem:s25+$0xFFFFFF40] =	vst v12;
	v12 =	vmul.f32 v10, v8;
	v11 =	vadd.f32 v11, v19;
	v10 =	vld [tilespmem:s0+$0x70];
	s0 =	smov.u32 s15;
	(pc) =	sbr.rel @p1 .LBB2_5-.Ltmp1, $4  }
0x381: {  	v14 =	vld [tilespmem:s6+$0xFFFFFF50];
	[tilespmem:s25+$0xFFFFFFC0] =	vst v13  }
0x382: {  	v16 =	vld [tilespmem:s3+$0xFFFFFF50];
	[tilespmem:s25+$0x40] =	vst v12;
	v12 =	vadd.f32 v20, v15  }
0x383: {  	v15 =	vld [tilespmem:s6+$0xFFFFFFD0];
	v13 =	vadd.f32 v18, v17  }
0x384: {  	s12 =	sadd.s32 $0x400, s12;
	s19 =	sadd.s32 $0x200, s19;
	s6 =	sadd.s32 $0x200, s6;
	v17 =	vld [tilespmem:s3+$0xFFFFFFD0];
	v12 =	vadd.f32 v21, v12  }
0x385: {  	v18 =	vld [tilespmem:s31+$0x50];
	_ =	sdelay $0x1  }
0x386: {  	v19 =	vld [tilespmem:s21+$0x50]  }
0x387: {  	v20 =	vld [tilespmem:s24+$0x50];
	v14 =	vadd.f32 v16, v14  }
0x388: {  	v45 =	vld [tilespmem:s1+$0x50]  }
0x389: {  	v14 =	vadd.f32 v18, v14  }
0x38a: {  	v46 =	vld [tilespmem:s0+$0x50];
	v15 =	vadd.f32 v17, v15  }
0x38b: {  	v14 =	vmul.f32 v14, v7  }
0x38c: {  	v15 =	vadd.f32 v20, v15  }
0x38d: {  	v16 =	vadd.f32 v45, v19;
	[tilespmem:s25+$0xFFFFFF50] =	vst v14  }
0x38e: {  	v15 =	vmul.f32 v15, v9;
	v14 =	vld [tilespmem:s21+$0xFFFFFF60]  }
0x38f: {  	v16 =	vadd.f32 v46, v16;
	v47 =	vld [tilespmem:s1+$0xFFFFFF60]  }
0x390: {  	[tilespmem:s25+$0xFFFFFFD0] =	vst v15;
	v50 =	vld [tilespmem:s31+$0x60]  }
0x391: {  	v16 =	vmul.f32 v16, v8;
	v48 =	vld [tilespmem:s21+$0xFFFFFFE0]  }
0x392: {  	v49 =	vld [tilespmem:s1+$0xFFFFFFE0]  }
0x393: {  	[tilespmem:s25+$0x50] =	vst v16;
	v52 =	vld [tilespmem:s24+$0x60]  }
0x394: {  	v51 =	vld [tilespmem:s21+$0x60]  }
0x395: {  	v53 =	vld [tilespmem:s1+$0x60];
	v14 =	vadd.f32 v47, v14;
	_ =	sdelay $0x1  }
0x396: {  	v54 =	vld [tilespmem:s0+$0x60];
	v14 =	vadd.f32 v50, v14  }
0x397: {  	v17 =	vadd.f32 v49, v48  }
0x398: {  	v14 =	vmul.f32 v14, v7  }
0x399: {  	v15 =	vadd.f32 v53, v51;
	v17 =	vadd.f32 v52, v17  }
0x39a: {  	[tilespmem:s25+$0xFFFFFF60] =	vst v14  }
0x39b: {  	v15 =	vadd.f32 v54, v15;
	v17 =	vmul.f32 v17, v9;
	v14 =	vld [tilespmem:s21+$0xFFFFFF70]  }
0x39c: {  	v55 =	vld [tilespmem:s1+$0xFFFFFF70]  }
0x39d: {  	v15 =	vmul.f32 v15, v8;
	[tilespmem:s25+$0xFFFFFFE0] =	vst v17;
	v57 =	vld [tilespmem:s31+$0x70]  }
0x39e: {  	v17 =	vld [tilespmem:s21+$0xFFFFFFF0]  }
0x39f: {  	v56 =	vld [tilespmem:s1+$0xFFFFFFF0];
	[tilespmem:s25+$0x60] =	vst v15  }
0x3a0: {  	v15 =	vld [tilespmem:s21+$0x70]  }
0x3a1: {  	v58 =	vld [tilespmem:s1+$0x70]  }
0x3a2: {  	v21 =	vld [tilespmem:s24+$0x70]  }
0x3a3: {  	v22 =	vld [tilespmem:s0+$0x70]  }
0x3a4: {  	v14 =	vadd.f32 v55, v14  }
0x3a5: {  	v4 =	vmul.f32 v13, v4;
	v10 =	vadd.f32 v10, v11;
	v59 =	vadd.f32 v56, v17  }
0x3a6: {  	v6 =	vmul.f32 v12, v6;
	v60 =	vadd.f32 v57, v14;
	v61 =	vadd.f32 v58, v15  }
0x3a7: {  	[tilespmem:s18+$0xFFFFFFF0] =	vst v4;
	v4 =	vmul.f32 v10, v5;
	v5 =	vadd.f32 v21, v59  }
0x3a8: {  	[tilespmem:s25+$0xF0] =	vst v6;
	v62 =	vmul.f32 v60, v7;
	v63 =	vadd.f32 v22, v61  }
0x3a9: {  	[tilespmem:s18+$0x70] =	vst v4;
	v4 =	vmul.f32 v5, v9  }
0x3aa: {  	[tilespmem:s25+$0xFFFFFF70] =	vst v62;
	v5 =	vmul.f32 v63, v8  }
0x3ab: {  	[tilespmem:s25+$0xFFFFFFF0] =	vst v4  }
0x3ac: {  	s28 =	rddreg [dreg:$0x2];
	s2 =	simm.s32 $0xF300;
	s31 =	simm.s32 $0x9280;
	[tilespmem:s25+$0x70] =	vst v5  }
0x3ad: {  	[spmem:s28] =	stream.indirect.scatter.add.f32 [tilespmem:s2], [sflag:$0xA], $0x80, s31, s30, $0xb8;
	[tilespmem:$0x1EE80] =	vst v63  }
0x3ae: {  	s0 =	rddreg [dreg:$0xf]  }
0x3af: {  	s0 =	sadd.s32 @!p0 s26, s0  }
0x3b0: {  	s0 =	sshrl.u32 @!p0 s0, $0x3  }
0x3b1: {  	s3 =	simm.s32 @!p0 $0x9180;
	s2 =	simm.s32 @!p0 $0x0;
	s1 =	sadd.s32 @!p0 s8, s0  }
0x3b2: {  	[tilespmem:s3], [sflag:$0xB] =	stream.linear.gather @!p0 [hbm4b:s1+s2], $0x30, $0x38;
	[tilespmem:$0x1EE80] =	vst v63  }
0x3b3: {  	p1 =	sne.s32 @!p0 s13, $0xD1;
	s0 =	sadd.s32 @!p0 s9, s0;
	s1 =	simm.s32 @!p0 $0x9200  }
0x3b4: {  	[tilespmem:s1], [sflag:$0xC] =	stream.linear.gather @!p0 [hbm4b:s0+s2], $0x30, $0x38;
	[tilespmem:$0x1EE80] =	vst v63  }
0x3b5: {  	p0 =	por p0, !p1  }
.Ltmp2:
0x3b6: {  	_ = 	snop;
	(pc) =	sbr.rel @!p0 .LBB2_2-.Ltmp2, $1  }
0x3b7: {  	_ =	sdelay $0x3  }
0x3b8: {  	s0 =	simm.s32 $0x4  }
0x3b9: {  	_ =	swait.ge [sflag:s0], $0x1800  }
0x3ba: {  	[sflag:s0] =	ssyncset.done $0x0  }
0x3bb: {  	s25 =	simm.s32 $0xA;
	[sflag:s0] =	ssyncadd.s32 $0xFFFFE800  }
0x3bc: {  	_ =	swait.ge [sflag:s25], $0x1800  }
0x3bd: {  	[sflag:s25] =	ssyncset.done $0x0  }
0x3be: {  	[sflag:s25] =	ssyncadd.s32 $0xFFFFE800  }
0x3bf: {  	[bflag:$0x0] =	sbarrier.arrive $0xFFFF  }
0x3c0: {  	s26 =	rddreg [dreg:$0x10]  }
0x3c1: {  	s3 =	rddreg [dreg:$0x12]  }
0x3c2: {  	s2 =	simm.s32 $0xD;
	s1 =	rddreg [dreg:$0x14]  }
0x3c3: {  	[hbm:s26], [sflag:s3] =	dma.local [spmem:s1], $0x1480  }
0x3c4: {  	_ =	swait.ge [sflag:s2], $0x1480  }
0x3c5: {  	s28 =	rddreg [dreg:$0x13]  }
0x3c6: {  	s31 =	rddreg [dreg:$0x11];
	s1 =	sadd.s32 $0x1, s28  }
0x3c7: {  	p0 =	sne.s32 s1, s31  }
.Ltmp3:
0x3c8: {  	_ = 	snop;
	(pc) =	sbr.rel @p0 .LBB2_1-.Ltmp3, $3  }
0x3c9: {  	_ =	sdelay $0x1  }
0x3ca: {  	[sflag:s2] =	ssyncset.done $0x0  }
0x3cb: {  	[sflag:s2] =	ssyncadd.s32 $0xFFFFEB80  }
0x3cc: {  	_ =	sfence.sel $0x180000  }
0x3cd: {  	[bflag:$0x0] =	sbarrier.arrive $0xFFFF  }
0x3ce: {  	_ =	strace $0x90000047  }
0x3cf: {  	s0 =	stileid.u32;
	[bflag:$0x2] =	sbarrier.arrive $0xFFFF  }
0x3d0: {  	p0 =	sne.s32 s0, $0x0;
	s0 =	rddreg [dreg:$0x3]  }
0x3d1: {  	s0 =	sadd.s32 @!p0 $0x100000, s0  }
0x3d2: {  	[sflag:s0] =	ssyncadd.tile.s32 @!p0 $0x1;
	_ =	shalt  }
.Lfunc_end2:
_tile_overlayer_lowered:
.L_overlay_start_2:
0x3d3: {  	(tag) =	ssettag $0x2  }
0x3d4: {  	s0 =	rddreg [dreg:$0x0];
	s2 =	stileid.u32  }
0x3d5: {  	s1 =	rddreg [dreg:$0x1];
	p0 =	sne.s32 s2, $0x0  }
0x3d6: {  	s3 =	rddreg [dreg:$0x2];
	[bflag:$0x3] =	sbarrier.arrive $0xFFFF;
	s2 =	simm.s32 @!p0 $0x1C0D  }
0x3d7: {  	[timem:s3], [sflag:s2] =	dma.local @!p0 [hbm:s0], s1  }
0x3d8: {  	s0 =	simm.s32 @!p0 $0xD  }
0x3d9: {  	_ =	swait.ge @!p0 [sflag:s0], s1  }
0x3da: {  	s1 =	ssub.s32 @!p0 $0x0, s1;
	[sflag:s0] =	ssyncset.done @!p0 $0x0  }
0x3db: {  	[sflag:s0] =	ssyncadd.s32 @!p0 s1  }
0x3dc: {  	[bflag:$0x3] =	sbarrier.arrive $0xFFFF  }
0x3dd: {  	_ =	shalt  }

</sc_bundles>
